<compile_context>
chip_gen: v7x
topology: tpu7x:2x2x1
jax: 0.10.2.dev20260603
libtpu: 0.0.44.dev20260713+nightly
codegen_flags: <defaults>
</compile_context>

<pallas_src>
import functools

import jax
import jax.numpy as jnp
from jax import lax
from jax.experimental import pallas as pl
from jax.experimental.pallas import tpu as pltpu
from jax.experimental.pallas import tpu_sc as plsc

N = 10000
E = 320000
D = 128
DH = D // 2

NC = 2
NS = 16
NW = NC * NS

NP = 10240
STRIPE = NP // NS

CHUNK = 128
NCHUNK = 80
BLK = 32
R0 = 128
R1 = 32
EROWS = NW * NCHUNK
EPAD = EROWS * CHUNK

_mesh = plsc.VectorSubcoreMesh(
    core_axis_name="c", subcore_axis_name="s", num_cores=NC, num_subcores=NS
)


@functools.partial(
    pl.kernel,
    out_type=jax.ShapeDtypeStruct((NC, NP), jnp.float32),
    mesh=_mesh,
    scratch_types=[
        pltpu.VMEM((NCHUNK, CHUNK), jnp.int32),
        pltpu.VMEM((CHUNK,), jnp.float32),
        pltpu.VMEM_SHARED((NP,), jnp.float32),
    ],
)
def _sc_degree(dst2d_hbm, zeros1_hbm, out_hbm, didx_v, ones_v, deg_sh):
    cid = lax.axis_index("c")
    sid = lax.axis_index("s")
    wid = cid * NS + sid
    ones = jnp.ones((16,), jnp.float32)

    @pl.loop(0, CHUNK // 16)
    def _fill(t):
        ones_v[pl.ds(t * 16, 16)] = ones

    pltpu.sync_copy(zeros1_hbm.at[pl.ds(sid * STRIPE, STRIPE)],
                    deg_sh.at[pl.ds(sid * STRIPE, STRIPE)])
    pltpu.sync_copy(dst2d_hbm.at[pl.ds(wid * NCHUNK, NCHUNK)], didx_v)

    plsc.subcore_barrier()

    @pl.loop(0, NCHUNK)
    def _accum(j):
        pltpu.sync_copy(ones_v, deg_sh.at[didx_v.at[j]], add=True)

    plsc.subcore_barrier()

    pltpu.sync_copy(deg_sh.at[pl.ds(sid * STRIPE, STRIPE)],
                    out_hbm.at[cid, pl.ds(sid * STRIPE, STRIPE)])


@functools.partial(
    pl.kernel,
    out_type=jax.ShapeDtypeStruct((NC, NP, D), jnp.float32),
    mesh=_mesh,
    scratch_types=[
        pltpu.VMEM((BLK, CHUNK), jnp.int32),
        pltpu.VMEM((BLK, CHUNK), jnp.int32),
        pltpu.VMEM((CHUNK, D), jnp.float32),
        pltpu.VMEM((CHUNK, D), jnp.float32),
        pltpu.VMEM_SHARED((NP, D), jnp.float32),
        pltpu.SemaphoreType.DMA,
        pltpu.SemaphoreType.DMA,
    ],
)
def _sc_scatter(hs_hbm, src2d_hbm, dst2d_hbm, zeros_hbm, out_hbm,
                sidx_v, didx_v, rows0_v, rows1_v, acc_sh, sem0, sem1):
    cid = lax.axis_index("c")
    sid = lax.axis_index("s")

    pltpu.sync_copy(zeros_hbm.at[pl.ds(sid * STRIPE, STRIPE)],
                    acc_sh.at[pl.ds(sid * STRIPE, STRIPE)])

    plsc.subcore_barrier()

    base_rows = jnp.where(cid == 0, sid * R0, NS * R0 + sid * R1)
    nblk = jnp.where(cid == 0, R0 // BLK, R1 // BLK)

    @pl.loop(0, nblk)
    def _block(t):
        base = base_rows + t * BLK
        pltpu.sync_copy(src2d_hbm.at[pl.ds(base, BLK)], sidx_v)
        pltpu.sync_copy(dst2d_hbm.at[pl.ds(base, BLK)], didx_v)

        pltpu.async_copy(hs_hbm.at[sidx_v.at[0]], rows0_v, sem0)

        @pl.loop(0, BLK // 2 - 1)
        def _edges(i):
            j = 2 * i
            pltpu.async_copy(hs_hbm.at[sidx_v.at[j + 1]], rows1_v, sem1)
            pltpu.make_async_copy(hs_hbm.at[sidx_v.at[j]], rows0_v,
                                  sem0).wait()
            pltpu.sync_copy(rows0_v, acc_sh.at[didx_v.at[j]], add=True)
            pltpu.async_copy(hs_hbm.at[sidx_v.at[j + 2]], rows0_v, sem0)
            pltpu.make_async_copy(hs_hbm.at[sidx_v.at[j + 1]], rows1_v,
                                  sem1).wait()
            pltpu.sync_copy(rows1_v, acc_sh.at[didx_v.at[j + 1]], add=True)

        jl = BLK - 2
        pltpu.async_copy(hs_hbm.at[sidx_v.at[jl + 1]], rows1_v, sem1)
        pltpu.make_async_copy(hs_hbm.at[sidx_v.at[jl]], rows0_v, sem0).wait()
        pltpu.sync_copy(rows0_v, acc_sh.at[didx_v.at[jl]], add=True)
        pltpu.make_async_copy(hs_hbm.at[sidx_v.at[jl + 1]], rows1_v,
                              sem1).wait()
        pltpu.sync_copy(rows1_v, acc_sh.at[didx_v.at[jl + 1]], add=True)

    plsc.subcore_barrier()

    pltpu.sync_copy(acc_sh.at[pl.ds(sid * STRIPE, STRIPE)],
                    out_hbm.at[cid, pl.ds(sid * STRIPE, STRIPE)])


RB = 512
NG = NP // RB


def _tc_prep_body(deg_ref, x_ref, w_ref, b_ref, dis_ref, hs_ref):
    cnt = jnp.sum(deg_ref[...], axis=0)
    dis = lax.rsqrt(cnt + 1.0).reshape(RB, 1)
    dis_ref[...] = dis
    h = jnp.dot(x_ref[...], w_ref[...], preferred_element_type=jnp.float32)
    hs_ref[...] = (h + b_ref[...]) * dis


def _tc_prep(deg_p, x, w_enc, b_enc):
    return pl.pallas_call(
        _tc_prep_body,
        grid=(NG,),
        in_specs=[
            pl.BlockSpec((NC, RB), lambda i: (0, i)),
            pl.BlockSpec((RB, D), lambda i: (i, 0)),
            pl.BlockSpec((D, D), lambda i: (0, 0)),
            pl.BlockSpec((1, D), lambda i: (0, 0)),
        ],
        out_specs=[
            pl.BlockSpec((RB, 1), lambda i: (i, 0)),
            pl.BlockSpec((RB, D), lambda i: (i, 0)),
        ],
        out_shape=[
            jax.ShapeDtypeStruct((NP, 1), jnp.float32),
            jax.ShapeDtypeStruct((NP, D), jnp.float32),
        ],
    )(deg_p, x, w_enc, b_enc)


def _agg(p_ref, hs_ref, dis_ref):
    agg = p_ref[0] + p_ref[1] + hs_ref[...]
    return agg * dis_ref[...]


def _tc_mid_body(p_ref, hs_ref, dis_ref, w_ref, b_ref, out_ref):
    agg = _agg(p_ref, hs_ref, dis_ref)
    h = jnp.dot(agg, w_ref[...], preferred_element_type=jnp.float32)
    out_ref[...] = jax.nn.relu(h + b_ref[...]) * dis_ref[...]


def _tc_mid(p, hs, dis, w, b):
    return pl.pallas_call(
        _tc_mid_body,
        grid=(NG,),
        in_specs=[
            pl.BlockSpec((NC, RB, D), lambda i: (0, i, 0)),
            pl.BlockSpec((RB, D), lambda i: (i, 0)),
            pl.BlockSpec((RB, 1), lambda i: (i, 0)),
            pl.BlockSpec((D, D), lambda i: (0, 0)),
            pl.BlockSpec((1, D), lambda i: (0, 0)),
        ],
        out_specs=pl.BlockSpec((RB, D), lambda i: (i, 0)),
        out_shape=jax.ShapeDtypeStruct((NP, D), jnp.float32),
    )(p, hs, dis, w, b)


def _tc_final_body(p_ref, hs_ref, dis_ref, w_ref, b_ref, wh_ref, bh_ref,
                   out_ref):
    agg = _agg(p_ref, hs_ref, dis_ref)
    h = jnp.dot(agg, w_ref[...], preferred_element_type=jnp.float32) + b_ref[...]
    out_ref[...] = (
        jnp.dot(h, wh_ref[...], preferred_element_type=jnp.float32) + bh_ref[...]
    )


def _tc_final(p, hs, dis, w, b, wh, bh):
    return pl.pallas_call(
        _tc_final_body,
        grid=(NG,),
        in_specs=[
            pl.BlockSpec((NC, RB, D), lambda i: (0, i, 0)),
            pl.BlockSpec((RB, D), lambda i: (i, 0)),
            pl.BlockSpec((RB, 1), lambda i: (i, 0)),
            pl.BlockSpec((D, D), lambda i: (0, 0)),
            pl.BlockSpec((1, D), lambda i: (0, 0)),
            pl.BlockSpec((D, D), lambda i: (0, 0)),
            pl.BlockSpec((1, D), lambda i: (0, 0)),
        ],
        out_specs=pl.BlockSpec((RB, D), lambda i: (i, 0)),
        out_shape=jax.ShapeDtypeStruct((NP, D), jnp.float32),
    )(p, hs, dis, w, b, wh, bh)


@jax.jit
def kernel(x, edge_index, W_enc, b_enc, W1, b1, W2, b2, W3, b3, W_head, b_head):
    e_pad = jnp.pad(edge_index, ((0, 0), (0, EPAD - E)), constant_values=N)
    src2d = e_pad[0].reshape(EROWS, CHUNK)
    dst2d = e_pad[1].reshape(EROWS, CHUNK)
    zeros = jnp.zeros((NP, D), jnp.float32)
    zeros1 = jnp.zeros((NP,), jnp.float32)
    x_pad = jnp.pad(x, ((0, NP - N), (0, 0)))

    deg_p = _sc_degree(dst2d, zeros1)

    dis, hs = _tc_prep(deg_p, x_pad, W_enc, b_enc.reshape(1, D))

    def scatter(hs_k):
        return _sc_scatter(hs_k, src2d, dst2d, zeros)

    p = scatter(hs)
    hs = _tc_mid(p, hs, dis, W1, b1.reshape(1, D))
    p = scatter(hs)
    hs = _tc_mid(p, hs, dis, W2, b2.reshape(1, D))
    p = scatter(hs)
    out = _tc_final(p, hs, dis, W3, b3.reshape(1, D),
                    W_head, b_head.reshape(1, D))
    return out[:N]

# --- scband reference (transcript-rebuilt; emitter-appended) ---
"""Pipeline reference for scband-homo-gnnmodel-80865644249442 (READ-ONLY COPY).

The authoritative reference and input builder live on the scoring server;
editing this copy changes nothing except your own understanding.
"""

import jax, jax.numpy as jnp
import numpy as np

N = 10000
E = 320000
D = 128


def setup_inputs(seed: int = 0) -> dict:
    key = jax.random.key(seed)
    ks = jax.random.split(key, 12)
    x = jax.random.normal(ks[0], (N, D), dtype=jnp.float32)
    edge_index = jax.random.randint(ks[1], (2, E), 0, N, dtype=jnp.int32)
    s = 1.0 / np.sqrt(D)
    W_enc = jax.random.normal(ks[2], (D, D), dtype=jnp.float32) * s
    b_enc = jnp.zeros((D,), dtype=jnp.float32)
    W1 = jax.random.normal(ks[3], (D, D), dtype=jnp.float32) * s
    b1 = jnp.zeros((D,), dtype=jnp.float32)
    W2 = jax.random.normal(ks[4], (D, D), dtype=jnp.float32) * s
    b2 = jnp.zeros((D,), dtype=jnp.float32)
    W3 = jax.random.normal(ks[5], (D, D), dtype=jnp.float32) * s
    b3 = jnp.zeros((D,), dtype=jnp.float32)
    W_head = jax.random.normal(ks[6], (D, D), dtype=jnp.float32) * s
    b_head = jnp.zeros((D,), dtype=jnp.float32)
    return {"x": x, "edge_index": edge_index, "W_enc": W_enc, "b_enc": b_enc,
            "W1": W1, "b1": b1, "W2": W2, "b2": b2, "W3": W3, "b3": b3,
            "W_head": W_head, "b_head": b_head}


def _gcn_layer(h, src, dst, dis, W, b):
    # message: gather from src nodes with symmetric normalization
    m = h[src] * dis[src][:, None]
    agg = jax.ops.segment_sum(m, dst, num_segments=N)
    agg = agg * dis[:, None]
    return agg @ W + b


def reference(x, edge_index, W_enc, b_enc, W1, b1, W2, b2, W3, b3, W_head, b_head):
    loop = jnp.arange(N, dtype=edge_index.dtype)
    src = jnp.concatenate([edge_index[0], loop])
    dst = jnp.concatenate([edge_index[1], loop])
    deg = jax.ops.segment_sum(jnp.ones_like(dst, dtype=jnp.float32), dst, num_segments=N)
    dis = jax.lax.rsqrt(jnp.maximum(deg, 1.0))
    # node feature encoder
    h = x @ W_enc + b_enc
    # 3 GCN message-passing layers (layers_mp=3, dim_inner=128)
    h = jax.nn.relu(_gcn_layer(h, src, dst, dis, W1, b1))
    h = jax.nn.relu(_gcn_layer(h, src, dst, dis, W2, b2))
    h = _gcn_layer(h, src, dst, dis, W3, b3)
    # post-MP head
    out = h @ W_head + b_head
    return out

if __name__ == "__main__":
    import jax
    _d = setup_inputs()
    print(jax.jit(kernel)(*tuple(_d.values())))

</pallas_src>

<mosaic_0001>
#map = affine_map<(d0, d1) -> (0, 0)>
#map1 = affine_map<(d0, d1) -> (0, 0, 0)>
module attributes {stable_mosaic.version = 14 : i64} {
  func.func @_sc_scatter(%arg0: i32, %arg1: i32, %arg2: memref<10240x128xf32, #tpu.memory_space<hbm>>, %arg3: memref<2560x128xi32, #tpu.memory_space<hbm>>, %arg4: memref<2560x128xi32, #tpu.memory_space<hbm>>, %arg5: memref<10240x128xf32, #tpu.memory_space<hbm>>, %arg6: memref<2x10240x128xf32, #tpu.memory_space<hbm>>, %arg7: memref<32x128xi32, #tpu.memory_space<vmem>>, %arg8: memref<32x128xi32, #tpu.memory_space<vmem>>, %arg9: memref<128x128xf32, #tpu.memory_space<vmem>>, %arg10: memref<128x128xf32, #tpu.memory_space<vmem>>, %arg11: memref<10240x128xf32, #tpu.memory_space<vmem_shared>>, %arg12: memref<!tpu.dma_semaphore, #tpu.memory_space<semaphore_mem>>, %arg13: memref<!tpu.dma_semaphore, #tpu.memory_space<semaphore_mem>>) attributes {dimension_semantics = [#tpu.dimension_semantics<core_parallel>, #tpu.dimension_semantics<subcore_parallel>], iteration_bounds = array<i64: 2, 16>, scalar_prefetch = 0 : i64, scratch_operands = 7 : i64, tpu.core_type = #tpu.core_type<sc_vector_subcore>, window_params = [{transform_indices = #map}, {transform_indices = #map}, {transform_indices = #map}, {transform_indices = #map}, {transform_indices = #map1}]} {
    %mul3A = arith.constant 640 : i32
    %mul3A_0 = arith.muli %arg1, %mul3A : i32
    %mul3A_1 = arith.constant 640 : i32
    %mul3A_2 = arith.muli %arg1, %mul3A_1 : i32
    "tpu.region"() ({
      %run_scoped3A = tpu.sem_alloc : memref<!tpu.dma_semaphore, #tpu.memory_space<semaphore_mem>>
      %dma_start3A = arith.constant 0 : i32
      %dma_start3A_34 = tpu.memref_slice %arg11[%mul3A_2, %dma_start3A] : memref<10240x128xf32, #tpu.memory_space<vmem_shared>> -> memref<640x128xf32, #tpu.memory_space<vmem_shared>>
      %dma_start3A_35 = arith.constant 0 : i32
      %dma_start3A_36 = tpu.memref_slice %arg5[%mul3A_0, %dma_start3A_35] : memref<10240x128xf32, #tpu.memory_space<hbm>> -> memref<640x128xf32, #tpu.memory_space<hbm>>
      tpu.enqueue_dma source(%dma_start3A_36 : memref<640x128xf32, #tpu.memory_space<hbm>>) target(%dma_start3A_34 : memref<640x128xf32, #tpu.memory_space<vmem_shared>>) target_semaphore(%run_scoped3A : memref<!tpu.dma_semaphore, #tpu.memory_space<semaphore_mem>>)
      %dma_wait3A = arith.constant 0 : i32
      %dma_wait3A_37 = tpu.memref_slice %arg11[%mul3A_2, %dma_wait3A] : memref<10240x128xf32, #tpu.memory_space<vmem_shared>> -> memref<640x128xf32, #tpu.memory_space<vmem_shared>>
      %dma_wait3A_38 = arith.constant 0 : i32
      %dma_wait3A_39 = tpu.memref_slice %arg5[%mul3A_0, %dma_wait3A_38] : memref<10240x128xf32, #tpu.memory_space<hbm>> -> memref<640x128xf32, #tpu.memory_space<hbm>>
      tpu.wait_dma2 semaphore(%run_scoped3A : memref<!tpu.dma_semaphore, #tpu.memory_space<semaphore_mem>>) src(%dma_wait3A_39 : memref<640x128xf32, #tpu.memory_space<hbm>>) dst(%dma_wait3A_37 : memref<640x128xf32, #tpu.memory_space<vmem_shared>>)
      tpu.yield
    }) : () -> ()
    %barrier3A = arith.constant 0 : index
    tpu.barrier barrier_id(%barrier3A)
    %eq3A = arith.constant 0 : i32
    %eq3A_3 = arith.cmpi eq, %arg0, %eq3A : i32
    %mul3A_4 = arith.constant 128 : i32
    %mul3A_5 = arith.muli %arg1, %mul3A_4 : i32
    %mul3A_6 = arith.constant 32 : i32
    %mul3A_7 = arith.muli %arg1, %mul3A_6 : i32
    %add3A = arith.constant 2048 : i32
    %add3A_8 = arith.addi %add3A, %mul3A_7 : i32
    %select_n3A = arith.select %eq3A_3, %mul3A_5, %add3A_8 : i32
    %eq3A_9 = arith.constant 0 : i32
    %eq3A_10 = arith.cmpi eq, %arg0, %eq3A_9 : i32
    %jit3A = arith.constant 4 : i32
    %jit3A_11 = arith.constant 1 : i32
    %select_n3A_12 = arith.select %eq3A_10, %jit3A, %jit3A_11 : i32
    %sub3A = arith.constant 0 : i32
    %sub3A_13 = arith.subi %select_n3A_12, %sub3A : i32
    %sub3A_14 = arith.constant 1 : i32
    %sub3A_15 = arith.constant 1 : i32
    %sub3A_16 = arith.subi %sub3A_14, %sub3A_15 : i32
    %add3A_17 = arith.addi %sub3A_13, %sub3A_16 : i32
    %div3A = arith.constant 1 : i32
    %div3A_18 = arith.divsi %add3A_17, %div3A : i32
    %while3A = arith.constant 1 : i32
    %while3A_19 = arith.constant 0 : i32
    %while3A_20 = arith.constant 0 : i32
    %while3A_21 = arith.subi %div3A_18, %while3A_20 : i32
    %while3A_22 = arith.addi %while3A_20, %while3A_21 : i32
    %while3A_23 = arith.constant 1 : i32
    %while3A_24 = arith.divsi %while3A_21, %while3A_23 : i32
    %while3A_25 = arith.muli %while3A_24, %while3A_23 : i32
    %while3A_26 = arith.addi %while3A_20, %while3A_25 : i32
    %while3A_27 = arith.constant 1 : i32
    scf.for %while3A_34 = %while3A_20 to %while3A_26 step %while3A_27  : i32 {
      %mul3A_35 = arith.muli %while3A_34, %while3A : i32
      %add3A_36 = arith.addi %while3A_19, %mul3A_35 : i32
      %mul3A_37 = arith.constant 32 : i32
      %mul3A_38 = arith.muli %add3A_36, %mul3A_37 : i32
      %add3A_39 = arith.addi %select_n3A, %mul3A_38 : i32
      "tpu.region"() ({
        %run_scoped3A_71 = tpu.sem_alloc : memref<!tpu.dma_semaphore, #tpu.memory_space<semaphore_mem>>
        %dma_start3A_72 = arith.constant 0 : i32
        %dma_start3A_73 = tpu.memref_slice %arg3[%add3A_39, %dma_start3A_72] : memref<2560x128xi32, #tpu.memory_space<hbm>> -> memref<32x128xi32, #tpu.memory_space<hbm>>
        %dma_start3A_74 = arith.constant 0 : i32
        %dma_start3A_75 = tpu.memref_slice %arg3[%add3A_39, %dma_start3A_74] : memref<2560x128xi32, #tpu.memory_space<hbm>> -> memref<32x128xi32, #tpu.memory_space<hbm>>
        tpu.enqueue_dma source(%dma_start3A_75 : memref<32x128xi32, #tpu.memory_space<hbm>>) target(%arg7 : memref<32x128xi32, #tpu.memory_space<vmem>>) target_semaphore(%run_scoped3A_71 : memref<!tpu.dma_semaphore, #tpu.memory_space<semaphore_mem>>)
        %dma_wait3A_76 = arith.constant 0 : i32
        %dma_wait3A_77 = tpu.memref_slice %arg3[%add3A_39, %dma_wait3A_76] : memref<2560x128xi32, #tpu.memory_space<hbm>> -> memref<32x128xi32, #tpu.memory_space<hbm>>
        %dma_wait3A_78 = arith.constant 0 : i32
        %dma_wait3A_79 = tpu.memref_slice %arg3[%add3A_39, %dma_wait3A_78] : memref<2560x128xi32, #tpu.memory_space<hbm>> -> memref<32x128xi32, #tpu.memory_space<hbm>>
        tpu.wait_dma2 semaphore(%run_scoped3A_71 : memref<!tpu.dma_semaphore, #tpu.memory_space<semaphore_mem>>) src(%dma_wait3A_79 : memref<32x128xi32, #tpu.memory_space<hbm>>) dst(%arg7 : memref<32x128xi32, #tpu.memory_space<vmem>>)
        tpu.yield
      }) : () -> ()
      "tpu.region"() ({
        %run_scoped3A_71 = tpu.sem_alloc : memref<!tpu.dma_semaphore, #tpu.memory_space<semaphore_mem>>
        %dma_start3A_72 = arith.constant 0 : i32
        %dma_start3A_73 = tpu.memref_slice %arg4[%add3A_39, %dma_start3A_72] : memref<2560x128xi32, #tpu.memory_space<hbm>> -> memref<32x128xi32, #tpu.memory_space<hbm>>
        %dma_start3A_74 = arith.constant 0 : i32
        %dma_start3A_75 = tpu.memref_slice %arg4[%add3A_39, %dma_start3A_74] : memref<2560x128xi32, #tpu.memory_space<hbm>> -> memref<32x128xi32, #tpu.memory_space<hbm>>
        tpu.enqueue_dma source(%dma_start3A_75 : memref<32x128xi32, #tpu.memory_space<hbm>>) target(%arg8 : memref<32x128xi32, #tpu.memory_space<vmem>>) target_semaphore(%run_scoped3A_71 : memref<!tpu.dma_semaphore, #tpu.memory_space<semaphore_mem>>)
        %dma_wait3A_76 = arith.constant 0 : i32
        %dma_wait3A_77 = tpu.memref_slice %arg4[%add3A_39, %dma_wait3A_76] : memref<2560x128xi32, #tpu.memory_space<hbm>> -> memref<32x128xi32, #tpu.memory_space<hbm>>
        %dma_wait3A_78 = arith.constant 0 : i32
        %dma_wait3A_79 = tpu.memref_slice %arg4[%add3A_39, %dma_wait3A_78] : memref<2560x128xi32, #tpu.memory_space<hbm>> -> memref<32x128xi32, #tpu.memory_space<hbm>>
        tpu.wait_dma2 semaphore(%run_scoped3A_71 : memref<!tpu.dma_semaphore, #tpu.memory_space<semaphore_mem>>) src(%dma_wait3A_79 : memref<32x128xi32, #tpu.memory_space<hbm>>) dst(%arg8 : memref<32x128xi32, #tpu.memory_space<vmem>>)
        tpu.yield
      }) : () -> ()
      %dma_start3A = arith.constant 0 : i32
      %dma_start3A_40 = arith.constant 0 : i32
      %dma_start3A_41 = tpu.memref_slice %arg7[%dma_start3A, %dma_start3A_40] : memref<32x128xi32, #tpu.memory_space<vmem>> -> memref<1x128xi32, #tpu.memory_space<vmem>>
      %dma_start3A_42 = tpu.memref_squeeze %dma_start3A_41 : memref<1x128xi32, #tpu.memory_space<vmem>> -> memref<128xi32, #tpu.memory_space<vmem>>
      %dma_start3A_43 = arith.constant 0 : i32
      %dma_start3A_44 = arith.constant 0 : i32
      %dma_start3A_45 = tpu.memref_slice %arg2[%dma_start3A_43, %dma_start3A_44] : memref<10240x128xf32, #tpu.memory_space<hbm>> -> memref<10240x128xf32, #tpu.memory_space<hbm>>
      tpu.enqueue_indirect_dma source(%dma_start3A_45 : memref<10240x128xf32, #tpu.memory_space<hbm>>) target(%arg9 : memref<128x128xf32, #tpu.memory_space<vmem>>) offsets(%dma_start3A_42 : memref<128xi32, #tpu.memory_space<vmem>>) semaphore(%arg12 : memref<!tpu.dma_semaphore, #tpu.memory_space<semaphore_mem>>)
      %scan3A = arith.constant 0 : i32
      %scan3A_46 = arith.constant 15 : i32
      %scan3A_47 = arith.addi %scan3A, %scan3A_46 : i32
      %scan3A_48 = arith.constant 1 : i32
      scf.for %scan3A_71 = %scan3A to %scan3A_47 step %scan3A_48  : i32 {
        %mul3A_72 = arith.constant 1 : i32
        %mul3A_73 = arith.muli %scan3A_71, %mul3A_72 : i32
        %add3A_74 = arith.constant 0 : i32
        %add3A_75 = arith.addi %add3A_74, %mul3A_73 : i32
        %mul3A_76 = arith.constant 2 : i32
        %mul3A_77 = arith.muli %mul3A_76, %add3A_75 : i32
        %add3A_78 = arith.constant 1 : i32
        %add3A_79 = arith.addi %mul3A_77, %add3A_78 : i32
        %dma_start3A_80 = arith.constant 0 : i32
        %dma_start3A_81 = tpu.memref_slice %arg7[%add3A_79, %dma_start3A_80] : memref<32x128xi32, #tpu.memory_space<vmem>> -> memref<1x128xi32, #tpu.memory_space<vmem>>
        %dma_start3A_82 = tpu.memref_squeeze %dma_start3A_81 : memref<1x128xi32, #tpu.memory_space<vmem>> -> memref<128xi32, #tpu.memory_space<vmem>>
        %dma_start3A_83 = arith.constant 0 : i32
        %dma_start3A_84 = arith.constant 0 : i32
        %dma_start3A_85 = tpu.memref_slice %arg2[%dma_start3A_83, %dma_start3A_84] : memref<10240x128xf32, #tpu.memory_space<hbm>> -> memref<10240x128xf32, #tpu.memory_space<hbm>>
        tpu.enqueue_indirect_dma source(%dma_start3A_85 : memref<10240x128xf32, #tpu.memory_space<hbm>>) target(%arg10 : memref<128x128xf32, #tpu.memory_space<vmem>>) offsets(%dma_start3A_82 : memref<128xi32, #tpu.memory_space<vmem>>) semaphore(%arg13 : memref<!tpu.dma_semaphore, #tpu.memory_space<semaphore_mem>>)
        %dma_wait3A_86 = arith.constant 0 : i32
        %dma_wait3A_87 = tpu.memref_slice %arg7[%mul3A_77, %dma_wait3A_86] : memref<32x128xi32, #tpu.memory_space<vmem>> -> memref<1x128xi32, #tpu.memory_space<vmem>>
        %dma_wait3A_88 = tpu.memref_squeeze %dma_wait3A_87 : memref<1x128xi32, #tpu.memory_space<vmem>> -> memref<128xi32, #tpu.memory_space<vmem>>
        %dma_wait3A_89 = arith.constant 0 : i32
        %dma_wait3A_90 = arith.constant 0 : i32
        %dma_wait3A_91 = tpu.memref_slice %arg2[%dma_wait3A_89, %dma_wait3A_90] : memref<10240x128xf32, #tpu.memory_space<hbm>> -> memref<10240x128xf32, #tpu.memory_space<hbm>>
        tpu.wait_indirect_dma semaphore(%arg12 : memref<!tpu.dma_semaphore, #tpu.memory_space<semaphore_mem>>) src(%dma_wait3A_91 : memref<10240x128xf32, #tpu.memory_space<hbm>>) dst(%arg9 : memref<128x128xf32, #tpu.memory_space<vmem>>)
        "tpu.region"() ({
          %run_scoped3A_110 = tpu.sem_alloc : memref<!tpu.dma_semaphore, #tpu.memory_space<semaphore_mem>>
          %dma_start3A_111 = arith.constant 0 : i32
          %dma_start3A_112 = tpu.memref_slice %arg8[%mul3A_77, %dma_start3A_111] : memref<32x128xi32, #tpu.memory_space<vmem>> -> memref<1x128xi32, #tpu.memory_space<vmem>>
          %dma_start3A_113 = tpu.memref_squeeze %dma_start3A_112 : memref<1x128xi32, #tpu.memory_space<vmem>> -> memref<128xi32, #tpu.memory_space<vmem>>
          %dma_start3A_114 = arith.constant 0 : i32
          %dma_start3A_115 = arith.constant 0 : i32
          %dma_start3A_116 = tpu.memref_slice %arg11[%dma_start3A_114, %dma_start3A_115] : memref<10240x128xf32, #tpu.memory_space<vmem_shared>> -> memref<10240x128xf32, #tpu.memory_space<vmem_shared>>
          tpu.enqueue_indirect_dma source(%arg9 : memref<128x128xf32, #tpu.memory_space<vmem>>) target(%dma_start3A_116 : memref<10240x128xf32, #tpu.memory_space<vmem_shared>>) offsets(%dma_start3A_113 : memref<128xi32, #tpu.memory_space<vmem>>) semaphore(%run_scoped3A_110 : memref<!tpu.dma_semaphore, #tpu.memory_space<semaphore_mem>>) {add = true}
          %dma_wait3A_117 = arith.constant 0 : i32
          %dma_wait3A_118 = tpu.memref_slice %arg8[%mul3A_77, %dma_wait3A_117] : memref<32x128xi32, #tpu.memory_space<vmem>> -> memref<1x128xi32, #tpu.memory_space<vmem>>
          %dma_wait3A_119 = tpu.memref_squeeze %dma_wait3A_118 : memref<1x128xi32, #tpu.memory_space<vmem>> -> memref<128xi32, #tpu.memory_space<vmem>>
          %dma_wait3A_120 = arith.constant 0 : i32
          %dma_wait3A_121 = arith.constant 0 : i32
          %dma_wait3A_122 = tpu.memref_slice %arg11[%dma_wait3A_120, %dma_wait3A_121] : memref<10240x128xf32, #tpu.memory_space<vmem_shared>> -> memref<10240x128xf32, #tpu.memory_space<vmem_shared>>
          tpu.wait_indirect_dma semaphore(%run_scoped3A_110 : memref<!tpu.dma_semaphore, #tpu.memory_space<semaphore_mem>>) src(%arg9 : memref<128x128xf32, #tpu.memory_space<vmem>>) dst(%dma_wait3A_122 : memref<10240x128xf32, #tpu.memory_space<vmem_shared>>)
          tpu.yield
        }) : () -> ()
        %add3A_92 = arith.constant 2 : i32
        %add3A_93 = arith.addi %mul3A_77, %add3A_92 : i32
        %dma_start3A_94 = arith.constant 0 : i32
        %dma_start3A_95 = tpu.memref_slice %arg7[%add3A_93, %dma_start3A_94] : memref<32x128xi32, #tpu.memory_space<vmem>> -> memref<1x128xi32, #tpu.memory_space<vmem>>
        %dma_start3A_96 = tpu.memref_squeeze %dma_start3A_95 : memref<1x128xi32, #tpu.memory_space<vmem>> -> memref<128xi32, #tpu.memory_space<vmem>>
        %dma_start3A_97 = arith.constant 0 : i32
        %dma_start3A_98 = arith.constant 0 : i32
        %dma_start3A_99 = tpu.memref_slice %arg2[%dma_start3A_97, %dma_start3A_98] : memref<10240x128xf32, #tpu.memory_space<hbm>> -> memref<10240x128xf32, #tpu.memory_space<hbm>>
        tpu.enqueue_indirect_dma source(%dma_start3A_99 : memref<10240x128xf32, #tpu.memory_space<hbm>>) target(%arg9 : memref<128x128xf32, #tpu.memory_space<vmem>>) offsets(%dma_start3A_96 : memref<128xi32, #tpu.memory_space<vmem>>) semaphore(%arg12 : memref<!tpu.dma_semaphore, #tpu.memory_space<semaphore_mem>>)
        %add3A_100 = arith.constant 1 : i32
        %add3A_101 = arith.addi %mul3A_77, %add3A_100 : i32
        %dma_wait3A_102 = arith.constant 0 : i32
        %dma_wait3A_103 = tpu.memref_slice %arg7[%add3A_101, %dma_wait3A_102] : memref<32x128xi32, #tpu.memory_space<vmem>> -> memref<1x128xi32, #tpu.memory_space<vmem>>
        %dma_wait3A_104 = tpu.memref_squeeze %dma_wait3A_103 : memref<1x128xi32, #tpu.memory_space<vmem>> -> memref<128xi32, #tpu.memory_space<vmem>>
        %dma_wait3A_105 = arith.constant 0 : i32
        %dma_wait3A_106 = arith.constant 0 : i32
        %dma_wait3A_107 = tpu.memref_slice %arg2[%dma_wait3A_105, %dma_wait3A_106] : memref<10240x128xf32, #tpu.memory_space<hbm>> -> memref<10240x128xf32, #tpu.memory_space<hbm>>
        tpu.wait_indirect_dma semaphore(%arg13 : memref<!tpu.dma_semaphore, #tpu.memory_space<semaphore_mem>>) src(%dma_wait3A_107 : memref<10240x128xf32, #tpu.memory_space<hbm>>) dst(%arg10 : memref<128x128xf32, #tpu.memory_space<vmem>>)
        %add3A_108 = arith.constant 1 : i32
        %add3A_109 = arith.addi %mul3A_77, %add3A_108 : i32
        "tpu.region"() ({
          %run_scoped3A_110 = tpu.sem_alloc : memref<!tpu.dma_semaphore, #tpu.memory_space<semaphore_mem>>
          %dma_start3A_111 = arith.constant 0 : i32
          %dma_start3A_112 = tpu.memref_slice %arg8[%add3A_109, %dma_start3A_111] : memref<32x128xi32, #tpu.memory_space<vmem>> -> memref<1x128xi32, #tpu.memory_space<vmem>>
          %dma_start3A_113 = tpu.memref_squeeze %dma_start3A_112 : memref<1x128xi32, #tpu.memory_space<vmem>> -> memref<128xi32, #tpu.memory_space<vmem>>
          %dma_start3A_114 = arith.constant 0 : i32
          %dma_start3A_115 = arith.constant 0 : i32
          %dma_start3A_116 = tpu.memref_slice %arg11[%dma_start3A_114, %dma_start3A_115] : memref<10240x128xf32, #tpu.memory_space<vmem_shared>> -> memref<10240x128xf32, #tpu.memory_space<vmem_shared>>
          tpu.enqueue_indirect_dma source(%arg10 : memref<128x128xf32, #tpu.memory_space<vmem>>) target(%dma_start3A_116 : memref<10240x128xf32, #tpu.memory_space<vmem_shared>>) offsets(%dma_start3A_113 : memref<128xi32, #tpu.memory_space<vmem>>) semaphore(%run_scoped3A_110 : memref<!tpu.dma_semaphore, #tpu.memory_space<semaphore_mem>>) {add = true}
          %dma_wait3A_117 = arith.constant 0 : i32
          %dma_wait3A_118 = tpu.memref_slice %arg8[%add3A_109, %dma_wait3A_117] : memref<32x128xi32, #tpu.memory_space<vmem>> -> memref<1x128xi32, #tpu.memory_space<vmem>>
          %dma_wait3A_119 = tpu.memref_squeeze %dma_wait3A_118 : memref<1x128xi32, #tpu.memory_space<vmem>> -> memref<128xi32, #tpu.memory_space<vmem>>
          %dma_wait3A_120 = arith.constant 0 : i32
          %dma_wait3A_121 = arith.constant 0 : i32
          %dma_wait3A_122 = tpu.memref_slice %arg11[%dma_wait3A_120, %dma_wait3A_121] : memref<10240x128xf32, #tpu.memory_space<vmem_shared>> -> memref<10240x128xf32, #tpu.memory_space<vmem_shared>>
          tpu.wait_indirect_dma semaphore(%run_scoped3A_110 : memref<!tpu.dma_semaphore, #tpu.memory_space<semaphore_mem>>) src(%arg10 : memref<128x128xf32, #tpu.memory_space<vmem>>) dst(%dma_wait3A_122 : memref<10240x128xf32, #tpu.memory_space<vmem_shared>>)
          tpu.yield
        }) : () -> ()
      }
      %scan3A_49 = arith.constant 15 : i32
      %dma_start3A_50 = arith.constant 31 : i32
      %dma_start3A_51 = arith.constant 0 : i32
      %dma_start3A_52 = tpu.memref_slice %arg7[%dma_start3A_50, %dma_start3A_51] : memref<32x128xi32, #tpu.memory_space<vmem>> -> memref<1x128xi32, #tpu.memory_space<vmem>>
      %dma_start3A_53 = tpu.memref_squeeze %dma_start3A_52 : memref<1x128xi32, #tpu.memory_space<vmem>> -> memref<128xi32, #tpu.memory_space<vmem>>
      %dma_start3A_54 = arith.constant 0 : i32
      %dma_start3A_55 = arith.constant 0 : i32
      %dma_start3A_56 = tpu.memref_slice %arg2[%dma_start3A_54, %dma_start3A_55] : memref<10240x128xf32, #tpu.memory_space<hbm>> -> memref<10240x128xf32, #tpu.memory_space<hbm>>
      tpu.enqueue_indirect_dma source(%dma_start3A_56 : memref<10240x128xf32, #tpu.memory_space<hbm>>) target(%arg10 : memref<128x128xf32, #tpu.memory_space<vmem>>) offsets(%dma_start3A_53 : memref<128xi32, #tpu.memory_space<vmem>>) semaphore(%arg13 : memref<!tpu.dma_semaphore, #tpu.memory_space<semaphore_mem>>)
      %dma_wait3A = arith.constant 30 : i32
      %dma_wait3A_57 = arith.constant 0 : i32
      %dma_wait3A_58 = tpu.memref_slice %arg7[%dma_wait3A, %dma_wait3A_57] : memref<32x128xi32, #tpu.memory_space<vmem>> -> memref<1x128xi32, #tpu.memory_space<vmem>>
      %dma_wait3A_59 = tpu.memref_squeeze %dma_wait3A_58 : memref<1x128xi32, #tpu.memory_space<vmem>> -> memref<128xi32, #tpu.memory_space<vmem>>
      %dma_wait3A_60 = arith.constant 0 : i32
      %dma_wait3A_61 = arith.constant 0 : i32
      %dma_wait3A_62 = tpu.memref_slice %arg2[%dma_wait3A_60, %dma_wait3A_61] : memref<10240x128xf32, #tpu.memory_space<hbm>> -> memref<10240x128xf32, #tpu.memory_space<hbm>>
      tpu.wait_indirect_dma semaphore(%arg12 : memref<!tpu.dma_semaphore, #tpu.memory_space<semaphore_mem>>) src(%dma_wait3A_62 : memref<10240x128xf32, #tpu.memory_space<hbm>>) dst(%arg9 : memref<128x128xf32, #tpu.memory_space<vmem>>)
      %run_scoped3A = arith.constant 30 : i32
      "tpu.region"() ({
        %run_scoped3A_71 = tpu.sem_alloc : memref<!tpu.dma_semaphore, #tpu.memory_space<semaphore_mem>>
        %dma_start3A_72 = arith.constant 0 : i32
        %dma_start3A_73 = tpu.memref_slice %arg8[%run_scoped3A, %dma_start3A_72] : memref<32x128xi32, #tpu.memory_space<vmem>> -> memref<1x128xi32, #tpu.memory_space<vmem>>
        %dma_start3A_74 = tpu.memref_squeeze %dma_start3A_73 : memref<1x128xi32, #tpu.memory_space<vmem>> -> memref<128xi32, #tpu.memory_space<vmem>>
        %dma_start3A_75 = arith.constant 0 : i32
        %dma_start3A_76 = arith.constant 0 : i32
        %dma_start3A_77 = tpu.memref_slice %arg11[%dma_start3A_75, %dma_start3A_76] : memref<10240x128xf32, #tpu.memory_space<vmem_shared>> -> memref<10240x128xf32, #tpu.memory_space<vmem_shared>>
        tpu.enqueue_indirect_dma source(%arg9 : memref<128x128xf32, #tpu.memory_space<vmem>>) target(%dma_start3A_77 : memref<10240x128xf32, #tpu.memory_space<vmem_shared>>) offsets(%dma_start3A_74 : memref<128xi32, #tpu.memory_space<vmem>>) semaphore(%run_scoped3A_71 : memref<!tpu.dma_semaphore, #tpu.memory_space<semaphore_mem>>) {add = true}
        %dma_wait3A_78 = arith.constant 0 : i32
        %dma_wait3A_79 = tpu.memref_slice %arg8[%run_scoped3A, %dma_wait3A_78] : memref<32x128xi32, #tpu.memory_space<vmem>> -> memref<1x128xi32, #tpu.memory_space<vmem>>
        %dma_wait3A_80 = tpu.memref_squeeze %dma_wait3A_79 : memref<1x128xi32, #tpu.memory_space<vmem>> -> memref<128xi32, #tpu.memory_space<vmem>>
        %dma_wait3A_81 = arith.constant 0 : i32
        %dma_wait3A_82 = arith.constant 0 : i32
        %dma_wait3A_83 = tpu.memref_slice %arg11[%dma_wait3A_81, %dma_wait3A_82] : memref<10240x128xf32, #tpu.memory_space<vmem_shared>> -> memref<10240x128xf32, #tpu.memory_space<vmem_shared>>
        tpu.wait_indirect_dma semaphore(%run_scoped3A_71 : memref<!tpu.dma_semaphore, #tpu.memory_space<semaphore_mem>>) src(%arg9 : memref<128x128xf32, #tpu.memory_space<vmem>>) dst(%dma_wait3A_83 : memref<10240x128xf32, #tpu.memory_space<vmem_shared>>)
        tpu.yield
      }) : () -> ()
      %dma_wait3A_63 = arith.constant 31 : i32
      %dma_wait3A_64 = arith.constant 0 : i32
      %dma_wait3A_65 = tpu.memref_slice %arg7[%dma_wait3A_63, %dma_wait3A_64] : memref<32x128xi32, #tpu.memory_space<vmem>> -> memref<1x128xi32, #tpu.memory_space<vmem>>
      %dma_wait3A_66 = tpu.memref_squeeze %dma_wait3A_65 : memref<1x128xi32, #tpu.memory_space<vmem>> -> memref<128xi32, #tpu.memory_space<vmem>>
      %dma_wait3A_67 = arith.constant 0 : i32
      %dma_wait3A_68 = arith.constant 0 : i32
      %dma_wait3A_69 = tpu.memref_slice %arg2[%dma_wait3A_67, %dma_wait3A_68] : memref<10240x128xf32, #tpu.memory_space<hbm>> -> memref<10240x128xf32, #tpu.memory_space<hbm>>
      tpu.wait_indirect_dma semaphore(%arg13 : memref<!tpu.dma_semaphore, #tpu.memory_space<semaphore_mem>>) src(%dma_wait3A_69 : memref<10240x128xf32, #tpu.memory_space<hbm>>) dst(%arg10 : memref<128x128xf32, #tpu.memory_space<vmem>>)
      %run_scoped3A_70 = arith.constant 31 : i32
      "tpu.region"() ({
        %run_scoped3A_71 = tpu.sem_alloc : memref<!tpu.dma_semaphore, #tpu.memory_space<semaphore_mem>>
        %dma_start3A_72 = arith.constant 0 : i32
        %dma_start3A_73 = tpu.memref_slice %arg8[%run_scoped3A_70, %dma_start3A_72] : memref<32x128xi32, #tpu.memory_space<vmem>> -> memref<1x128xi32, #tpu.memory_space<vmem>>
        %dma_start3A_74 = tpu.memref_squeeze %dma_start3A_73 : memref<1x128xi32, #tpu.memory_space<vmem>> -> memref<128xi32, #tpu.memory_space<vmem>>
        %dma_start3A_75 = arith.constant 0 : i32
        %dma_start3A_76 = arith.constant 0 : i32
        %dma_start3A_77 = tpu.memref_slice %arg11[%dma_start3A_75, %dma_start3A_76] : memref<10240x128xf32, #tpu.memory_space<vmem_shared>> -> memref<10240x128xf32, #tpu.memory_space<vmem_shared>>
        tpu.enqueue_indirect_dma source(%arg10 : memref<128x128xf32, #tpu.memory_space<vmem>>) target(%dma_start3A_77 : memref<10240x128xf32, #tpu.memory_space<vmem_shared>>) offsets(%dma_start3A_74 : memref<128xi32, #tpu.memory_space<vmem>>) semaphore(%run_scoped3A_71 : memref<!tpu.dma_semaphore, #tpu.memory_space<semaphore_mem>>) {add = true}
        %dma_wait3A_78 = arith.constant 0 : i32
        %dma_wait3A_79 = tpu.memref_slice %arg8[%run_scoped3A_70, %dma_wait3A_78] : memref<32x128xi32, #tpu.memory_space<vmem>> -> memref<1x128xi32, #tpu.memory_space<vmem>>
        %dma_wait3A_80 = tpu.memref_squeeze %dma_wait3A_79 : memref<1x128xi32, #tpu.memory_space<vmem>> -> memref<128xi32, #tpu.memory_space<vmem>>
        %dma_wait3A_81 = arith.constant 0 : i32
        %dma_wait3A_82 = arith.constant 0 : i32
        %dma_wait3A_83 = tpu.memref_slice %arg11[%dma_wait3A_81, %dma_wait3A_82] : memref<10240x128xf32, #tpu.memory_space<vmem_shared>> -> memref<10240x128xf32, #tpu.memory_space<vmem_shared>>
        tpu.wait_indirect_dma semaphore(%run_scoped3A_71 : memref<!tpu.dma_semaphore, #tpu.memory_space<semaphore_mem>>) src(%arg10 : memref<128x128xf32, #tpu.memory_space<vmem>>) dst(%dma_wait3A_83 : memref<10240x128xf32, #tpu.memory_space<vmem_shared>>)
        tpu.yield
      }) : () -> ()
    }
    %while3A_28 = arith.constant 1 : i32
    scf.for %while3A_34 = %while3A_26 to %while3A_22 step %while3A_28  : i32 {
      %mul3A_35 = arith.muli %while3A_34, %while3A : i32
      %add3A_36 = arith.addi %while3A_19, %mul3A_35 : i32
      %mul3A_37 = arith.constant 32 : i32
      %mul3A_38 = arith.muli %add3A_36, %mul3A_37 : i32
      %add3A_39 = arith.addi %select_n3A, %mul3A_38 : i32
      "tpu.region"() ({
        %run_scoped3A_71 = tpu.sem_alloc : memref<!tpu.dma_semaphore, #tpu.memory_space<semaphore_mem>>
        %dma_start3A_72 = arith.constant 0 : i32
        %dma_start3A_73 = tpu.memref_slice %arg3[%add3A_39, %dma_start3A_72] : memref<2560x128xi32, #tpu.memory_space<hbm>> -> memref<32x128xi32, #tpu.memory_space<hbm>>
        %dma_start3A_74 = arith.constant 0 : i32
        %dma_start3A_75 = tpu.memref_slice %arg3[%add3A_39, %dma_start3A_74] : memref<2560x128xi32, #tpu.memory_space<hbm>> -> memref<32x128xi32, #tpu.memory_space<hbm>>
        tpu.enqueue_dma source(%dma_start3A_75 : memref<32x128xi32, #tpu.memory_space<hbm>>) target(%arg7 : memref<32x128xi32, #tpu.memory_space<vmem>>) target_semaphore(%run_scoped3A_71 : memref<!tpu.dma_semaphore, #tpu.memory_space<semaphore_mem>>)
        %dma_wait3A_76 = arith.constant 0 : i32
        %dma_wait3A_77 = tpu.memref_slice %arg3[%add3A_39, %dma_wait3A_76] : memref<2560x128xi32, #tpu.memory_space<hbm>> -> memref<32x128xi32, #tpu.memory_space<hbm>>
        %dma_wait3A_78 = arith.constant 0 : i32
        %dma_wait3A_79 = tpu.memref_slice %arg3[%add3A_39, %dma_wait3A_78] : memref<2560x128xi32, #tpu.memory_space<hbm>> -> memref<32x128xi32, #tpu.memory_space<hbm>>
        tpu.wait_dma2 semaphore(%run_scoped3A_71 : memref<!tpu.dma_semaphore, #tpu.memory_space<semaphore_mem>>) src(%dma_wait3A_79 : memref<32x128xi32, #tpu.memory_space<hbm>>) dst(%arg7 : memref<32x128xi32, #tpu.memory_space<vmem>>)
        tpu.yield
      }) : () -> ()
      "tpu.region"() ({
        %run_scoped3A_71 = tpu.sem_alloc : memref<!tpu.dma_semaphore, #tpu.memory_space<semaphore_mem>>
        %dma_start3A_72 = arith.constant 0 : i32
        %dma_start3A_73 = tpu.memref_slice %arg4[%add3A_39, %dma_start3A_72] : memref<2560x128xi32, #tpu.memory_space<hbm>> -> memref<32x128xi32, #tpu.memory_space<hbm>>
        %dma_start3A_74 = arith.constant 0 : i32
        %dma_start3A_75 = tpu.memref_slice %arg4[%add3A_39, %dma_start3A_74] : memref<2560x128xi32, #tpu.memory_space<hbm>> -> memref<32x128xi32, #tpu.memory_space<hbm>>
        tpu.enqueue_dma source(%dma_start3A_75 : memref<32x128xi32, #tpu.memory_space<hbm>>) target(%arg8 : memref<32x128xi32, #tpu.memory_space<vmem>>) target_semaphore(%run_scoped3A_71 : memref<!tpu.dma_semaphore, #tpu.memory_space<semaphore_mem>>)
        %dma_wait3A_76 = arith.constant 0 : i32
        %dma_wait3A_77 = tpu.memref_slice %arg4[%add3A_39, %dma_wait3A_76] : memref<2560x128xi32, #tpu.memory_space<hbm>> -> memref<32x128xi32, #tpu.memory_space<hbm>>
        %dma_wait3A_78 = arith.constant 0 : i32
        %dma_wait3A_79 = tpu.memref_slice %arg4[%add3A_39, %dma_wait3A_78] : memref<2560x128xi32, #tpu.memory_space<hbm>> -> memref<32x128xi32, #tpu.memory_space<hbm>>
        tpu.wait_dma2 semaphore(%run_scoped3A_71 : memref<!tpu.dma_semaphore, #tpu.memory_space<semaphore_mem>>) src(%dma_wait3A_79 : memref<32x128xi32, #tpu.memory_space<hbm>>) dst(%arg8 : memref<32x128xi32, #tpu.memory_space<vmem>>)
        tpu.yield
      }) : () -> ()
      %dma_start3A = arith.constant 0 : i32
      %dma_start3A_40 = arith.constant 0 : i32
      %dma_start3A_41 = tpu.memref_slice %arg7[%dma_start3A, %dma_start3A_40] : memref<32x128xi32, #tpu.memory_space<vmem>> -> memref<1x128xi32, #tpu.memory_space<vmem>>
      %dma_start3A_42 = tpu.memref_squeeze %dma_start3A_41 : memref<1x128xi32, #tpu.memory_space<vmem>> -> memref<128xi32, #tpu.memory_space<vmem>>
      %dma_start3A_43 = arith.constant 0 : i32
      %dma_start3A_44 = arith.constant 0 : i32
      %dma_start3A_45 = tpu.memref_slice %arg2[%dma_start3A_43, %dma_start3A_44] : memref<10240x128xf32, #tpu.memory_space<hbm>> -> memref<10240x128xf32, #tpu.memory_space<hbm>>
      tpu.enqueue_indirect_dma source(%dma_start3A_45 : memref<10240x128xf32, #tpu.memory_space<hbm>>) target(%arg9 : memref<128x128xf32, #tpu.memory_space<vmem>>) offsets(%dma_start3A_42 : memref<128xi32, #tpu.memory_space<vmem>>) semaphore(%arg12 : memref<!tpu.dma_semaphore, #tpu.memory_space<semaphore_mem>>)
      %scan3A = arith.constant 0 : i32
      %scan3A_46 = arith.constant 15 : i32
      %scan3A_47 = arith.addi %scan3A, %scan3A_46 : i32
      %scan3A_48 = arith.constant 1 : i32
      scf.for %scan3A_71 = %scan3A to %scan3A_47 step %scan3A_48  : i32 {
        %mul3A_72 = arith.constant 1 : i32
        %mul3A_73 = arith.muli %scan3A_71, %mul3A_72 : i32
        %add3A_74 = arith.constant 0 : i32
        %add3A_75 = arith.addi %add3A_74, %mul3A_73 : i32
        %mul3A_76 = arith.constant 2 : i32
        %mul3A_77 = arith.muli %mul3A_76, %add3A_75 : i32
        %add3A_78 = arith.constant 1 : i32
        %add3A_79 = arith.addi %mul3A_77, %add3A_78 : i32
        %dma_start3A_80 = arith.constant 0 : i32
        %dma_start3A_81 = tpu.memref_slice %arg7[%add3A_79, %dma_start3A_80] : memref<32x128xi32, #tpu.memory_space<vmem>> -> memref<1x128xi32, #tpu.memory_space<vmem>>
        %dma_start3A_82 = tpu.memref_squeeze %dma_start3A_81 : memref<1x128xi32, #tpu.memory_space<vmem>> -> memref<128xi32, #tpu.memory_space<vmem>>
        %dma_start3A_83 = arith.constant 0 : i32
        %dma_start3A_84 = arith.constant 0 : i32
        %dma_start3A_85 = tpu.memref_slice %arg2[%dma_start3A_83, %dma_start3A_84] : memref<10240x128xf32, #tpu.memory_space<hbm>> -> memref<10240x128xf32, #tpu.memory_space<hbm>>
        tpu.enqueue_indirect_dma source(%dma_start3A_85 : memref<10240x128xf32, #tpu.memory_space<hbm>>) target(%arg10 : memref<128x128xf32, #tpu.memory_space<vmem>>) offsets(%dma_start3A_82 : memref<128xi32, #tpu.memory_space<vmem>>) semaphore(%arg13 : memref<!tpu.dma_semaphore, #tpu.memory_space<semaphore_mem>>)
        %dma_wait3A_86 = arith.constant 0 : i32
        %dma_wait3A_87 = tpu.memref_slice %arg7[%mul3A_77, %dma_wait3A_86] : memref<32x128xi32, #tpu.memory_space<vmem>> -> memref<1x128xi32, #tpu.memory_space<vmem>>
        %dma_wait3A_88 = tpu.memref_squeeze %dma_wait3A_87 : memref<1x128xi32, #tpu.memory_space<vmem>> -> memref<128xi32, #tpu.memory_space<vmem>>
        %dma_wait3A_89 = arith.constant 0 : i32
        %dma_wait3A_90 = arith.constant 0 : i32
        %dma_wait3A_91 = tpu.memref_slice %arg2[%dma_wait3A_89, %dma_wait3A_90] : memref<10240x128xf32, #tpu.memory_space<hbm>> -> memref<10240x128xf32, #tpu.memory_space<hbm>>
        tpu.wait_indirect_dma semaphore(%arg12 : memref<!tpu.dma_semaphore, #tpu.memory_space<semaphore_mem>>) src(%dma_wait3A_91 : memref<10240x128xf32, #tpu.memory_space<hbm>>) dst(%arg9 : memref<128x128xf32, #tpu.memory_space<vmem>>)
        "tpu.region"() ({
          %run_scoped3A_110 = tpu.sem_alloc : memref<!tpu.dma_semaphore, #tpu.memory_space<semaphore_mem>>
          %dma_start3A_111 = arith.constant 0 : i32
          %dma_start3A_112 = tpu.memref_slice %arg8[%mul3A_77, %dma_start3A_111] : memref<32x128xi32, #tpu.memory_space<vmem>> -> memref<1x128xi32, #tpu.memory_space<vmem>>
          %dma_start3A_113 = tpu.memref_squeeze %dma_start3A_112 : memref<1x128xi32, #tpu.memory_space<vmem>> -> memref<128xi32, #tpu.memory_space<vmem>>
          %dma_start3A_114 = arith.constant 0 : i32
          %dma_start3A_115 = arith.constant 0 : i32
          %dma_start3A_116 = tpu.memref_slice %arg11[%dma_start3A_114, %dma_start3A_115] : memref<10240x128xf32, #tpu.memory_space<vmem_shared>> -> memref<10240x128xf32, #tpu.memory_space<vmem_shared>>
          tpu.enqueue_indirect_dma source(%arg9 : memref<128x128xf32, #tpu.memory_space<vmem>>) target(%dma_start3A_116 : memref<10240x128xf32, #tpu.memory_space<vmem_shared>>) offsets(%dma_start3A_113 : memref<128xi32, #tpu.memory_space<vmem>>) semaphore(%run_scoped3A_110 : memref<!tpu.dma_semaphore, #tpu.memory_space<semaphore_mem>>) {add = true}
          %dma_wait3A_117 = arith.constant 0 : i32
          %dma_wait3A_118 = tpu.memref_slice %arg8[%mul3A_77, %dma_wait3A_117] : memref<32x128xi32, #tpu.memory_space<vmem>> -> memref<1x128xi32, #tpu.memory_space<vmem>>
          %dma_wait3A_119 = tpu.memref_squeeze %dma_wait3A_118 : memref<1x128xi32, #tpu.memory_space<vmem>> -> memref<128xi32, #tpu.memory_space<vmem>>
          %dma_wait3A_120 = arith.constant 0 : i32
          %dma_wait3A_121 = arith.constant 0 : i32
          %dma_wait3A_122 = tpu.memref_slice %arg11[%dma_wait3A_120, %dma_wait3A_121] : memref<10240x128xf32, #tpu.memory_space<vmem_shared>> -> memref<10240x128xf32, #tpu.memory_space<vmem_shared>>
          tpu.wait_indirect_dma semaphore(%run_scoped3A_110 : memref<!tpu.dma_semaphore, #tpu.memory_space<semaphore_mem>>) src(%arg9 : memref<128x128xf32, #tpu.memory_space<vmem>>) dst(%dma_wait3A_122 : memref<10240x128xf32, #tpu.memory_space<vmem_shared>>)
          tpu.yield
        }) : () -> ()
        %add3A_92 = arith.constant 2 : i32
        %add3A_93 = arith.addi %mul3A_77, %add3A_92 : i32
        %dma_start3A_94 = arith.constant 0 : i32
        %dma_start3A_95 = tpu.memref_slice %arg7[%add3A_93, %dma_start3A_94] : memref<32x128xi32, #tpu.memory_space<vmem>> -> memref<1x128xi32, #tpu.memory_space<vmem>>
        %dma_start3A_96 = tpu.memref_squeeze %dma_start3A_95 : memref<1x128xi32, #tpu.memory_space<vmem>> -> memref<128xi32, #tpu.memory_space<vmem>>
        %dma_start3A_97 = arith.constant 0 : i32
        %dma_start3A_98 = arith.constant 0 : i32
        %dma_start3A_99 = tpu.memref_slice %arg2[%dma_start3A_97, %dma_start3A_98] : memref<10240x128xf32, #tpu.memory_space<hbm>> -> memref<10240x128xf32, #tpu.memory_space<hbm>>
        tpu.enqueue_indirect_dma source(%dma_start3A_99 : memref<10240x128xf32, #tpu.memory_space<hbm>>) target(%arg9 : memref<128x128xf32, #tpu.memory_space<vmem>>) offsets(%dma_start3A_96 : memref<128xi32, #tpu.memory_space<vmem>>) semaphore(%arg12 : memref<!tpu.dma_semaphore, #tpu.memory_space<semaphore_mem>>)
        %add3A_100 = arith.constant 1 : i32
        %add3A_101 = arith.addi %mul3A_77, %add3A_100 : i32
        %dma_wait3A_102 = arith.constant 0 : i32
        %dma_wait3A_103 = tpu.memref_slice %arg7[%add3A_101, %dma_wait3A_102] : memref<32x128xi32, #tpu.memory_space<vmem>> -> memref<1x128xi32, #tpu.memory_space<vmem>>
        %dma_wait3A_104 = tpu.memref_squeeze %dma_wait3A_103 : memref<1x128xi32, #tpu.memory_space<vmem>> -> memref<128xi32, #tpu.memory_space<vmem>>
        %dma_wait3A_105 = arith.constant 0 : i32
        %dma_wait3A_106 = arith.constant 0 : i32
        %dma_wait3A_107 = tpu.memref_slice %arg2[%dma_wait3A_105, %dma_wait3A_106] : memref<10240x128xf32, #tpu.memory_space<hbm>> -> memref<10240x128xf32, #tpu.memory_space<hbm>>
        tpu.wait_indirect_dma semaphore(%arg13 : memref<!tpu.dma_semaphore, #tpu.memory_space<semaphore_mem>>) src(%dma_wait3A_107 : memref<10240x128xf32, #tpu.memory_space<hbm>>) dst(%arg10 : memref<128x128xf32, #tpu.memory_space<vmem>>)
        %add3A_108 = arith.constant 1 : i32
        %add3A_109 = arith.addi %mul3A_77, %add3A_108 : i32
        "tpu.region"() ({
          %run_scoped3A_110 = tpu.sem_alloc : memref<!tpu.dma_semaphore, #tpu.memory_space<semaphore_mem>>
          %dma_start3A_111 = arith.constant 0 : i32
          %dma_start3A_112 = tpu.memref_slice %arg8[%add3A_109, %dma_start3A_111] : memref<32x128xi32, #tpu.memory_space<vmem>> -> memref<1x128xi32, #tpu.memory_space<vmem>>
          %dma_start3A_113 = tpu.memref_squeeze %dma_start3A_112 : memref<1x128xi32, #tpu.memory_space<vmem>> -> memref<128xi32, #tpu.memory_space<vmem>>
          %dma_start3A_114 = arith.constant 0 : i32
          %dma_start3A_115 = arith.constant 0 : i32
          %dma_start3A_116 = tpu.memref_slice %arg11[%dma_start3A_114, %dma_start3A_115] : memref<10240x128xf32, #tpu.memory_space<vmem_shared>> -> memref<10240x128xf32, #tpu.memory_space<vmem_shared>>
          tpu.enqueue_indirect_dma source(%arg10 : memref<128x128xf32, #tpu.memory_space<vmem>>) target(%dma_start3A_116 : memref<10240x128xf32, #tpu.memory_space<vmem_shared>>) offsets(%dma_start3A_113 : memref<128xi32, #tpu.memory_space<vmem>>) semaphore(%run_scoped3A_110 : memref<!tpu.dma_semaphore, #tpu.memory_space<semaphore_mem>>) {add = true}
          %dma_wait3A_117 = arith.constant 0 : i32
          %dma_wait3A_118 = tpu.memref_slice %arg8[%add3A_109, %dma_wait3A_117] : memref<32x128xi32, #tpu.memory_space<vmem>> -> memref<1x128xi32, #tpu.memory_space<vmem>>
          %dma_wait3A_119 = tpu.memref_squeeze %dma_wait3A_118 : memref<1x128xi32, #tpu.memory_space<vmem>> -> memref<128xi32, #tpu.memory_space<vmem>>
          %dma_wait3A_120 = arith.constant 0 : i32
          %dma_wait3A_121 = arith.constant 0 : i32
          %dma_wait3A_122 = tpu.memref_slice %arg11[%dma_wait3A_120, %dma_wait3A_121] : memref<10240x128xf32, #tpu.memory_space<vmem_shared>> -> memref<10240x128xf32, #tpu.memory_space<vmem_shared>>
          tpu.wait_indirect_dma semaphore(%run_scoped3A_110 : memref<!tpu.dma_semaphore, #tpu.memory_space<semaphore_mem>>) src(%arg10 : memref<128x128xf32, #tpu.memory_space<vmem>>) dst(%dma_wait3A_122 : memref<10240x128xf32, #tpu.memory_space<vmem_shared>>)
          tpu.yield
        }) : () -> ()
      }
      %scan3A_49 = arith.constant 15 : i32
      %dma_start3A_50 = arith.constant 31 : i32
      %dma_start3A_51 = arith.constant 0 : i32
      %dma_start3A_52 = tpu.memref_slice %arg7[%dma_start3A_50, %dma_start3A_51] : memref<32x128xi32, #tpu.memory_space<vmem>> -> memref<1x128xi32, #tpu.memory_space<vmem>>
      %dma_start3A_53 = tpu.memref_squeeze %dma_start3A_52 : memref<1x128xi32, #tpu.memory_space<vmem>> -> memref<128xi32, #tpu.memory_space<vmem>>
      %dma_start3A_54 = arith.constant 0 : i32
      %dma_start3A_55 = arith.constant 0 : i32
      %dma_start3A_56 = tpu.memref_slice %arg2[%dma_start3A_54, %dma_start3A_55] : memref<10240x128xf32, #tpu.memory_space<hbm>> -> memref<10240x128xf32, #tpu.memory_space<hbm>>
      tpu.enqueue_indirect_dma source(%dma_start3A_56 : memref<10240x128xf32, #tpu.memory_space<hbm>>) target(%arg10 : memref<128x128xf32, #tpu.memory_space<vmem>>) offsets(%dma_start3A_53 : memref<128xi32, #tpu.memory_space<vmem>>) semaphore(%arg13 : memref<!tpu.dma_semaphore, #tpu.memory_space<semaphore_mem>>)
      %dma_wait3A = arith.constant 30 : i32
      %dma_wait3A_57 = arith.constant 0 : i32
      %dma_wait3A_58 = tpu.memref_slice %arg7[%dma_wait3A, %dma_wait3A_57] : memref<32x128xi32, #tpu.memory_space<vmem>> -> memref<1x128xi32, #tpu.memory_space<vmem>>
      %dma_wait3A_59 = tpu.memref_squeeze %dma_wait3A_58 : memref<1x128xi32, #tpu.memory_space<vmem>> -> memref<128xi32, #tpu.memory_space<vmem>>
      %dma_wait3A_60 = arith.constant 0 : i32
      %dma_wait3A_61 = arith.constant 0 : i32
      %dma_wait3A_62 = tpu.memref_slice %arg2[%dma_wait3A_60, %dma_wait3A_61] : memref<10240x128xf32, #tpu.memory_space<hbm>> -> memref<10240x128xf32, #tpu.memory_space<hbm>>
      tpu.wait_indirect_dma semaphore(%arg12 : memref<!tpu.dma_semaphore, #tpu.memory_space<semaphore_mem>>) src(%dma_wait3A_62 : memref<10240x128xf32, #tpu.memory_space<hbm>>) dst(%arg9 : memref<128x128xf32, #tpu.memory_space<vmem>>)
      %run_scoped3A = arith.constant 30 : i32
      "tpu.region"() ({
        %run_scoped3A_71 = tpu.sem_alloc : memref<!tpu.dma_semaphore, #tpu.memory_space<semaphore_mem>>
        %dma_start3A_72 = arith.constant 0 : i32
        %dma_start3A_73 = tpu.memref_slice %arg8[%run_scoped3A, %dma_start3A_72] : memref<32x128xi32, #tpu.memory_space<vmem>> -> memref<1x128xi32, #tpu.memory_space<vmem>>
        %dma_start3A_74 = tpu.memref_squeeze %dma_start3A_73 : memref<1x128xi32, #tpu.memory_space<vmem>> -> memref<128xi32, #tpu.memory_space<vmem>>
        %dma_start3A_75 = arith.constant 0 : i32
        %dma_start3A_76 = arith.constant 0 : i32
        %dma_start3A_77 = tpu.memref_slice %arg11[%dma_start3A_75, %dma_start3A_76] : memref<10240x128xf32, #tpu.memory_space<vmem_shared>> -> memref<10240x128xf32, #tpu.memory_space<vmem_shared>>
        tpu.enqueue_indirect_dma source(%arg9 : memref<128x128xf32, #tpu.memory_space<vmem>>) target(%dma_start3A_77 : memref<10240x128xf32, #tpu.memory_space<vmem_shared>>) offsets(%dma_start3A_74 : memref<128xi32, #tpu.memory_space<vmem>>) semaphore(%run_scoped3A_71 : memref<!tpu.dma_semaphore, #tpu.memory_space<semaphore_mem>>) {add = true}
        %dma_wait3A_78 = arith.constant 0 : i32
        %dma_wait3A_79 = tpu.memref_slice %arg8[%run_scoped3A, %dma_wait3A_78] : memref<32x128xi32, #tpu.memory_space<vmem>> -> memref<1x128xi32, #tpu.memory_space<vmem>>
        %dma_wait3A_80 = tpu.memref_squeeze %dma_wait3A_79 : memref<1x128xi32, #tpu.memory_space<vmem>> -> memref<128xi32, #tpu.memory_space<vmem>>
        %dma_wait3A_81 = arith.constant 0 : i32
        %dma_wait3A_82 = arith.constant 0 : i32
        %dma_wait3A_83 = tpu.memref_slice %arg11[%dma_wait3A_81, %dma_wait3A_82] : memref<10240x128xf32, #tpu.memory_space<vmem_shared>> -> memref<10240x128xf32, #tpu.memory_space<vmem_shared>>
        tpu.wait_indirect_dma semaphore(%run_scoped3A_71 : memref<!tpu.dma_semaphore, #tpu.memory_space<semaphore_mem>>) src(%arg9 : memref<128x128xf32, #tpu.memory_space<vmem>>) dst(%dma_wait3A_83 : memref<10240x128xf32, #tpu.memory_space<vmem_shared>>)
        tpu.yield
      }) : () -> ()
      %dma_wait3A_63 = arith.constant 31 : i32
      %dma_wait3A_64 = arith.constant 0 : i32
      %dma_wait3A_65 = tpu.memref_slice %arg7[%dma_wait3A_63, %dma_wait3A_64] : memref<32x128xi32, #tpu.memory_space<vmem>> -> memref<1x128xi32, #tpu.memory_space<vmem>>
      %dma_wait3A_66 = tpu.memref_squeeze %dma_wait3A_65 : memref<1x128xi32, #tpu.memory_space<vmem>> -> memref<128xi32, #tpu.memory_space<vmem>>
      %dma_wait3A_67 = arith.constant 0 : i32
      %dma_wait3A_68 = arith.constant 0 : i32
      %dma_wait3A_69 = tpu.memref_slice %arg2[%dma_wait3A_67, %dma_wait3A_68] : memref<10240x128xf32, #tpu.memory_space<hbm>> -> memref<10240x128xf32, #tpu.memory_space<hbm>>
      tpu.wait_indirect_dma semaphore(%arg13 : memref<!tpu.dma_semaphore, #tpu.memory_space<semaphore_mem>>) src(%dma_wait3A_69 : memref<10240x128xf32, #tpu.memory_space<hbm>>) dst(%arg10 : memref<128x128xf32, #tpu.memory_space<vmem>>)
      %run_scoped3A_70 = arith.constant 31 : i32
      "tpu.region"() ({
        %run_scoped3A_71 = tpu.sem_alloc : memref<!tpu.dma_semaphore, #tpu.memory_space<semaphore_mem>>
        %dma_start3A_72 = arith.constant 0 : i32
        %dma_start3A_73 = tpu.memref_slice %arg8[%run_scoped3A_70, %dma_start3A_72] : memref<32x128xi32, #tpu.memory_space<vmem>> -> memref<1x128xi32, #tpu.memory_space<vmem>>
        %dma_start3A_74 = tpu.memref_squeeze %dma_start3A_73 : memref<1x128xi32, #tpu.memory_space<vmem>> -> memref<128xi32, #tpu.memory_space<vmem>>
        %dma_start3A_75 = arith.constant 0 : i32
        %dma_start3A_76 = arith.constant 0 : i32
        %dma_start3A_77 = tpu.memref_slice %arg11[%dma_start3A_75, %dma_start3A_76] : memref<10240x128xf32, #tpu.memory_space<vmem_shared>> -> memref<10240x128xf32, #tpu.memory_space<vmem_shared>>
        tpu.enqueue_indirect_dma source(%arg10 : memref<128x128xf32, #tpu.memory_space<vmem>>) target(%dma_start3A_77 : memref<10240x128xf32, #tpu.memory_space<vmem_shared>>) offsets(%dma_start3A_74 : memref<128xi32, #tpu.memory_space<vmem>>) semaphore(%run_scoped3A_71 : memref<!tpu.dma_semaphore, #tpu.memory_space<semaphore_mem>>) {add = true}
        %dma_wait3A_78 = arith.constant 0 : i32
        %dma_wait3A_79 = tpu.memref_slice %arg8[%run_scoped3A_70, %dma_wait3A_78] : memref<32x128xi32, #tpu.memory_space<vmem>> -> memref<1x128xi32, #tpu.memory_space<vmem>>
        %dma_wait3A_80 = tpu.memref_squeeze %dma_wait3A_79 : memref<1x128xi32, #tpu.memory_space<vmem>> -> memref<128xi32, #tpu.memory_space<vmem>>
        %dma_wait3A_81 = arith.constant 0 : i32
        %dma_wait3A_82 = arith.constant 0 : i32
        %dma_wait3A_83 = tpu.memref_slice %arg11[%dma_wait3A_81, %dma_wait3A_82] : memref<10240x128xf32, #tpu.memory_space<vmem_shared>> -> memref<10240x128xf32, #tpu.memory_space<vmem_shared>>
        tpu.wait_indirect_dma semaphore(%run_scoped3A_71 : memref<!tpu.dma_semaphore, #tpu.memory_space<semaphore_mem>>) src(%arg10 : memref<128x128xf32, #tpu.memory_space<vmem>>) dst(%dma_wait3A_83 : memref<10240x128xf32, #tpu.memory_space<vmem_shared>>)
        tpu.yield
      }) : () -> ()
    }
    %barrier3A_29 = arith.constant 0 : index
    tpu.barrier barrier_id(%barrier3A_29)
    %mul3A_30 = arith.constant 640 : i32
    %mul3A_31 = arith.muli %arg1, %mul3A_30 : i32
    %mul3A_32 = arith.constant 640 : i32
    %mul3A_33 = arith.muli %arg1, %mul3A_32 : i32
    "tpu.region"() ({
      %run_scoped3A = tpu.sem_alloc : memref<!tpu.dma_semaphore, #tpu.memory_space<semaphore_mem>>
      %dma_start3A = arith.constant 0 : i32
      %dma_start3A_34 = tpu.memref_slice %arg6[%arg0, %mul3A_33, %dma_start3A] : memref<2x10240x128xf32, #tpu.memory_space<hbm>> -> memref<1x640x128xf32, #tpu.memory_space<hbm>>
      %dma_start3A_35 = tpu.memref_squeeze %dma_start3A_34 : memref<1x640x128xf32, #tpu.memory_space<hbm>> -> memref<640x128xf32, #tpu.memory_space<hbm>>
      %dma_start3A_36 = arith.constant 0 : i32
      %dma_start3A_37 = tpu.memref_slice %arg11[%mul3A_31, %dma_start3A_36] : memref<10240x128xf32, #tpu.memory_space<vmem_shared>> -> memref<640x128xf32, #tpu.memory_space<vmem_shared>>
      tpu.enqueue_dma source(%dma_start3A_37 : memref<640x128xf32, #tpu.memory_space<vmem_shared>>) target(%dma_start3A_35 : memref<640x128xf32, #tpu.memory_space<hbm>>) target_semaphore(%run_scoped3A : memref<!tpu.dma_semaphore, #tpu.memory_space<semaphore_mem>>)
      %dma_wait3A = arith.constant 0 : i32
      %dma_wait3A_38 = tpu.memref_slice %arg6[%arg0, %mul3A_33, %dma_wait3A] : memref<2x10240x128xf32, #tpu.memory_space<hbm>> -> memref<1x640x128xf32, #tpu.memory_space<hbm>>
      %dma_wait3A_39 = tpu.memref_squeeze %dma_wait3A_38 : memref<1x640x128xf32, #tpu.memory_space<hbm>> -> memref<640x128xf32, #tpu.memory_space<hbm>>
      %dma_wait3A_40 = arith.constant 0 : i32
      %dma_wait3A_41 = tpu.memref_slice %arg11[%mul3A_31, %dma_wait3A_40] : memref<10240x128xf32, #tpu.memory_space<vmem_shared>> -> memref<640x128xf32, #tpu.memory_space<vmem_shared>>
      tpu.wait_dma2 semaphore(%run_scoped3A : memref<!tpu.dma_semaphore, #tpu.memory_space<semaphore_mem>>) src(%dma_wait3A_41 : memref<640x128xf32, #tpu.memory_space<vmem_shared>>) dst(%dma_wait3A_39 : memref<640x128xf32, #tpu.memory_space<hbm>>)
      tpu.yield
    }) : () -> ()
    return
  }
}

#map = affine_map<(d0, d1) -> (0, 0)>
#map1 = affine_map<(d0, d1) -> (0)>
module attributes {stable_mosaic.version = 14 : i64} {
  func.func @_sc_degree(%arg0: i32, %arg1: i32, %arg2: memref<2560x128xi32, #tpu.memory_space<hbm>>, %arg3: memref<10240xf32, #tpu.memory_space<hbm>>, %arg4: memref<2x10240xf32, #tpu.memory_space<hbm>>, %arg5: memref<80x128xi32, #tpu.memory_space<vmem>>, %arg6: memref<128xf32, #tpu.memory_space<vmem>>, %arg7: memref<10240xf32, #tpu.memory_space<vmem_shared>>) attributes {dimension_semantics = [#tpu.dimension_semantics<core_parallel>, #tpu.dimension_semantics<subcore_parallel>], iteration_bounds = array<i64: 2, 16>, scalar_prefetch = 0 : i64, scratch_operands = 3 : i64, tpu.core_type = #tpu.core_type<sc_vector_subcore>, window_params = [{transform_indices = #map}, {transform_indices = #map1}, {transform_indices = #map}]} {
    %mul3A = arith.constant 16 : i32
    %mul3A_0 = arith.muli %arg0, %mul3A : i32
    %add3A = arith.addi %mul3A_0, %arg1 : i32
    %broadcast_in_dim3A = arith.constant 1.000000e+00 : f32
    %broadcast_in_dim3A_1 = vector.broadcast %broadcast_in_dim3A : f32 to vector<16xf32>
    %scan3A = arith.constant 0 : i32
    %scan3A_2 = arith.constant 8 : i32
    %scan3A_3 = arith.addi %scan3A, %scan3A_2 : i32
    %scan3A_4 = arith.constant 1 : i32
    scf.for %scan3A_22 = %scan3A to %scan3A_3 step %scan3A_4  : i32 {
      %mul3A_23 = arith.constant 1 : i32
      %mul3A_24 = arith.muli %scan3A_22, %mul3A_23 : i32
      %add3A_25 = arith.constant 0 : i32
      %add3A_26 = arith.addi %add3A_25, %mul3A_24 : i32
      %mul3A_27 = arith.constant 16 : i32
      %mul3A_28 = arith.muli %add3A_26, %mul3A_27 : i32
      %swap3A = arith.index_cast %mul3A_28 : i32 to index
      %swap3A_29 = tpu.vector_load %arg6[%swap3A] {strides = array<i32>} : memref<128xf32, #tpu.memory_space<vmem>>, vector<16xf32>,
      %swap3A_30 = vector.shape_cast %swap3A_29 : vector<16xf32> to vector<16xf32>
      %swap3A_31 = vector.shape_cast %broadcast_in_dim3A_1 : vector<16xf32> to vector<16xf32>
      tpu.vector_store %arg6[%swap3A], %swap3A_31 {strides = array<i32>} : memref<128xf32, #tpu.memory_space<vmem>>, vector<16xf32>,
    }
    %scan3A_5 = arith.constant 8 : i32
    %mul3A_6 = arith.constant 640 : i32
    %mul3A_7 = arith.muli %arg1, %mul3A_6 : i32
    %mul3A_8 = arith.constant 640 : i32
    %mul3A_9 = arith.muli %arg1, %mul3A_8 : i32
    "tpu.region"() ({
      %run_scoped3A = tpu.sem_alloc : memref<!tpu.dma_semaphore, #tpu.memory_space<semaphore_mem>>
      %dma_start3A = tpu.memref_slice %arg7[%mul3A_9] : memref<10240xf32, #tpu.memory_space<vmem_shared>> -> memref<640xf32, #tpu.memory_space<vmem_shared>>
      %dma_start3A_22 = tpu.memref_slice %arg3[%mul3A_7] : memref<10240xf32, #tpu.memory_space<hbm>> -> memref<640xf32, #tpu.memory_space<hbm>>
      tpu.enqueue_dma source(%dma_start3A_22 : memref<640xf32, #tpu.memory_space<hbm>>) target(%dma_start3A : memref<640xf32, #tpu.memory_space<vmem_shared>>) target_semaphore(%run_scoped3A : memref<!tpu.dma_semaphore, #tpu.memory_space<semaphore_mem>>)
      %dma_wait3A = tpu.memref_slice %arg7[%mul3A_9] : memref<10240xf32, #tpu.memory_space<vmem_shared>> -> memref<640xf32, #tpu.memory_space<vmem_shared>>
      %dma_wait3A_23 = tpu.memref_slice %arg3[%mul3A_7] : memref<10240xf32, #tpu.memory_space<hbm>> -> memref<640xf32, #tpu.memory_space<hbm>>
      tpu.wait_dma2 semaphore(%run_scoped3A : memref<!tpu.dma_semaphore, #tpu.memory_space<semaphore_mem>>) src(%dma_wait3A_23 : memref<640xf32, #tpu.memory_space<hbm>>) dst(%dma_wait3A : memref<640xf32, #tpu.memory_space<vmem_shared>>)
      tpu.yield
    }) : () -> ()
    %mul3A_10 = arith.constant 80 : i32
    %mul3A_11 = arith.muli %add3A, %mul3A_10 : i32
    "tpu.region"() ({
      %run_scoped3A = tpu.sem_alloc : memref<!tpu.dma_semaphore, #tpu.memory_space<semaphore_mem>>
      %dma_start3A = arith.constant 0 : i32
      %dma_start3A_22 = tpu.memref_slice %arg2[%mul3A_11, %dma_start3A] : memref<2560x128xi32, #tpu.memory_space<hbm>> -> memref<80x128xi32, #tpu.memory_space<hbm>>
      %dma_start3A_23 = arith.constant 0 : i32
      %dma_start3A_24 = tpu.memref_slice %arg2[%mul3A_11, %dma_start3A_23] : memref<2560x128xi32, #tpu.memory_space<hbm>> -> memref<80x128xi32, #tpu.memory_space<hbm>>
      tpu.enqueue_dma source(%dma_start3A_24 : memref<80x128xi32, #tpu.memory_space<hbm>>) target(%arg5 : memref<80x128xi32, #tpu.memory_space<vmem>>) target_semaphore(%run_scoped3A : memref<!tpu.dma_semaphore, #tpu.memory_space<semaphore_mem>>)
      %dma_wait3A = arith.constant 0 : i32
      %dma_wait3A_25 = tpu.memref_slice %arg2[%mul3A_11, %dma_wait3A] : memref<2560x128xi32, #tpu.memory_space<hbm>> -> memref<80x128xi32, #tpu.memory_space<hbm>>
      %dma_wait3A_26 = arith.constant 0 : i32
      %dma_wait3A_27 = tpu.memref_slice %arg2[%mul3A_11, %dma_wait3A_26] : memref<2560x128xi32, #tpu.memory_space<hbm>> -> memref<80x128xi32, #tpu.memory_space<hbm>>
      tpu.wait_dma2 semaphore(%run_scoped3A : memref<!tpu.dma_semaphore, #tpu.memory_space<semaphore_mem>>) src(%dma_wait3A_27 : memref<80x128xi32, #tpu.memory_space<hbm>>) dst(%arg5 : memref<80x128xi32, #tpu.memory_space<vmem>>)
      tpu.yield
    }) : () -> ()
    %barrier3A = arith.constant 0 : index
    tpu.barrier barrier_id(%barrier3A)
    %scan3A_12 = arith.constant 0 : i32
    %scan3A_13 = arith.constant 80 : i32
    %scan3A_14 = arith.addi %scan3A_12, %scan3A_13 : i32
    %scan3A_15 = arith.constant 1 : i32
    scf.for %scan3A_22 = %scan3A_12 to %scan3A_14 step %scan3A_15  : i32 {
      %mul3A_23 = arith.constant 1 : i32
      %mul3A_24 = arith.muli %scan3A_22, %mul3A_23 : i32
      %add3A_25 = arith.constant 0 : i32
      %add3A_26 = arith.addi %add3A_25, %mul3A_24 : i32
      "tpu.region"() ({
        %run_scoped3A = tpu.sem_alloc : memref<!tpu.dma_semaphore, #tpu.memory_space<semaphore_mem>>
        %dma_start3A = arith.constant 0 : i32
        %dma_start3A_27 = tpu.memref_slice %arg5[%add3A_26, %dma_start3A] : memref<80x128xi32, #tpu.memory_space<vmem>> -> memref<1x128xi32, #tpu.memory_space<vmem>>
        %dma_start3A_28 = tpu.memref_squeeze %dma_start3A_27 : memref<1x128xi32, #tpu.memory_space<vmem>> -> memref<128xi32, #tpu.memory_space<vmem>>
        %dma_start3A_29 = arith.constant 0 : i32
        %dma_start3A_30 = tpu.memref_slice %arg7[%dma_start3A_29] : memref<10240xf32, #tpu.memory_space<vmem_shared>> -> memref<10240xf32, #tpu.memory_space<vmem_shared>>
        tpu.enqueue_indirect_dma source(%arg6 : memref<128xf32, #tpu.memory_space<vmem>>) target(%dma_start3A_30 : memref<10240xf32, #tpu.memory_space<vmem_shared>>) offsets(%dma_start3A_28 : memref<128xi32, #tpu.memory_space<vmem>>) semaphore(%run_scoped3A : memref<!tpu.dma_semaphore, #tpu.memory_space<semaphore_mem>>) {add = true}
        %dma_wait3A = arith.constant 0 : i32
        %dma_wait3A_31 = tpu.memref_slice %arg5[%add3A_26, %dma_wait3A] : memref<80x128xi32, #tpu.memory_space<vmem>> -> memref<1x128xi32, #tpu.memory_space<vmem>>
        %dma_wait3A_32 = tpu.memref_squeeze %dma_wait3A_31 : memref<1x128xi32, #tpu.memory_space<vmem>> -> memref<128xi32, #tpu.memory_space<vmem>>
        %dma_wait3A_33 = arith.constant 0 : i32
        %dma_wait3A_34 = tpu.memref_slice %arg7[%dma_wait3A_33] : memref<10240xf32, #tpu.memory_space<vmem_shared>> -> memref<10240xf32, #tpu.memory_space<vmem_shared>>
        tpu.wait_indirect_dma semaphore(%run_scoped3A : memref<!tpu.dma_semaphore, #tpu.memory_space<semaphore_mem>>) src(%arg6 : memref<128xf32, #tpu.memory_space<vmem>>) dst(%dma_wait3A_34 : memref<10240xf32, #tpu.memory_space<vmem_shared>>)
        tpu.yield
      }) : () -> ()
    }
    %scan3A_16 = arith.constant 80 : i32
    %barrier3A_17 = arith.constant 0 : index
    tpu.barrier barrier_id(%barrier3A_17)
    %mul3A_18 = arith.constant 640 : i32
    %mul3A_19 = arith.muli %arg1, %mul3A_18 : i32
    %mul3A_20 = arith.constant 640 : i32
    %mul3A_21 = arith.muli %arg1, %mul3A_20 : i32
    "tpu.region"() ({
      %run_scoped3A = tpu.sem_alloc : memref<!tpu.dma_semaphore, #tpu.memory_space<semaphore_mem>>
      %dma_start3A = tpu.memref_slice %arg4[%arg0, %mul3A_21] : memref<2x10240xf32, #tpu.memory_space<hbm>> -> memref<1x640xf32, #tpu.memory_space<hbm>>
      %dma_start3A_22 = tpu.memref_squeeze %dma_start3A : memref<1x640xf32, #tpu.memory_space<hbm>> -> memref<640xf32, #tpu.memory_space<hbm>>
      %dma_start3A_23 = tpu.memref_slice %arg7[%mul3A_19] : memref<10240xf32, #tpu.memory_space<vmem_shared>> -> memref<640xf32, #tpu.memory_space<vmem_shared>>
      tpu.enqueue_dma source(%dma_start3A_23 : memref<640xf32, #tpu.memory_space<vmem_shared>>) target(%dma_start3A_22 : memref<640xf32, #tpu.memory_space<hbm>>) target_semaphore(%run_scoped3A : memref<!tpu.dma_semaphore, #tpu.memory_space<semaphore_mem>>)
      %dma_wait3A = tpu.memref_slice %arg4[%arg0, %mul3A_21] : memref<2x10240xf32, #tpu.memory_space<hbm>> -> memref<1x640xf32, #tpu.memory_space<hbm>>
      %dma_wait3A_24 = tpu.memref_squeeze %dma_wait3A : memref<1x640xf32, #tpu.memory_space<hbm>> -> memref<640xf32, #tpu.memory_space<hbm>>
      %dma_wait3A_25 = tpu.memref_slice %arg7[%mul3A_19] : memref<10240xf32, #tpu.memory_space<vmem_shared>> -> memref<640xf32, #tpu.memory_space<vmem_shared>>
      tpu.wait_dma2 semaphore(%run_scoped3A : memref<!tpu.dma_semaphore, #tpu.memory_space<semaphore_mem>>) src(%dma_wait3A_25 : memref<640xf32, #tpu.memory_space<vmem_shared>>) dst(%dma_wait3A_24 : memref<640xf32, #tpu.memory_space<hbm>>)
      tpu.yield
    }) : () -> ()
    return
  }
}

#map = affine_map<(d0, d1) -> (0, 0)>
#map1 = affine_map<(d0, d1) -> (0, 0, 0)>
module attributes {stable_mosaic.version = 14 : i64} {
  func.func @_sc_scatter(%arg0: i32, %arg1: i32, %arg2: memref<10240x128xf32, #tpu.memory_space<hbm>>, %arg3: memref<2560x128xi32, #tpu.memory_space<hbm>>, %arg4: memref<2560x128xi32, #tpu.memory_space<hbm>>, %arg5: memref<10240x128xf32, #tpu.memory_space<hbm>>, %arg6: memref<2x10240x128xf32, #tpu.memory_space<hbm>>, %arg7: memref<32x128xi32, #tpu.memory_space<vmem>>, %arg8: memref<32x128xi32, #tpu.memory_space<vmem>>, %arg9: memref<128x128xf32, #tpu.memory_space<vmem>>, %arg10: memref<128x128xf32, #tpu.memory_space<vmem>>, %arg11: memref<10240x128xf32, #tpu.memory_space<vmem_shared>>, %arg12: memref<!tpu.dma_semaphore, #tpu.memory_space<semaphore_mem>>, %arg13: memref<!tpu.dma_semaphore, #tpu.memory_space<semaphore_mem>>) attributes {dimension_semantics = [#tpu.dimension_semantics<core_parallel>, #tpu.dimension_semantics<subcore_parallel>], iteration_bounds = array<i64: 2, 16>, scalar_prefetch = 0 : i64, scratch_operands = 7 : i64, tpu.core_type = #tpu.core_type<sc_vector_subcore>, window_params = [{transform_indices = #map}, {transform_indices = #map}, {transform_indices = #map}, {transform_indices = #map}, {transform_indices = #map1}]} {
    %mul3A = arith.constant 640 : i32
    %mul3A_0 = arith.muli %arg1, %mul3A : i32
    %mul3A_1 = arith.constant 640 : i32
    %mul3A_2 = arith.muli %arg1, %mul3A_1 : i32
    "tpu.region"() ({
      %run_scoped3A = tpu.sem_alloc : memref<!tpu.dma_semaphore, #tpu.memory_space<semaphore_mem>>
      %dma_start3A = arith.constant 0 : i32
      %dma_start3A_34 = tpu.memref_slice %arg11[%mul3A_2, %dma_start3A] : memref<10240x128xf32, #tpu.memory_space<vmem_shared>> -> memref<640x128xf32, #tpu.memory_space<vmem_shared>>
      %dma_start3A_35 = arith.constant 0 : i32
      %dma_start3A_36 = tpu.memref_slice %arg5[%mul3A_0, %dma_start3A_35] : memref<10240x128xf32, #tpu.memory_space<hbm>> -> memref<640x128xf32, #tpu.memory_space<hbm>>
      tpu.enqueue_dma source(%dma_start3A_36 : memref<640x128xf32, #tpu.memory_space<hbm>>) target(%dma_start3A_34 : memref<640x128xf32, #tpu.memory_space<vmem_shared>>) target_semaphore(%run_scoped3A : memref<!tpu.dma_semaphore, #tpu.memory_space<semaphore_mem>>)
      %dma_wait3A = arith.constant 0 : i32
      %dma_wait3A_37 = tpu.memref_slice %arg11[%mul3A_2, %dma_wait3A] : memref<10240x128xf32, #tpu.memory_space<vmem_shared>> -> memref<640x128xf32, #tpu.memory_space<vmem_shared>>
      %dma_wait3A_38 = arith.constant 0 : i32
      %dma_wait3A_39 = tpu.memref_slice %arg5[%mul3A_0, %dma_wait3A_38] : memref<10240x128xf32, #tpu.memory_space<hbm>> -> memref<640x128xf32, #tpu.memory_space<hbm>>
      tpu.wait_dma2 semaphore(%run_scoped3A : memref<!tpu.dma_semaphore, #tpu.memory_space<semaphore_mem>>) src(%dma_wait3A_39 : memref<640x128xf32, #tpu.memory_space<hbm>>) dst(%dma_wait3A_37 : memref<640x128xf32, #tpu.memory_space<vmem_shared>>)
      tpu.yield
    }) : () -> ()
    %barrier3A = arith.constant 0 : index
    tpu.barrier barrier_id(%barrier3A)
    %eq3A = arith.constant 0 : i32
    %eq3A_3 = arith.cmpi eq, %arg0, %eq3A : i32
    %mul3A_4 = arith.constant 128 : i32
    %mul3A_5 = arith.muli %arg1, %mul3A_4 : i32
    %mul3A_6 = arith.constant 32 : i32
    %mul3A_7 = arith.muli %arg1, %mul3A_6 : i32
    %add3A = arith.constant 2048 : i32
    %add3A_8 = arith.addi %add3A, %mul3A_7 : i32
    %select_n3A = arith.select %eq3A_3, %mul3A_5, %add3A_8 : i32
    %eq3A_9 = arith.constant 0 : i32
    %eq3A_10 = arith.cmpi eq, %arg0, %eq3A_9 : i32
    %jit3A = arith.constant 4 : i32
    %jit3A_11 = arith.constant 1 : i32
    %select_n3A_12 = arith.select %eq3A_10, %jit3A, %jit3A_11 : i32
    %sub3A = arith.constant 0 : i32
    %sub3A_13 = arith.subi %select_n3A_12, %sub3A : i32
    %sub3A_14 = arith.constant 1 : i32
    %sub3A_15 = arith.constant 1 : i32
    %sub3A_16 = arith.subi %sub3A_14, %sub3A_15 : i32
    %add3A_17 = arith.addi %sub3A_13, %sub3A_16 : i32
    %div3A = arith.constant 1 : i32
    %div3A_18 = arith.divsi %add3A_17, %div3A : i32
    %while3A = arith.constant 1 : i32
    %while3A_19 = arith.constant 0 : i32
    %while3A_20 = arith.constant 0 : i32
    %while3A_21 = arith.subi %div3A_18, %while3A_20 : i32
    %while3A_22 = arith.addi %while3A_20, %while3A_21 : i32
    %while3A_23 = arith.constant 1 : i32
    %while3A_24 = arith.divsi %while3A_21, %while3A_23 : i32
    %while3A_25 = arith.muli %while3A_24, %while3A_23 : i32
    %while3A_26 = arith.addi %while3A_20, %while3A_25 : i32
    %while3A_27 = arith.constant 1 : i32
    scf.for %while3A_34 = %while3A_20 to %while3A_26 step %while3A_27  : i32 {
      %mul3A_35 = arith.muli %while3A_34, %while3A : i32
      %add3A_36 = arith.addi %while3A_19, %mul3A_35 : i32
      %mul3A_37 = arith.constant 32 : i32
      %mul3A_38 = arith.muli %add3A_36, %mul3A_37 : i32
      %add3A_39 = arith.addi %select_n3A, %mul3A_38 : i32
      "tpu.region"() ({
        %run_scoped3A_71 = tpu.sem_alloc : memref<!tpu.dma_semaphore, #tpu.memory_space<semaphore_mem>>
        %dma_start3A_72 = arith.constant 0 : i32
        %dma_start3A_73 = tpu.memref_slice %arg3[%add3A_39, %dma_start3A_72] : memref<2560x128xi32, #tpu.memory_space<hbm>> -> memref<32x128xi32, #tpu.memory_space<hbm>>
        %dma_start3A_74 = arith.constant 0 : i32
        %dma_start3A_75 = tpu.memref_slice %arg3[%add3A_39, %dma_start3A_74] : memref<2560x128xi32, #tpu.memory_space<hbm>> -> memref<32x128xi32, #tpu.memory_space<hbm>>
        tpu.enqueue_dma source(%dma_start3A_75 : memref<32x128xi32, #tpu.memory_space<hbm>>) target(%arg7 : memref<32x128xi32, #tpu.memory_space<vmem>>) target_semaphore(%run_scoped3A_71 : memref<!tpu.dma_semaphore, #tpu.memory_space<semaphore_mem>>)
        %dma_wait3A_76 = arith.constant 0 : i32
        %dma_wait3A_77 = tpu.memref_slice %arg3[%add3A_39, %dma_wait3A_76] : memref<2560x128xi32, #tpu.memory_space<hbm>> -> memref<32x128xi32, #tpu.memory_space<hbm>>
        %dma_wait3A_78 = arith.constant 0 : i32
        %dma_wait3A_79 = tpu.memref_slice %arg3[%add3A_39, %dma_wait3A_78] : memref<2560x128xi32, #tpu.memory_space<hbm>> -> memref<32x128xi32, #tpu.memory_space<hbm>>
        tpu.wait_dma2 semaphore(%run_scoped3A_71 : memref<!tpu.dma_semaphore, #tpu.memory_space<semaphore_mem>>) src(%dma_wait3A_79 : memref<32x128xi32, #tpu.memory_space<hbm>>) dst(%arg7 : memref<32x128xi32, #tpu.memory_space<vmem>>)
        tpu.yield
      }) : () -> ()
      "tpu.region"() ({
        %run_scoped3A_71 = tpu.sem_alloc : memref<!tpu.dma_semaphore, #tpu.memory_space<semaphore_mem>>
        %dma_start3A_72 = arith.constant 0 : i32
        %dma_start3A_73 = tpu.memref_slice %arg4[%add3A_39, %dma_start3A_72] : memref<2560x128xi32, #tpu.memory_space<hbm>> -> memref<32x128xi32, #tpu.memory_space<hbm>>
        %dma_start3A_74 = arith.constant 0 : i32
        %dma_start3A_75 = tpu.memref_slice %arg4[%add3A_39, %dma_start3A_74] : memref<2560x128xi32, #tpu.memory_space<hbm>> -> memref<32x128xi32, #tpu.memory_space<hbm>>
        tpu.enqueue_dma source(%dma_start3A_75 : memref<32x128xi32, #tpu.memory_space<hbm>>) target(%arg8 : memref<32x128xi32, #tpu.memory_space<vmem>>) target_semaphore(%run_scoped3A_71 : memref<!tpu.dma_semaphore, #tpu.memory_space<semaphore_mem>>)
        %dma_wait3A_76 = arith.constant 0 : i32
        %dma_wait3A_77 = tpu.memref_slice %arg4[%add3A_39, %dma_wait3A_76] : memref<2560x128xi32, #tpu.memory_space<hbm>> -> memref<32x128xi32, #tpu.memory_space<hbm>>
        %dma_wait3A_78 = arith.constant 0 : i32
        %dma_wait3A_79 = tpu.memref_slice %arg4[%add3A_39, %dma_wait3A_78] : memref<2560x128xi32, #tpu.memory_space<hbm>> -> memref<32x128xi32, #tpu.memory_space<hbm>>
        tpu.wait_dma2 semaphore(%run_scoped3A_71 : memref<!tpu.dma_semaphore, #tpu.memory_space<semaphore_mem>>) src(%dma_wait3A_79 : memref<32x128xi32, #tpu.memory_space<hbm>>) dst(%arg8 : memref<32x128xi32, #tpu.memory_space<vmem>>)
        tpu.yield
      }) : () -> ()
      %dma_start3A = arith.constant 0 : i32
      %dma_start3A_40 = arith.constant 0 : i32
      %dma_start3A_41 = tpu.memref_slice %arg7[%dma_start3A, %dma_start3A_40] : memref<32x128xi32, #tpu.memory_space<vmem>> -> memref<1x128xi32, #tpu.memory_space<vmem>>
      %dma_start3A_42 = tpu.memref_squeeze %dma_start3A_41 : memref<1x128xi32, #tpu.memory_space<vmem>> -> memref<128xi32, #tpu.memory_space<vmem>>
      %dma_start3A_43 = arith.constant 0 : i32
      %dma_start3A_44 = arith.constant 0 : i32
      %dma_start3A_45 = tpu.memref_slice %arg2[%dma_start3A_43, %dma_start3A_44] : memref<10240x128xf32, #tpu.memory_space<hbm>> -> memref<10240x128xf32, #tpu.memory_space<hbm>>
      tpu.enqueue_indirect_dma source(%dma_start3A_45 : memref<10240x128xf32, #tpu.memory_space<hbm>>) target(%arg9 : memref<128x128xf32, #tpu.memory_space<vmem>>) offsets(%dma_start3A_42 : memref<128xi32, #tpu.memory_space<vmem>>) semaphore(%arg12 : memref<!tpu.dma_semaphore, #tpu.memory_space<semaphore_mem>>)
      %scan3A = arith.constant 0 : i32
      %scan3A_46 = arith.constant 15 : i32
      %scan3A_47 = arith.addi %scan3A, %scan3A_46 : i32
      %scan3A_48 = arith.constant 1 : i32
      scf.for %scan3A_71 = %scan3A to %scan3A_47 step %scan3A_48  : i32 {
        %mul3A_72 = arith.constant 1 : i32
        %mul3A_73 = arith.muli %scan3A_71, %mul3A_72 : i32
        %add3A_74 = arith.constant 0 : i32
        %add3A_75 = arith.addi %add3A_74, %mul3A_73 : i32
        %mul3A_76 = arith.constant 2 : i32
        %mul3A_77 = arith.muli %mul3A_76, %add3A_75 : i32
        %add3A_78 = arith.constant 1 : i32
        %add3A_79 = arith.addi %mul3A_77, %add3A_78 : i32
        %dma_start3A_80 = arith.constant 0 : i32
        %dma_start3A_81 = tpu.memref_slice %arg7[%add3A_79, %dma_start3A_80] : memref<32x128xi32, #tpu.memory_space<vmem>> -> memref<1x128xi32, #tpu.memory_space<vmem>>
        %dma_start3A_82 = tpu.memref_squeeze %dma_start3A_81 : memref<1x128xi32, #tpu.memory_space<vmem>> -> memref<128xi32, #tpu.memory_space<vmem>>
        %dma_start3A_83 = arith.constant 0 : i32
        %dma_start3A_84 = arith.constant 0 : i32
        %dma_start3A_85 = tpu.memref_slice %arg2[%dma_start3A_83, %dma_start3A_84] : memref<10240x128xf32, #tpu.memory_space<hbm>> -> memref<10240x128xf32, #tpu.memory_space<hbm>>
        tpu.enqueue_indirect_dma source(%dma_start3A_85 : memref<10240x128xf32, #tpu.memory_space<hbm>>) target(%arg10 : memref<128x128xf32, #tpu.memory_space<vmem>>) offsets(%dma_start3A_82 : memref<128xi32, #tpu.memory_space<vmem>>) semaphore(%arg13 : memref<!tpu.dma_semaphore, #tpu.memory_space<semaphore_mem>>)
        %dma_wait3A_86 = arith.constant 0 : i32
        %dma_wait3A_87 = tpu.memref_slice %arg7[%mul3A_77, %dma_wait3A_86] : memref<32x128xi32, #tpu.memory_space<vmem>> -> memref<1x128xi32, #tpu.memory_space<vmem>>
        %dma_wait3A_88 = tpu.memref_squeeze %dma_wait3A_87 : memref<1x128xi32, #tpu.memory_space<vmem>> -> memref<128xi32, #tpu.memory_space<vmem>>
        %dma_wait3A_89 = arith.constant 0 : i32
        %dma_wait3A_90 = arith.constant 0 : i32
        %dma_wait3A_91 = tpu.memref_slice %arg2[%dma_wait3A_89, %dma_wait3A_90] : memref<10240x128xf32, #tpu.memory_space<hbm>> -> memref<10240x128xf32, #tpu.memory_space<hbm>>
        tpu.wait_indirect_dma semaphore(%arg12 : memref<!tpu.dma_semaphore, #tpu.memory_space<semaphore_mem>>) src(%dma_wait3A_91 : memref<10240x128xf32, #tpu.memory_space<hbm>>) dst(%arg9 : memref<128x128xf32, #tpu.memory_space<vmem>>)
        "tpu.region"() ({
          %run_scoped3A_110 = tpu.sem_alloc : memref<!tpu.dma_semaphore, #tpu.memory_space<semaphore_mem>>
          %dma_start3A_111 = arith.constant 0 : i32
          %dma_start3A_112 = tpu.memref_slice %arg8[%mul3A_77, %dma_start3A_111] : memref<32x128xi32, #tpu.memory_space<vmem>> -> memref<1x128xi32, #tpu.memory_space<vmem>>
          %dma_start3A_113 = tpu.memref_squeeze %dma_start3A_112 : memref<1x128xi32, #tpu.memory_space<vmem>> -> memref<128xi32, #tpu.memory_space<vmem>>
          %dma_start3A_114 = arith.constant 0 : i32
          %dma_start3A_115 = arith.constant 0 : i32
          %dma_start3A_116 = tpu.memref_slice %arg11[%dma_start3A_114, %dma_start3A_115] : memref<10240x128xf32, #tpu.memory_space<vmem_shared>> -> memref<10240x128xf32, #tpu.memory_space<vmem_shared>>
          tpu.enqueue_indirect_dma source(%arg9 : memref<128x128xf32, #tpu.memory_space<vmem>>) target(%dma_start3A_116 : memref<10240x128xf32, #tpu.memory_space<vmem_shared>>) offsets(%dma_start3A_113 : memref<128xi32, #tpu.memory_space<vmem>>) semaphore(%run_scoped3A_110 : memref<!tpu.dma_semaphore, #tpu.memory_space<semaphore_mem>>) {add = true}
          %dma_wait3A_117 = arith.constant 0 : i32
          %dma_wait3A_118 = tpu.memref_slice %arg8[%mul3A_77, %dma_wait3A_117] : memref<32x128xi32, #tpu.memory_space<vmem>> -> memref<1x128xi32, #tpu.memory_space<vmem>>
          %dma_wait3A_119 = tpu.memref_squeeze %dma_wait3A_118 : memref<1x128xi32, #tpu.memory_space<vmem>> -> memref<128xi32, #tpu.memory_space<vmem>>
          %dma_wait3A_120 = arith.constant 0 : i32
          %dma_wait3A_121 = arith.constant 0 : i32
          %dma_wait3A_122 = tpu.memref_slice %arg11[%dma_wait3A_120, %dma_wait3A_121] : memref<10240x128xf32, #tpu.memory_space<vmem_shared>> -> memref<10240x128xf32, #tpu.memory_space<vmem_shared>>
          tpu.wait_indirect_dma semaphore(%run_scoped3A_110 : memref<!tpu.dma_semaphore, #tpu.memory_space<semaphore_mem>>) src(%arg9 : memref<128x128xf32, #tpu.memory_space<vmem>>) dst(%dma_wait3A_122 : memref<10240x128xf32, #tpu.memory_space<vmem_shared>>)
          tpu.yield
        }) : () -> ()
        %add3A_92 = arith.constant 2 : i32
        %add3A_93 = arith.addi %mul3A_77, %add3A_92 : i32
        %dma_start3A_94 = arith.constant 0 : i32
        %dma_start3A_95 = tpu.memref_slice %arg7[%add3A_93, %dma_start3A_94] : memref<32x128xi32, #tpu.memory_space<vmem>> -> memref<1x128xi32, #tpu.memory_space<vmem>>
        %dma_start3A_96 = tpu.memref_squeeze %dma_start3A_95 : memref<1x128xi32, #tpu.memory_space<vmem>> -> memref<128xi32, #tpu.memory_space<vmem>>
        %dma_start3A_97 = arith.constant 0 : i32
        %dma_start3A_98 = arith.constant 0 : i32
        %dma_start3A_99 = tpu.memref_slice %arg2[%dma_start3A_97, %dma_start3A_98] : memref<10240x128xf32, #tpu.memory_space<hbm>> -> memref<10240x128xf32, #tpu.memory_space<hbm>>
        tpu.enqueue_indirect_dma source(%dma_start3A_99 : memref<10240x128xf32, #tpu.memory_space<hbm>>) target(%arg9 : memref<128x128xf32, #tpu.memory_space<vmem>>) offsets(%dma_start3A_96 : memref<128xi32, #tpu.memory_space<vmem>>) semaphore(%arg12 : memref<!tpu.dma_semaphore, #tpu.memory_space<semaphore_mem>>)
        %add3A_100 = arith.constant 1 : i32
        %add3A_101 = arith.addi %mul3A_77, %add3A_100 : i32
        %dma_wait3A_102 = arith.constant 0 : i32
        %dma_wait3A_103 = tpu.memref_slice %arg7[%add3A_101, %dma_wait3A_102] : memref<32x128xi32, #tpu.memory_space<vmem>> -> memref<1x128xi32, #tpu.memory_space<vmem>>
        %dma_wait3A_104 = tpu.memref_squeeze %dma_wait3A_103 : memref<1x128xi32, #tpu.memory_space<vmem>> -> memref<128xi32, #tpu.memory_space<vmem>>
        %dma_wait3A_105 = arith.constant 0 : i32
        %dma_wait3A_106 = arith.constant 0 : i32
        %dma_wait3A_107 = tpu.memref_slice %arg2[%dma_wait3A_105, %dma_wait3A_106] : memref<10240x128xf32, #tpu.memory_space<hbm>> -> memref<10240x128xf32, #tpu.memory_space<hbm>>
        tpu.wait_indirect_dma semaphore(%arg13 : memref<!tpu.dma_semaphore, #tpu.memory_space<semaphore_mem>>) src(%dma_wait3A_107 : memref<10240x128xf32, #tpu.memory_space<hbm>>) dst(%arg10 : memref<128x128xf32, #tpu.memory_space<vmem>>)
        %add3A_108 = arith.constant 1 : i32
        %add3A_109 = arith.addi %mul3A_77, %add3A_108 : i32
        "tpu.region"() ({
          %run_scoped3A_110 = tpu.sem_alloc : memref<!tpu.dma_semaphore, #tpu.memory_space<semaphore_mem>>
          %dma_start3A_111 = arith.constant 0 : i32
          %dma_start3A_112 = tpu.memref_slice %arg8[%add3A_109, %dma_start3A_111] : memref<32x128xi32, #tpu.memory_space<vmem>> -> memref<1x128xi32, #tpu.memory_space<vmem>>
          %dma_start3A_113 = tpu.memref_squeeze %dma_start3A_112 : memref<1x128xi32, #tpu.memory_space<vmem>> -> memref<128xi32, #tpu.memory_space<vmem>>
          %dma_start3A_114 = arith.constant 0 : i32
          %dma_start3A_115 = arith.constant 0 : i32
          %dma_start3A_116 = tpu.memref_slice %arg11[%dma_start3A_114, %dma_start3A_115] : memref<10240x128xf32, #tpu.memory_space<vmem_shared>> -> memref<10240x128xf32, #tpu.memory_space<vmem_shared>>
          tpu.enqueue_indirect_dma source(%arg10 : memref<128x128xf32, #tpu.memory_space<vmem>>) target(%dma_start3A_116 : memref<10240x128xf32, #tpu.memory_space<vmem_shared>>) offsets(%dma_start3A_113 : memref<128xi32, #tpu.memory_space<vmem>>) semaphore(%run_scoped3A_110 : memref<!tpu.dma_semaphore, #tpu.memory_space<semaphore_mem>>) {add = true}
          %dma_wait3A_117 = arith.constant 0 : i32
          %dma_wait3A_118 = tpu.memref_slice %arg8[%add3A_109, %dma_wait3A_117] : memref<32x128xi32, #tpu.memory_space<vmem>> -> memref<1x128xi32, #tpu.memory_space<vmem>>
          %dma_wait3A_119 = tpu.memref_squeeze %dma_wait3A_118 : memref<1x128xi32, #tpu.memory_space<vmem>> -> memref<128xi32, #tpu.memory_space<vmem>>
          %dma_wait3A_120 = arith.constant 0 : i32
          %dma_wait3A_121 = arith.constant 0 : i32
          %dma_wait3A_122 = tpu.memref_slice %arg11[%dma_wait3A_120, %dma_wait3A_121] : memref<10240x128xf32, #tpu.memory_space<vmem_shared>> -> memref<10240x128xf32, #tpu.memory_space<vmem_shared>>
          tpu.wait_indirect_dma semaphore(%run_scoped3A_110 : memref<!tpu.dma_semaphore, #tpu.memory_space<semaphore_mem>>) src(%arg10 : memref<128x128xf32, #tpu.memory_space<vmem>>) dst(%dma_wait3A_122 : memref<10240x128xf32, #tpu.memory_space<vmem_shared>>)
          tpu.yield
        }) : () -> ()
      }
      %scan3A_49 = arith.constant 15 : i32
      %dma_start3A_50 = arith.constant 31 : i32
      %dma_start3A_51 = arith.constant 0 : i32
      %dma_start3A_52 = tpu.memref_slice %arg7[%dma_start3A_50, %dma_start3A_51] : memref<32x128xi32, #tpu.memory_space<vmem>> -> memref<1x128xi32, #tpu.memory_space<vmem>>
      %dma_start3A_53 = tpu.memref_squeeze %dma_start3A_52 : memref<1x128xi32, #tpu.memory_space<vmem>> -> memref<128xi32, #tpu.memory_space<vmem>>
      %dma_start3A_54 = arith.constant 0 : i32
      %dma_start3A_55 = arith.constant 0 : i32
      %dma_start3A_56 = tpu.memref_slice %arg2[%dma_start3A_54, %dma_start3A_55] : memref<10240x128xf32, #tpu.memory_space<hbm>> -> memref<10240x128xf32, #tpu.memory_space<hbm>>
      tpu.enqueue_indirect_dma source(%dma_start3A_56 : memref<10240x128xf32, #tpu.memory_space<hbm>>) target(%arg10 : memref<128x128xf32, #tpu.memory_space<vmem>>) offsets(%dma_start3A_53 : memref<128xi32, #tpu.memory_space<vmem>>) semaphore(%arg13 : memref<!tpu.dma_semaphore, #tpu.memory_space<semaphore_mem>>)
      %dma_wait3A = arith.constant 30 : i32
      %dma_wait3A_57 = arith.constant 0 : i32
      %dma_wait3A_58 = tpu.memref_slice %arg7[%dma_wait3A, %dma_wait3A_57] : memref<32x128xi32, #tpu.memory_space<vmem>> -> memref<1x128xi32, #tpu.memory_space<vmem>>
      %dma_wait3A_59 = tpu.memref_squeeze %dma_wait3A_58 : memref<1x128xi32, #tpu.memory_space<vmem>> -> memref<128xi32, #tpu.memory_space<vmem>>
      %dma_wait3A_60 = arith.constant 0 : i32
      %dma_wait3A_61 = arith.constant 0 : i32
      %dma_wait3A_62 = tpu.memref_slice %arg2[%dma_wait3A_60, %dma_wait3A_61] : memref<10240x128xf32, #tpu.memory_space<hbm>> -> memref<10240x128xf32, #tpu.memory_space<hbm>>
      tpu.wait_indirect_dma semaphore(%arg12 : memref<!tpu.dma_semaphore, #tpu.memory_space<semaphore_mem>>) src(%dma_wait3A_62 : memref<10240x128xf32, #tpu.memory_space<hbm>>) dst(%arg9 : memref<128x128xf32, #tpu.memory_space<vmem>>)
      %run_scoped3A = arith.constant 30 : i32
      "tpu.region"() ({
        %run_scoped3A_71 = tpu.sem_alloc : memref<!tpu.dma_semaphore, #tpu.memory_space<semaphore_mem>>
        %dma_start3A_72 = arith.constant 0 : i32
        %dma_start3A_73 = tpu.memref_slice %arg8[%run_scoped3A, %dma_start3A_72] : memref<32x128xi32, #tpu.memory_space<vmem>> -> memref<1x128xi32, #tpu.memory_space<vmem>>
        %dma_start3A_74 = tpu.memref_squeeze %dma_start3A_73 : memref<1x128xi32, #tpu.memory_space<vmem>> -> memref<128xi32, #tpu.memory_space<vmem>>
        %dma_start3A_75 = arith.constant 0 : i32
        %dma_start3A_76 = arith.constant 0 : i32
        %dma_start3A_77 = tpu.memref_slice %arg11[%dma_start3A_75, %dma_start3A_76] : memref<10240x128xf32, #tpu.memory_space<vmem_shared>> -> memref<10240x128xf32, #tpu.memory_space<vmem_shared>>
        tpu.enqueue_indirect_dma source(%arg9 : memref<128x128xf32, #tpu.memory_space<vmem>>) target(%dma_start3A_77 : memref<10240x128xf32, #tpu.memory_space<vmem_shared>>) offsets(%dma_start3A_74 : memref<128xi32, #tpu.memory_space<vmem>>) semaphore(%run_scoped3A_71 : memref<!tpu.dma_semaphore, #tpu.memory_space<semaphore_mem>>) {add = true}
        %dma_wait3A_78 = arith.constant 0 : i32
        %dma_wait3A_79 = tpu.memref_slice %arg8[%run_scoped3A, %dma_wait3A_78] : memref<32x128xi32, #tpu.memory_space<vmem>> -> memref<1x128xi32, #tpu.memory_space<vmem>>
        %dma_wait3A_80 = tpu.memref_squeeze %dma_wait3A_79 : memref<1x128xi32, #tpu.memory_space<vmem>> -> memref<128xi32, #tpu.memory_space<vmem>>
        %dma_wait3A_81 = arith.constant 0 : i32
        %dma_wait3A_82 = arith.constant 0 : i32
        %dma_wait3A_83 = tpu.memref_slice %arg11[%dma_wait3A_81, %dma_wait3A_82] : memref<10240x128xf32, #tpu.memory_space<vmem_shared>> -> memref<10240x128xf32, #tpu.memory_space<vmem_shared>>
        tpu.wait_indirect_dma semaphore(%run_scoped3A_71 : memref<!tpu.dma_semaphore, #tpu.memory_space<semaphore_mem>>) src(%arg9 : memref<128x128xf32, #tpu.memory_space<vmem>>) dst(%dma_wait3A_83 : memref<10240x128xf32, #tpu.memory_space<vmem_shared>>)
        tpu.yield
      }) : () -> ()
      %dma_wait3A_63 = arith.constant 31 : i32
      %dma_wait3A_64 = arith.constant 0 : i32
      %dma_wait3A_65 = tpu.memref_slice %arg7[%dma_wait3A_63, %dma_wait3A_64] : memref<32x128xi32, #tpu.memory_space<vmem>> -> memref<1x128xi32, #tpu.memory_space<vmem>>
      %dma_wait3A_66 = tpu.memref_squeeze %dma_wait3A_65 : memref<1x128xi32, #tpu.memory_space<vmem>> -> memref<128xi32, #tpu.memory_space<vmem>>
      %dma_wait3A_67 = arith.constant 0 : i32
      %dma_wait3A_68 = arith.constant 0 : i32
      %dma_wait3A_69 = tpu.memref_slice %arg2[%dma_wait3A_67, %dma_wait3A_68] : memref<10240x128xf32, #tpu.memory_space<hbm>> -> memref<10240x128xf32, #tpu.memory_space<hbm>>
      tpu.wait_indirect_dma semaphore(%arg13 : memref<!tpu.dma_semaphore, #tpu.memory_space<semaphore_mem>>) src(%dma_wait3A_69 : memref<10240x128xf32, #tpu.memory_space<hbm>>) dst(%arg10 : memref<128x128xf32, #tpu.memory_space<vmem>>)
      %run_scoped3A_70 = arith.constant 31 : i32
      "tpu.region"() ({
        %run_scoped3A_71 = tpu.sem_alloc : memref<!tpu.dma_semaphore, #tpu.memory_space<semaphore_mem>>
        %dma_start3A_72 = arith.constant 0 : i32
        %dma_start3A_73 = tpu.memref_slice %arg8[%run_scoped3A_70, %dma_start3A_72] : memref<32x128xi32, #tpu.memory_space<vmem>> -> memref<1x128xi32, #tpu.memory_space<vmem>>
        %dma_start3A_74 = tpu.memref_squeeze %dma_start3A_73 : memref<1x128xi32, #tpu.memory_space<vmem>> -> memref<128xi32, #tpu.memory_space<vmem>>
        %dma_start3A_75 = arith.constant 0 : i32
        %dma_start3A_76 = arith.constant 0 : i32
        %dma_start3A_77 = tpu.memref_slice %arg11[%dma_start3A_75, %dma_start3A_76] : memref<10240x128xf32, #tpu.memory_space<vmem_shared>> -> memref<10240x128xf32, #tpu.memory_space<vmem_shared>>
        tpu.enqueue_indirect_dma source(%arg10 : memref<128x128xf32, #tpu.memory_space<vmem>>) target(%dma_start3A_77 : memref<10240x128xf32, #tpu.memory_space<vmem_shared>>) offsets(%dma_start3A_74 : memref<128xi32, #tpu.memory_space<vmem>>) semaphore(%run_scoped3A_71 : memref<!tpu.dma_semaphore, #tpu.memory_space<semaphore_mem>>) {add = true}
        %dma_wait3A_78 = arith.constant 0 : i32
        %dma_wait3A_79 = tpu.memref_slice %arg8[%run_scoped3A_70, %dma_wait3A_78] : memref<32x128xi32, #tpu.memory_space<vmem>> -> memref<1x128xi32, #tpu.memory_space<vmem>>
        %dma_wait3A_80 = tpu.memref_squeeze %dma_wait3A_79 : memref<1x128xi32, #tpu.memory_space<vmem>> -> memref<128xi32, #tpu.memory_space<vmem>>
        %dma_wait3A_81 = arith.constant 0 : i32
        %dma_wait3A_82 = arith.constant 0 : i32
        %dma_wait3A_83 = tpu.memref_slice %arg11[%dma_wait3A_81, %dma_wait3A_82] : memref<10240x128xf32, #tpu.memory_space<vmem_shared>> -> memref<10240x128xf32, #tpu.memory_space<vmem_shared>>
        tpu.wait_indirect_dma semaphore(%run_scoped3A_71 : memref<!tpu.dma_semaphore, #tpu.memory_space<semaphore_mem>>) src(%arg10 : memref<128x128xf32, #tpu.memory_space<vmem>>) dst(%dma_wait3A_83 : memref<10240x128xf32, #tpu.memory_space<vmem_shared>>)
        tpu.yield
      }) : () -> ()
    }
    %while3A_28 = arith.constant 1 : i32
    scf.for %while3A_34 = %while3A_26 to %while3A_22 step %while3A_28  : i32 {
      %mul3A_35 = arith.muli %while3A_34, %while3A : i32
      %add3A_36 = arith.addi %while3A_19, %mul3A_35 : i32
      %mul3A_37 = arith.constant 32 : i32
      %mul3A_38 = arith.muli %add3A_36, %mul3A_37 : i32
      %add3A_39 = arith.addi %select_n3A, %mul3A_38 : i32
      "tpu.region"() ({
        %run_scoped3A_71 = tpu.sem_alloc : memref<!tpu.dma_semaphore, #tpu.memory_space<semaphore_mem>>
        %dma_start3A_72 = arith.constant 0 : i32
        %dma_start3A_73 = tpu.memref_slice %arg3[%add3A_39, %dma_start3A_72] : memref<2560x128xi32, #tpu.memory_space<hbm>> -> memref<32x128xi32, #tpu.memory_space<hbm>>
        %dma_start3A_74 = arith.constant 0 : i32
        %dma_start3A_75 = tpu.memref_slice %arg3[%add3A_39, %dma_start3A_74] : memref<2560x128xi32, #tpu.memory_space<hbm>> -> memref<32x128xi32, #tpu.memory_space<hbm>>
        tpu.enqueue_dma source(%dma_start3A_75 : memref<32x128xi32, #tpu.memory_space<hbm>>) target(%arg7 : memref<32x128xi32, #tpu.memory_space<vmem>>) target_semaphore(%run_scoped3A_71 : memref<!tpu.dma_semaphore, #tpu.memory_space<semaphore_mem>>)
        %dma_wait3A_76 = arith.constant 0 : i32
        %dma_wait3A_77 = tpu.memref_slice %arg3[%add3A_39, %dma_wait3A_76] : memref<2560x128xi32, #tpu.memory_space<hbm>> -> memref<32x128xi32, #tpu.memory_space<hbm>>
        %dma_wait3A_78 = arith.constant 0 : i32
        %dma_wait3A_79 = tpu.memref_slice %arg3[%add3A_39, %dma_wait3A_78] : memref<2560x128xi32, #tpu.memory_space<hbm>> -> memref<32x128xi32, #tpu.memory_space<hbm>>
        tpu.wait_dma2 semaphore(%run_scoped3A_71 : memref<!tpu.dma_semaphore, #tpu.memory_space<semaphore_mem>>) src(%dma_wait3A_79 : memref<32x128xi32, #tpu.memory_space<hbm>>) dst(%arg7 : memref<32x128xi32, #tpu.memory_space<vmem>>)
        tpu.yield
      }) : () -> ()
      "tpu.region"() ({
        %run_scoped3A_71 = tpu.sem_alloc : memref<!tpu.dma_semaphore, #tpu.memory_space<semaphore_mem>>
        %dma_start3A_72 = arith.constant 0 : i32
        %dma_start3A_73 = tpu.memref_slice %arg4[%add3A_39, %dma_start3A_72] : memref<2560x128xi32, #tpu.memory_space<hbm>> -> memref<32x128xi32, #tpu.memory_space<hbm>>
        %dma_start3A_74 = arith.constant 0 : i32
        %dma_start3A_75 = tpu.memref_slice %arg4[%add3A_39, %dma_start3A_74] : memref<2560x128xi32, #tpu.memory_space<hbm>> -> memref<32x128xi32, #tpu.memory_space<hbm>>
        tpu.enqueue_dma source(%dma_start3A_75 : memref<32x128xi32, #tpu.memory_space<hbm>>) target(%arg8 : memref<32x128xi32, #tpu.memory_space<vmem>>) target_semaphore(%run_scoped3A_71 : memref<!tpu.dma_semaphore, #tpu.memory_space<semaphore_mem>>)
        %dma_wait3A_76 = arith.constant 0 : i32
        %dma_wait3A_77 = tpu.memref_slice %arg4[%add3A_39, %dma_wait3A_76] : memref<2560x128xi32, #tpu.memory_space<hbm>> -> memref<32x128xi32, #tpu.memory_space<hbm>>
        %dma_wait3A_78 = arith.constant 0 : i32
        %dma_wait3A_79 = tpu.memref_slice %arg4[%add3A_39, %dma_wait3A_78] : memref<2560x128xi32, #tpu.memory_space<hbm>> -> memref<32x128xi32, #tpu.memory_space<hbm>>
        tpu.wait_dma2 semaphore(%run_scoped3A_71 : memref<!tpu.dma_semaphore, #tpu.memory_space<semaphore_mem>>) src(%dma_wait3A_79 : memref<32x128xi32, #tpu.memory_space<hbm>>) dst(%arg8 : memref<32x128xi32, #tpu.memory_space<vmem>>)
        tpu.yield
      }) : () -> ()
      %dma_start3A = arith.constant 0 : i32
      %dma_start3A_40 = arith.constant 0 : i32
      %dma_start3A_41 = tpu.memref_slice %arg7[%dma_start3A, %dma_start3A_40] : memref<32x128xi32, #tpu.memory_space<vmem>> -> memref<1x128xi32, #tpu.memory_space<vmem>>
      %dma_start3A_42 = tpu.memref_squeeze %dma_start3A_41 : memref<1x128xi32, #tpu.memory_space<vmem>> -> memref<128xi32, #tpu.memory_space<vmem>>
      %dma_start3A_43 = arith.constant 0 : i32
      %dma_start3A_44 = arith.constant 0 : i32
      %dma_start3A_45 = tpu.memref_slice %arg2[%dma_start3A_43, %dma_start3A_44] : memref<10240x128xf32, #tpu.memory_space<hbm>> -> memref<10240x128xf32, #tpu.memory_space<hbm>>
      tpu.enqueue_indirect_dma source(%dma_start3A_45 : memref<10240x128xf32, #tpu.memory_space<hbm>>) target(%arg9 : memref<128x128xf32, #tpu.memory_space<vmem>>) offsets(%dma_start3A_42 : memref<128xi32, #tpu.memory_space<vmem>>) semaphore(%arg12 : memref<!tpu.dma_semaphore, #tpu.memory_space<semaphore_mem>>)
      %scan3A = arith.constant 0 : i32
      %scan3A_46 = arith.constant 15 : i32
      %scan3A_47 = arith.addi %scan3A, %scan3A_46 : i32
      %scan3A_48 = arith.constant 1 : i32
      scf.for %scan3A_71 = %scan3A to %scan3A_47 step %scan3A_48  : i32 {
        %mul3A_72 = arith.constant 1 : i32
        %mul3A_73 = arith.muli %scan3A_71, %mul3A_72 : i32
        %add3A_74 = arith.constant 0 : i32
        %add3A_75 = arith.addi %add3A_74, %mul3A_73 : i32
        %mul3A_76 = arith.constant 2 : i32
        %mul3A_77 = arith.muli %mul3A_76, %add3A_75 : i32
        %add3A_78 = arith.constant 1 : i32
        %add3A_79 = arith.addi %mul3A_77, %add3A_78 : i32
        %dma_start3A_80 = arith.constant 0 : i32
        %dma_start3A_81 = tpu.memref_slice %arg7[%add3A_79, %dma_start3A_80] : memref<32x128xi32, #tpu.memory_space<vmem>> -> memref<1x128xi32, #tpu.memory_space<vmem>>
        %dma_start3A_82 = tpu.memref_squeeze %dma_start3A_81 : memref<1x128xi32, #tpu.memory_space<vmem>> -> memref<128xi32, #tpu.memory_space<vmem>>
        %dma_start3A_83 = arith.constant 0 : i32
        %dma_start3A_84 = arith.constant 0 : i32
        %dma_start3A_85 = tpu.memref_slice %arg2[%dma_start3A_83, %dma_start3A_84] : memref<10240x128xf32, #tpu.memory_space<hbm>> -> memref<10240x128xf32, #tpu.memory_space<hbm>>
        tpu.enqueue_indirect_dma source(%dma_start3A_85 : memref<10240x128xf32, #tpu.memory_space<hbm>>) target(%arg10 : memref<128x128xf32, #tpu.memory_space<vmem>>) offsets(%dma_start3A_82 : memref<128xi32, #tpu.memory_space<vmem>>) semaphore(%arg13 : memref<!tpu.dma_semaphore, #tpu.memory_space<semaphore_mem>>)
        %dma_wait3A_86 = arith.constant 0 : i32
        %dma_wait3A_87 = tpu.memref_slice %arg7[%mul3A_77, %dma_wait3A_86] : memref<32x128xi32, #tpu.memory_space<vmem>> -> memref<1x128xi32, #tpu.memory_space<vmem>>
        %dma_wait3A_88 = tpu.memref_squeeze %dma_wait3A_87 : memref<1x128xi32, #tpu.memory_space<vmem>> -> memref<128xi32, #tpu.memory_space<vmem>>
        %dma_wait3A_89 = arith.constant 0 : i32
        %dma_wait3A_90 = arith.constant 0 : i32
        %dma_wait3A_91 = tpu.memref_slice %arg2[%dma_wait3A_89, %dma_wait3A_90] : memref<10240x128xf32, #tpu.memory_space<hbm>> -> memref<10240x128xf32, #tpu.memory_space<hbm>>
        tpu.wait_indirect_dma semaphore(%arg12 : memref<!tpu.dma_semaphore, #tpu.memory_space<semaphore_mem>>) src(%dma_wait3A_91 : memref<10240x128xf32, #tpu.memory_space<hbm>>) dst(%arg9 : memref<128x128xf32, #tpu.memory_space<vmem>>)
        "tpu.region"() ({
          %run_scoped3A_110 = tpu.sem_alloc : memref<!tpu.dma_semaphore, #tpu.memory_space<semaphore_mem>>
          %dma_start3A_111 = arith.constant 0 : i32
          %dma_start3A_112 = tpu.memref_slice %arg8[%mul3A_77, %dma_start3A_111] : memref<32x128xi32, #tpu.memory_space<vmem>> -> memref<1x128xi32, #tpu.memory_space<vmem>>
          %dma_start3A_113 = tpu.memref_squeeze %dma_start3A_112 : memref<1x128xi32, #tpu.memory_space<vmem>> -> memref<128xi32, #tpu.memory_space<vmem>>
          %dma_start3A_114 = arith.constant 0 : i32
          %dma_start3A_115 = arith.constant 0 : i32
          %dma_start3A_116 = tpu.memref_slice %arg11[%dma_start3A_114, %dma_start3A_115] : memref<10240x128xf32, #tpu.memory_space<vmem_shared>> -> memref<10240x128xf32, #tpu.memory_space<vmem_shared>>
          tpu.enqueue_indirect_dma source(%arg9 : memref<128x128xf32, #tpu.memory_space<vmem>>) target(%dma_start3A_116 : memref<10240x128xf32, #tpu.memory_space<vmem_shared>>) offsets(%dma_start3A_113 : memref<128xi32, #tpu.memory_space<vmem>>) semaphore(%run_scoped3A_110 : memref<!tpu.dma_semaphore, #tpu.memory_space<semaphore_mem>>) {add = true}
          %dma_wait3A_117 = arith.constant 0 : i32
          %dma_wait3A_118 = tpu.memref_slice %arg8[%mul3A_77, %dma_wait3A_117] : memref<32x128xi32, #tpu.memory_space<vmem>> -> memref<1x128xi32, #tpu.memory_space<vmem>>
          %dma_wait3A_119 = tpu.memref_squeeze %dma_wait3A_118 : memref<1x128xi32, #tpu.memory_space<vmem>> -> memref<128xi32, #tpu.memory_space<vmem>>
          %dma_wait3A_120 = arith.constant 0 : i32
          %dma_wait3A_121 = arith.constant 0 : i32
          %dma_wait3A_122 = tpu.memref_slice %arg11[%dma_wait3A_120, %dma_wait3A_121] : memref<10240x128xf32, #tpu.memory_space<vmem_shared>> -> memref<10240x128xf32, #tpu.memory_space<vmem_shared>>
          tpu.wait_indirect_dma semaphore(%run_scoped3A_110 : memref<!tpu.dma_semaphore, #tpu.memory_space<semaphore_mem>>) src(%arg9 : memref<128x128xf32, #tpu.memory_space<vmem>>) dst(%dma_wait3A_122 : memref<10240x128xf32, #tpu.memory_space<vmem_shared>>)
          tpu.yield
        }) : () -> ()
        %add3A_92 = arith.constant 2 : i32
        %add3A_93 = arith.addi %mul3A_77, %add3A_92 : i32
        %dma_start3A_94 = arith.constant 0 : i32
        %dma_start3A_95 = tpu.memref_slice %arg7[%add3A_93, %dma_start3A_94] : memref<32x128xi32, #tpu.memory_space<vmem>> -> memref<1x128xi32, #tpu.memory_space<vmem>>
        %dma_start3A_96 = tpu.memref_squeeze %dma_start3A_95 : memref<1x128xi32, #tpu.memory_space<vmem>> -> memref<128xi32, #tpu.memory_space<vmem>>
        %dma_start3A_97 = arith.constant 0 : i32
        %dma_start3A_98 = arith.constant 0 : i32
        %dma_start3A_99 = tpu.memref_slice %arg2[%dma_start3A_97, %dma_start3A_98] : memref<10240x128xf32, #tpu.memory_space<hbm>> -> memref<10240x128xf32, #tpu.memory_space<hbm>>
        tpu.enqueue_indirect_dma source(%dma_start3A_99 : memref<10240x128xf32, #tpu.memory_space<hbm>>) target(%arg9 : memref<128x128xf32, #tpu.memory_space<vmem>>) offsets(%dma_start3A_96 : memref<128xi32, #tpu.memory_space<vmem>>) semaphore(%arg12 : memref<!tpu.dma_semaphore, #tpu.memory_space<semaphore_mem>>)
        %add3A_100 = arith.constant 1 : i32
        %add3A_101 = arith.addi %mul3A_77, %add3A_100 : i32
        %dma_wait3A_102 = arith.constant 0 : i32
        %dma_wait3A_103 = tpu.memref_slice %arg7[%add3A_101, %dma_wait3A_102] : memref<32x128xi32, #tpu.memory_space<vmem>> -> memref<1x128xi32, #tpu.memory_space<vmem>>
        %dma_wait3A_104 = tpu.memref_squeeze %dma_wait3A_103 : memref<1x128xi32, #tpu.memory_space<vmem>> -> memref<128xi32, #tpu.memory_space<vmem>>
        %dma_wait3A_105 = arith.constant 0 : i32
        %dma_wait3A_106 = arith.constant 0 : i32
        %dma_wait3A_107 = tpu.memref_slice %arg2[%dma_wait3A_105, %dma_wait3A_106] : memref<10240x128xf32, #tpu.memory_space<hbm>> -> memref<10240x128xf32, #tpu.memory_space<hbm>>
        tpu.wait_indirect_dma semaphore(%arg13 : memref<!tpu.dma_semaphore, #tpu.memory_space<semaphore_mem>>) src(%dma_wait3A_107 : memref<10240x128xf32, #tpu.memory_space<hbm>>) dst(%arg10 : memref<128x128xf32, #tpu.memory_space<vmem>>)
        %add3A_108 = arith.constant 1 : i32
        %add3A_109 = arith.addi %mul3A_77, %add3A_108 : i32
        "tpu.region"() ({
          %run_scoped3A_110 = tpu.sem_alloc : memref<!tpu.dma_semaphore, #tpu.memory_space<semaphore_mem>>
          %dma_start3A_111 = arith.constant 0 : i32
          %dma_start3A_112 = tpu.memref_slice %arg8[%add3A_109, %dma_start3A_111] : memref<32x128xi32, #tpu.memory_space<vmem>> -> memref<1x128xi32, #tpu.memory_space<vmem>>
          %dma_start3A_113 = tpu.memref_squeeze %dma_start3A_112 : memref<1x128xi32, #tpu.memory_space<vmem>> -> memref<128xi32, #tpu.memory_space<vmem>>
          %dma_start3A_114 = arith.constant 0 : i32
          %dma_start3A_115 = arith.constant 0 : i32
          %dma_start3A_116 = tpu.memref_slice %arg11[%dma_start3A_114, %dma_start3A_115] : memref<10240x128xf32, #tpu.memory_space<vmem_shared>> -> memref<10240x128xf32, #tpu.memory_space<vmem_shared>>
          tpu.enqueue_indirect_dma source(%arg10 : memref<128x128xf32, #tpu.memory_space<vmem>>) target(%dma_start3A_116 : memref<10240x128xf32, #tpu.memory_space<vmem_shared>>) offsets(%dma_start3A_113 : memref<128xi32, #tpu.memory_space<vmem>>) semaphore(%run_scoped3A_110 : memref<!tpu.dma_semaphore, #tpu.memory_space<semaphore_mem>>) {add = true}
          %dma_wait3A_117 = arith.constant 0 : i32
          %dma_wait3A_118 = tpu.memref_slice %arg8[%add3A_109, %dma_wait3A_117] : memref<32x128xi32, #tpu.memory_space<vmem>> -> memref<1x128xi32, #tpu.memory_space<vmem>>
          %dma_wait3A_119 = tpu.memref_squeeze %dma_wait3A_118 : memref<1x128xi32, #tpu.memory_space<vmem>> -> memref<128xi32, #tpu.memory_space<vmem>>
          %dma_wait3A_120 = arith.constant 0 : i32
          %dma_wait3A_121 = arith.constant 0 : i32
          %dma_wait3A_122 = tpu.memref_slice %arg11[%dma_wait3A_120, %dma_wait3A_121] : memref<10240x128xf32, #tpu.memory_space<vmem_shared>> -> memref<10240x128xf32, #tpu.memory_space<vmem_shared>>
          tpu.wait_indirect_dma semaphore(%run_scoped3A_110 : memref<!tpu.dma_semaphore, #tpu.memory_space<semaphore_mem>>) src(%arg10 : memref<128x128xf32, #tpu.memory_space<vmem>>) dst(%dma_wait3A_122 : memref<10240x128xf32, #tpu.memory_space<vmem_shared>>)
          tpu.yield
        }) : () -> ()
      }
      %scan3A_49 = arith.constant 15 : i32
      %dma_start3A_50 = arith.constant 31 : i32
      %dma_start3A_51 = arith.constant 0 : i32
      %dma_start3A_52 = tpu.memref_slice %arg7[%dma_start3A_50, %dma_start3A_51] : memref<32x128xi32, #tpu.memory_space<vmem>> -> memref<1x128xi32, #tpu.memory_space<vmem>>
      %dma_start3A_53 = tpu.memref_squeeze %dma_start3A_52 : memref<1x128xi32, #tpu.memory_space<vmem>> -> memref<128xi32, #tpu.memory_space<vmem>>
      %dma_start3A_54 = arith.constant 0 : i32
      %dma_start3A_55 = arith.constant 0 : i32
      %dma_start3A_56 = tpu.memref_slice %arg2[%dma_start3A_54, %dma_start3A_55] : memref<10240x128xf32, #tpu.memory_space<hbm>> -> memref<10240x128xf32, #tpu.memory_space<hbm>>
      tpu.enqueue_indirect_dma source(%dma_start3A_56 : memref<10240x128xf32, #tpu.memory_space<hbm>>) target(%arg10 : memref<128x128xf32, #tpu.memory_space<vmem>>) offsets(%dma_start3A_53 : memref<128xi32, #tpu.memory_space<vmem>>) semaphore(%arg13 : memref<!tpu.dma_semaphore, #tpu.memory_space<semaphore_mem>>)
      %dma_wait3A = arith.constant 30 : i32
      %dma_wait3A_57 = arith.constant 0 : i32
      %dma_wait3A_58 = tpu.memref_slice %arg7[%dma_wait3A, %dma_wait3A_57] : memref<32x128xi32, #tpu.memory_space<vmem>> -> memref<1x128xi32, #tpu.memory_space<vmem>>
      %dma_wait3A_59 = tpu.memref_squeeze %dma_wait3A_58 : memref<1x128xi32, #tpu.memory_space<vmem>> -> memref<128xi32, #tpu.memory_space<vmem>>
      %dma_wait3A_60 = arith.constant 0 : i32
      %dma_wait3A_61 = arith.constant 0 : i32
      %dma_wait3A_62 = tpu.memref_slice %arg2[%dma_wait3A_60, %dma_wait3A_61] : memref<10240x128xf32, #tpu.memory_space<hbm>> -> memref<10240x128xf32, #tpu.memory_space<hbm>>
      tpu.wait_indirect_dma semaphore(%arg12 : memref<!tpu.dma_semaphore, #tpu.memory_space<semaphore_mem>>) src(%dma_wait3A_62 : memref<10240x128xf32, #tpu.memory_space<hbm>>) dst(%arg9 : memref<128x128xf32, #tpu.memory_space<vmem>>)
      %run_scoped3A = arith.constant 30 : i32
      "tpu.region"() ({
        %run_scoped3A_71 = tpu.sem_alloc : memref<!tpu.dma_semaphore, #tpu.memory_space<semaphore_mem>>
        %dma_start3A_72 = arith.constant 0 : i32
        %dma_start3A_73 = tpu.memref_slice %arg8[%run_scoped3A, %dma_start3A_72] : memref<32x128xi32, #tpu.memory_space<vmem>> -> memref<1x128xi32, #tpu.memory_space<vmem>>
        %dma_start3A_74 = tpu.memref_squeeze %dma_start3A_73 : memref<1x128xi32, #tpu.memory_space<vmem>> -> memref<128xi32, #tpu.memory_space<vmem>>
        %dma_start3A_75 = arith.constant 0 : i32
        %dma_start3A_76 = arith.constant 0 : i32
        %dma_start3A_77 = tpu.memref_slice %arg11[%dma_start3A_75, %dma_start3A_76] : memref<10240x128xf32, #tpu.memory_space<vmem_shared>> -> memref<10240x128xf32, #tpu.memory_space<vmem_shared>>
        tpu.enqueue_indirect_dma source(%arg9 : memref<128x128xf32, #tpu.memory_space<vmem>>) target(%dma_start3A_77 : memref<10240x128xf32, #tpu.memory_space<vmem_shared>>) offsets(%dma_start3A_74 : memref<128xi32, #tpu.memory_space<vmem>>) semaphore(%run_scoped3A_71 : memref<!tpu.dma_semaphore, #tpu.memory_space<semaphore_mem>>) {add = true}
        %dma_wait3A_78 = arith.constant 0 : i32
        %dma_wait3A_79 = tpu.memref_slice %arg8[%run_scoped3A, %dma_wait3A_78] : memref<32x128xi32, #tpu.memory_space<vmem>> -> memref<1x128xi32, #tpu.memory_space<vmem>>
        %dma_wait3A_80 = tpu.memref_squeeze %dma_wait3A_79 : memref<1x128xi32, #tpu.memory_space<vmem>> -> memref<128xi32, #tpu.memory_space<vmem>>
        %dma_wait3A_81 = arith.constant 0 : i32
        %dma_wait3A_82 = arith.constant 0 : i32
        %dma_wait3A_83 = tpu.memref_slice %arg11[%dma_wait3A_81, %dma_wait3A_82] : memref<10240x128xf32, #tpu.memory_space<vmem_shared>> -> memref<10240x128xf32, #tpu.memory_space<vmem_shared>>
        tpu.wait_indirect_dma semaphore(%run_scoped3A_71 : memref<!tpu.dma_semaphore, #tpu.memory_space<semaphore_mem>>) src(%arg9 : memref<128x128xf32, #tpu.memory_space<vmem>>) dst(%dma_wait3A_83 : memref<10240x128xf32, #tpu.memory_space<vmem_shared>>)
        tpu.yield
      }) : () -> ()
      %dma_wait3A_63 = arith.constant 31 : i32
      %dma_wait3A_64 = arith.constant 0 : i32
      %dma_wait3A_65 = tpu.memref_slice %arg7[%dma_wait3A_63, %dma_wait3A_64] : memref<32x128xi32, #tpu.memory_space<vmem>> -> memref<1x128xi32, #tpu.memory_space<vmem>>
      %dma_wait3A_66 = tpu.memref_squeeze %dma_wait3A_65 : memref<1x128xi32, #tpu.memory_space<vmem>> -> memref<128xi32, #tpu.memory_space<vmem>>
      %dma_wait3A_67 = arith.constant 0 : i32
      %dma_wait3A_68 = arith.constant 0 : i32
      %dma_wait3A_69 = tpu.memref_slice %arg2[%dma_wait3A_67, %dma_wait3A_68] : memref<10240x128xf32, #tpu.memory_space<hbm>> -> memref<10240x128xf32, #tpu.memory_space<hbm>>
      tpu.wait_indirect_dma semaphore(%arg13 : memref<!tpu.dma_semaphore, #tpu.memory_space<semaphore_mem>>) src(%dma_wait3A_69 : memref<10240x128xf32, #tpu.memory_space<hbm>>) dst(%arg10 : memref<128x128xf32, #tpu.memory_space<vmem>>)
      %run_scoped3A_70 = arith.constant 31 : i32
      "tpu.region"() ({
        %run_scoped3A_71 = tpu.sem_alloc : memref<!tpu.dma_semaphore, #tpu.memory_space<semaphore_mem>>
        %dma_start3A_72 = arith.constant 0 : i32
        %dma_start3A_73 = tpu.memref_slice %arg8[%run_scoped3A_70, %dma_start3A_72] : memref<32x128xi32, #tpu.memory_space<vmem>> -> memref<1x128xi32, #tpu.memory_space<vmem>>
        %dma_start3A_74 = tpu.memref_squeeze %dma_start3A_73 : memref<1x128xi32, #tpu.memory_space<vmem>> -> memref<128xi32, #tpu.memory_space<vmem>>
        %dma_start3A_75 = arith.constant 0 : i32
        %dma_start3A_76 = arith.constant 0 : i32
        %dma_start3A_77 = tpu.memref_slice %arg11[%dma_start3A_75, %dma_start3A_76] : memref<10240x128xf32, #tpu.memory_space<vmem_shared>> -> memref<10240x128xf32, #tpu.memory_space<vmem_shared>>
        tpu.enqueue_indirect_dma source(%arg10 : memref<128x128xf32, #tpu.memory_space<vmem>>) target(%dma_start3A_77 : memref<10240x128xf32, #tpu.memory_space<vmem_shared>>) offsets(%dma_start3A_74 : memref<128xi32, #tpu.memory_space<vmem>>) semaphore(%run_scoped3A_71 : memref<!tpu.dma_semaphore, #tpu.memory_space<semaphore_mem>>) {add = true}
        %dma_wait3A_78 = arith.constant 0 : i32
        %dma_wait3A_79 = tpu.memref_slice %arg8[%run_scoped3A_70, %dma_wait3A_78] : memref<32x128xi32, #tpu.memory_space<vmem>> -> memref<1x128xi32, #tpu.memory_space<vmem>>
        %dma_wait3A_80 = tpu.memref_squeeze %dma_wait3A_79 : memref<1x128xi32, #tpu.memory_space<vmem>> -> memref<128xi32, #tpu.memory_space<vmem>>
        %dma_wait3A_81 = arith.constant 0 : i32
        %dma_wait3A_82 = arith.constant 0 : i32
        %dma_wait3A_83 = tpu.memref_slice %arg11[%dma_wait3A_81, %dma_wait3A_82] : memref<10240x128xf32, #tpu.memory_space<vmem_shared>> -> memref<10240x128xf32, #tpu.memory_space<vmem_shared>>
        tpu.wait_indirect_dma semaphore(%run_scoped3A_71 : memref<!tpu.dma_semaphore, #tpu.memory_space<semaphore_mem>>) src(%arg10 : memref<128x128xf32, #tpu.memory_space<vmem>>) dst(%dma_wait3A_83 : memref<10240x128xf32, #tpu.memory_space<vmem_shared>>)
        tpu.yield
      }) : () -> ()
    }
    %barrier3A_29 = arith.constant 0 : index
    tpu.barrier barrier_id(%barrier3A_29)
    %mul3A_30 = arith.constant 640 : i32
    %mul3A_31 = arith.muli %arg1, %mul3A_30 : i32
    %mul3A_32 = arith.constant 640 : i32
    %mul3A_33 = arith.muli %arg1, %mul3A_32 : i32
    "tpu.region"() ({
      %run_scoped3A = tpu.sem_alloc : memref<!tpu.dma_semaphore, #tpu.memory_space<semaphore_mem>>
      %dma_start3A = arith.constant 0 : i32
      %dma_start3A_34 = tpu.memref_slice %arg6[%arg0, %mul3A_33, %dma_start3A] : memref<2x10240x128xf32, #tpu.memory_space<hbm>> -> memref<1x640x128xf32, #tpu.memory_space<hbm>>
      %dma_start3A_35 = tpu.memref_squeeze %dma_start3A_34 : memref<1x640x128xf32, #tpu.memory_space<hbm>> -> memref<640x128xf32, #tpu.memory_space<hbm>>
      %dma_start3A_36 = arith.constant 0 : i32
      %dma_start3A_37 = tpu.memref_slice %arg11[%mul3A_31, %dma_start3A_36] : memref<10240x128xf32, #tpu.memory_space<vmem_shared>> -> memref<640x128xf32, #tpu.memory_space<vmem_shared>>
      tpu.enqueue_dma source(%dma_start3A_37 : memref<640x128xf32, #tpu.memory_space<vmem_shared>>) target(%dma_start3A_35 : memref<640x128xf32, #tpu.memory_space<hbm>>) target_semaphore(%run_scoped3A : memref<!tpu.dma_semaphore, #tpu.memory_space<semaphore_mem>>)
      %dma_wait3A = arith.constant 0 : i32
      %dma_wait3A_38 = tpu.memref_slice %arg6[%arg0, %mul3A_33, %dma_wait3A] : memref<2x10240x128xf32, #tpu.memory_space<hbm>> -> memref<1x640x128xf32, #tpu.memory_space<hbm>>
      %dma_wait3A_39 = tpu.memref_squeeze %dma_wait3A_38 : memref<1x640x128xf32, #tpu.memory_space<hbm>> -> memref<640x128xf32, #tpu.memory_space<hbm>>
      %dma_wait3A_40 = arith.constant 0 : i32
      %dma_wait3A_41 = tpu.memref_slice %arg11[%mul3A_31, %dma_wait3A_40] : memref<10240x128xf32, #tpu.memory_space<vmem_shared>> -> memref<640x128xf32, #tpu.memory_space<vmem_shared>>
      tpu.wait_dma2 semaphore(%run_scoped3A : memref<!tpu.dma_semaphore, #tpu.memory_space<semaphore_mem>>) src(%dma_wait3A_41 : memref<640x128xf32, #tpu.memory_space<vmem_shared>>) dst(%dma_wait3A_39 : memref<640x128xf32, #tpu.memory_space<hbm>>)
      tpu.yield
    }) : () -> ()
    return
  }
}

#map = affine_map<(d0, d1) -> (0, 0)>
#map1 = affine_map<(d0, d1) -> (0, 0, 0)>
module attributes {stable_mosaic.version = 14 : i64} {
  func.func @_sc_scatter(%arg0: i32, %arg1: i32, %arg2: memref<10240x128xf32, #tpu.memory_space<hbm>>, %arg3: memref<2560x128xi32, #tpu.memory_space<hbm>>, %arg4: memref<2560x128xi32, #tpu.memory_space<hbm>>, %arg5: memref<10240x128xf32, #tpu.memory_space<hbm>>, %arg6: memref<2x10240x128xf32, #tpu.memory_space<hbm>>, %arg7: memref<32x128xi32, #tpu.memory_space<vmem>>, %arg8: memref<32x128xi32, #tpu.memory_space<vmem>>, %arg9: memref<128x128xf32, #tpu.memory_space<vmem>>, %arg10: memref<128x128xf32, #tpu.memory_space<vmem>>, %arg11: memref<10240x128xf32, #tpu.memory_space<vmem_shared>>, %arg12: memref<!tpu.dma_semaphore, #tpu.memory_space<semaphore_mem>>, %arg13: memref<!tpu.dma_semaphore, #tpu.memory_space<semaphore_mem>>) attributes {dimension_semantics = [#tpu.dimension_semantics<core_parallel>, #tpu.dimension_semantics<subcore_parallel>], iteration_bounds = array<i64: 2, 16>, scalar_prefetch = 0 : i64, scratch_operands = 7 : i64, tpu.core_type = #tpu.core_type<sc_vector_subcore>, window_params = [{transform_indices = #map}, {transform_indices = #map}, {transform_indices = #map}, {transform_indices = #map}, {transform_indices = #map1}]} {
    %mul3A = arith.constant 640 : i32
    %mul3A_0 = arith.muli %arg1, %mul3A : i32
    %mul3A_1 = arith.constant 640 : i32
    %mul3A_2 = arith.muli %arg1, %mul3A_1 : i32
    "tpu.region"() ({
      %run_scoped3A = tpu.sem_alloc : memref<!tpu.dma_semaphore, #tpu.memory_space<semaphore_mem>>
      %dma_start3A = arith.constant 0 : i32
      %dma_start3A_34 = tpu.memref_slice %arg11[%mul3A_2, %dma_start3A] : memref<10240x128xf32, #tpu.memory_space<vmem_shared>> -> memref<640x128xf32, #tpu.memory_space<vmem_shared>>
      %dma_start3A_35 = arith.constant 0 : i32
      %dma_start3A_36 = tpu.memref_slice %arg5[%mul3A_0, %dma_start3A_35] : memref<10240x128xf32, #tpu.memory_space<hbm>> -> memref<640x128xf32, #tpu.memory_space<hbm>>
      tpu.enqueue_dma source(%dma_start3A_36 : memref<640x128xf32, #tpu.memory_space<hbm>>) target(%dma_start3A_34 : memref<640x128xf32, #tpu.memory_space<vmem_shared>>) target_semaphore(%run_scoped3A : memref<!tpu.dma_semaphore, #tpu.memory_space<semaphore_mem>>)
      %dma_wait3A = arith.constant 0 : i32
      %dma_wait3A_37 = tpu.memref_slice %arg11[%mul3A_2, %dma_wait3A] : memref<10240x128xf32, #tpu.memory_space<vmem_shared>> -> memref<640x128xf32, #tpu.memory_space<vmem_shared>>
      %dma_wait3A_38 = arith.constant 0 : i32
      %dma_wait3A_39 = tpu.memref_slice %arg5[%mul3A_0, %dma_wait3A_38] : memref<10240x128xf32, #tpu.memory_space<hbm>> -> memref<640x128xf32, #tpu.memory_space<hbm>>
      tpu.wait_dma2 semaphore(%run_scoped3A : memref<!tpu.dma_semaphore, #tpu.memory_space<semaphore_mem>>) src(%dma_wait3A_39 : memref<640x128xf32, #tpu.memory_space<hbm>>) dst(%dma_wait3A_37 : memref<640x128xf32, #tpu.memory_space<vmem_shared>>)
      tpu.yield
    }) : () -> ()
    %barrier3A = arith.constant 0 : index
    tpu.barrier barrier_id(%barrier3A)
    %eq3A = arith.constant 0 : i32
    %eq3A_3 = arith.cmpi eq, %arg0, %eq3A : i32
    %mul3A_4 = arith.constant 128 : i32
    %mul3A_5 = arith.muli %arg1, %mul3A_4 : i32
    %mul3A_6 = arith.constant 32 : i32
    %mul3A_7 = arith.muli %arg1, %mul3A_6 : i32
    %add3A = arith.constant 2048 : i32
    %add3A_8 = arith.addi %add3A, %mul3A_7 : i32
    %select_n3A = arith.select %eq3A_3, %mul3A_5, %add3A_8 : i32
    %eq3A_9 = arith.constant 0 : i32
    %eq3A_10 = arith.cmpi eq, %arg0, %eq3A_9 : i32
    %jit3A = arith.constant 4 : i32
    %jit3A_11 = arith.constant 1 : i32
    %select_n3A_12 = arith.select %eq3A_10, %jit3A, %jit3A_11 : i32
    %sub3A = arith.constant 0 : i32
    %sub3A_13 = arith.subi %select_n3A_12, %sub3A : i32
    %sub3A_14 = arith.constant 1 : i32
    %sub3A_15 = arith.constant 1 : i32
    %sub3A_16 = arith.subi %sub3A_14, %sub3A_15 : i32
    %add3A_17 = arith.addi %sub3A_13, %sub3A_16 : i32
    %div3A = arith.constant 1 : i32
    %div3A_18 = arith.divsi %add3A_17, %div3A : i32
    %while3A = arith.constant 1 : i32
    %while3A_19 = arith.constant 0 : i32
    %while3A_20 = arith.constant 0 : i32
    %while3A_21 = arith.subi %div3A_18, %while3A_20 : i32
    %while3A_22 = arith.addi %while3A_20, %while3A_21 : i32
    %while3A_23 = arith.constant 1 : i32
    %while3A_24 = arith.divsi %while3A_21, %while3A_23 : i32
    %while3A_25 = arith.muli %while3A_24, %while3A_23 : i32
    %while3A_26 = arith.addi %while3A_20, %while3A_25 : i32
    %while3A_27 = arith.constant 1 : i32
    scf.for %while3A_34 = %while3A_20 to %while3A_26 step %while3A_27  : i32 {
      %mul3A_35 = arith.muli %while3A_34, %while3A : i32
      %add3A_36 = arith.addi %while3A_19, %mul3A_35 : i32
      %mul3A_37 = arith.constant 32 : i32
      %mul3A_38 = arith.muli %add3A_36, %mul3A_37 : i32
      %add3A_39 = arith.addi %select_n3A, %mul3A_38 : i32
      "tpu.region"() ({
        %run_scoped3A_71 = tpu.sem_alloc : memref<!tpu.dma_semaphore, #tpu.memory_space<semaphore_mem>>
        %dma_start3A_72 = arith.constant 0 : i32
        %dma_start3A_73 = tpu.memref_slice %arg3[%add3A_39, %dma_start3A_72] : memref<2560x128xi32, #tpu.memory_space<hbm>> -> memref<32x128xi32, #tpu.memory_space<hbm>>
        %dma_start3A_74 = arith.constant 0 : i32
        %dma_start3A_75 = tpu.memref_slice %arg3[%add3A_39, %dma_start3A_74] : memref<2560x128xi32, #tpu.memory_space<hbm>> -> memref<32x128xi32, #tpu.memory_space<hbm>>
        tpu.enqueue_dma source(%dma_start3A_75 : memref<32x128xi32, #tpu.memory_space<hbm>>) target(%arg7 : memref<32x128xi32, #tpu.memory_space<vmem>>) target_semaphore(%run_scoped3A_71 : memref<!tpu.dma_semaphore, #tpu.memory_space<semaphore_mem>>)
        %dma_wait3A_76 = arith.constant 0 : i32
        %dma_wait3A_77 = tpu.memref_slice %arg3[%add3A_39, %dma_wait3A_76] : memref<2560x128xi32, #tpu.memory_space<hbm>> -> memref<32x128xi32, #tpu.memory_space<hbm>>
        %dma_wait3A_78 = arith.constant 0 : i32
        %dma_wait3A_79 = tpu.memref_slice %arg3[%add3A_39, %dma_wait3A_78] : memref<2560x128xi32, #tpu.memory_space<hbm>> -> memref<32x128xi32, #tpu.memory_space<hbm>>
        tpu.wait_dma2 semaphore(%run_scoped3A_71 : memref<!tpu.dma_semaphore, #tpu.memory_space<semaphore_mem>>) src(%dma_wait3A_79 : memref<32x128xi32, #tpu.memory_space<hbm>>) dst(%arg7 : memref<32x128xi32, #tpu.memory_space<vmem>>)
        tpu.yield
      }) : () -> ()
      "tpu.region"() ({
        %run_scoped3A_71 = tpu.sem_alloc : memref<!tpu.dma_semaphore, #tpu.memory_space<semaphore_mem>>
        %dma_start3A_72 = arith.constant 0 : i32
        %dma_start3A_73 = tpu.memref_slice %arg4[%add3A_39, %dma_start3A_72] : memref<2560x128xi32, #tpu.memory_space<hbm>> -> memref<32x128xi32, #tpu.memory_space<hbm>>
        %dma_start3A_74 = arith.constant 0 : i32
        %dma_start3A_75 = tpu.memref_slice %arg4[%add3A_39, %dma_start3A_74] : memref<2560x128xi32, #tpu.memory_space<hbm>> -> memref<32x128xi32, #tpu.memory_space<hbm>>
        tpu.enqueue_dma source(%dma_start3A_75 : memref<32x128xi32, #tpu.memory_space<hbm>>) target(%arg8 : memref<32x128xi32, #tpu.memory_space<vmem>>) target_semaphore(%run_scoped3A_71 : memref<!tpu.dma_semaphore, #tpu.memory_space<semaphore_mem>>)
        %dma_wait3A_76 = arith.constant 0 : i32
        %dma_wait3A_77 = tpu.memref_slice %arg4[%add3A_39, %dma_wait3A_76] : memref<2560x128xi32, #tpu.memory_space<hbm>> -> memref<32x128xi32, #tpu.memory_space<hbm>>
        %dma_wait3A_78 = arith.constant 0 : i32
        %dma_wait3A_79 = tpu.memref_slice %arg4[%add3A_39, %dma_wait3A_78] : memref<2560x128xi32, #tpu.memory_space<hbm>> -> memref<32x128xi32, #tpu.memory_space<hbm>>
        tpu.wait_dma2 semaphore(%run_scoped3A_71 : memref<!tpu.dma_semaphore, #tpu.memory_space<semaphore_mem>>) src(%dma_wait3A_79 : memref<32x128xi32, #tpu.memory_space<hbm>>) dst(%arg8 : memref<32x128xi32, #tpu.memory_space<vmem>>)
        tpu.yield
      }) : () -> ()
      %dma_start3A = arith.constant 0 : i32
      %dma_start3A_40 = arith.constant 0 : i32
      %dma_start3A_41 = tpu.memref_slice %arg7[%dma_start3A, %dma_start3A_40] : memref<32x128xi32, #tpu.memory_space<vmem>> -> memref<1x128xi32, #tpu.memory_space<vmem>>
      %dma_start3A_42 = tpu.memref_squeeze %dma_start3A_41 : memref<1x128xi32, #tpu.memory_space<vmem>> -> memref<128xi32, #tpu.memory_space<vmem>>
      %dma_start3A_43 = arith.constant 0 : i32
      %dma_start3A_44 = arith.constant 0 : i32
      %dma_start3A_45 = tpu.memref_slice %arg2[%dma_start3A_43, %dma_start3A_44] : memref<10240x128xf32, #tpu.memory_space<hbm>> -> memref<10240x128xf32, #tpu.memory_space<hbm>>
      tpu.enqueue_indirect_dma source(%dma_start3A_45 : memref<10240x128xf32, #tpu.memory_space<hbm>>) target(%arg9 : memref<128x128xf32, #tpu.memory_space<vmem>>) offsets(%dma_start3A_42 : memref<128xi32, #tpu.memory_space<vmem>>) semaphore(%arg12 : memref<!tpu.dma_semaphore, #tpu.memory_space<semaphore_mem>>)
      %scan3A = arith.constant 0 : i32
      %scan3A_46 = arith.constant 15 : i32
      %scan3A_47 = arith.addi %scan3A, %scan3A_46 : i32
      %scan3A_48 = arith.constant 1 : i32
      scf.for %scan3A_71 = %scan3A to %scan3A_47 step %scan3A_48  : i32 {
        %mul3A_72 = arith.constant 1 : i32
        %mul3A_73 = arith.muli %scan3A_71, %mul3A_72 : i32
        %add3A_74 = arith.constant 0 : i32
        %add3A_75 = arith.addi %add3A_74, %mul3A_73 : i32
        %mul3A_76 = arith.constant 2 : i32
        %mul3A_77 = arith.muli %mul3A_76, %add3A_75 : i32
        %add3A_78 = arith.constant 1 : i32
        %add3A_79 = arith.addi %mul3A_77, %add3A_78 : i32
        %dma_start3A_80 = arith.constant 0 : i32
        %dma_start3A_81 = tpu.memref_slice %arg7[%add3A_79, %dma_start3A_80] : memref<32x128xi32, #tpu.memory_space<vmem>> -> memref<1x128xi32, #tpu.memory_space<vmem>>
        %dma_start3A_82 = tpu.memref_squeeze %dma_start3A_81 : memref<1x128xi32, #tpu.memory_space<vmem>> -> memref<128xi32, #tpu.memory_space<vmem>>
        %dma_start3A_83 = arith.constant 0 : i32
        %dma_start3A_84 = arith.constant 0 : i32
        %dma_start3A_85 = tpu.memref_slice %arg2[%dma_start3A_83, %dma_start3A_84] : memref<10240x128xf32, #tpu.memory_space<hbm>> -> memref<10240x128xf32, #tpu.memory_space<hbm>>
        tpu.enqueue_indirect_dma source(%dma_start3A_85 : memref<10240x128xf32, #tpu.memory_space<hbm>>) target(%arg10 : memref<128x128xf32, #tpu.memory_space<vmem>>) offsets(%dma_start3A_82 : memref<128xi32, #tpu.memory_space<vmem>>) semaphore(%arg13 : memref<!tpu.dma_semaphore, #tpu.memory_space<semaphore_mem>>)
        %dma_wait3A_86 = arith.constant 0 : i32
        %dma_wait3A_87 = tpu.memref_slice %arg7[%mul3A_77, %dma_wait3A_86] : memref<32x128xi32, #tpu.memory_space<vmem>> -> memref<1x128xi32, #tpu.memory_space<vmem>>
        %dma_wait3A_88 = tpu.memref_squeeze %dma_wait3A_87 : memref<1x128xi32, #tpu.memory_space<vmem>> -> memref<128xi32, #tpu.memory_space<vmem>>
        %dma_wait3A_89 = arith.constant 0 : i32
        %dma_wait3A_90 = arith.constant 0 : i32
        %dma_wait3A_91 = tpu.memref_slice %arg2[%dma_wait3A_89, %dma_wait3A_90] : memref<10240x128xf32, #tpu.memory_space<hbm>> -> memref<10240x128xf32, #tpu.memory_space<hbm>>
        tpu.wait_indirect_dma semaphore(%arg12 : memref<!tpu.dma_semaphore, #tpu.memory_space<semaphore_mem>>) src(%dma_wait3A_91 : memref<10240x128xf32, #tpu.memory_space<hbm>>) dst(%arg9 : memref<128x128xf32, #tpu.memory_space<vmem>>)
        "tpu.region"() ({
          %run_scoped3A_110 = tpu.sem_alloc : memref<!tpu.dma_semaphore, #tpu.memory_space<semaphore_mem>>
          %dma_start3A_111 = arith.constant 0 : i32
          %dma_start3A_112 = tpu.memref_slice %arg8[%mul3A_77, %dma_start3A_111] : memref<32x128xi32, #tpu.memory_space<vmem>> -> memref<1x128xi32, #tpu.memory_space<vmem>>
          %dma_start3A_113 = tpu.memref_squeeze %dma_start3A_112 : memref<1x128xi32, #tpu.memory_space<vmem>> -> memref<128xi32, #tpu.memory_space<vmem>>
          %dma_start3A_114 = arith.constant 0 : i32
          %dma_start3A_115 = arith.constant 0 : i32
          %dma_start3A_116 = tpu.memref_slice %arg11[%dma_start3A_114, %dma_start3A_115] : memref<10240x128xf32, #tpu.memory_space<vmem_shared>> -> memref<10240x128xf32, #tpu.memory_space<vmem_shared>>
          tpu.enqueue_indirect_dma source(%arg9 : memref<128x128xf32, #tpu.memory_space<vmem>>) target(%dma_start3A_116 : memref<10240x128xf32, #tpu.memory_space<vmem_shared>>) offsets(%dma_start3A_113 : memref<128xi32, #tpu.memory_space<vmem>>) semaphore(%run_scoped3A_110 : memref<!tpu.dma_semaphore, #tpu.memory_space<semaphore_mem>>) {add = true}
          %dma_wait3A_117 = arith.constant 0 : i32
          %dma_wait3A_118 = tpu.memref_slice %arg8[%mul3A_77, %dma_wait3A_117] : memref<32x128xi32, #tpu.memory_space<vmem>> -> memref<1x128xi32, #tpu.memory_space<vmem>>
          %dma_wait3A_119 = tpu.memref_squeeze %dma_wait3A_118 : memref<1x128xi32, #tpu.memory_space<vmem>> -> memref<128xi32, #tpu.memory_space<vmem>>
          %dma_wait3A_120 = arith.constant 0 : i32
          %dma_wait3A_121 = arith.constant 0 : i32
          %dma_wait3A_122 = tpu.memref_slice %arg11[%dma_wait3A_120, %dma_wait3A_121] : memref<10240x128xf32, #tpu.memory_space<vmem_shared>> -> memref<10240x128xf32, #tpu.memory_space<vmem_shared>>
          tpu.wait_indirect_dma semaphore(%run_scoped3A_110 : memref<!tpu.dma_semaphore, #tpu.memory_space<semaphore_mem>>) src(%arg9 : memref<128x128xf32, #tpu.memory_space<vmem>>) dst(%dma_wait3A_122 : memref<10240x128xf32, #tpu.memory_space<vmem_shared>>)
          tpu.yield
        }) : () -> ()
        %add3A_92 = arith.constant 2 : i32
        %add3A_93 = arith.addi %mul3A_77, %add3A_92 : i32
        %dma_start3A_94 = arith.constant 0 : i32
        %dma_start3A_95 = tpu.memref_slice %arg7[%add3A_93, %dma_start3A_94] : memref<32x128xi32, #tpu.memory_space<vmem>> -> memref<1x128xi32, #tpu.memory_space<vmem>>
        %dma_start3A_96 = tpu.memref_squeeze %dma_start3A_95 : memref<1x128xi32, #tpu.memory_space<vmem>> -> memref<128xi32, #tpu.memory_space<vmem>>
        %dma_start3A_97 = arith.constant 0 : i32
        %dma_start3A_98 = arith.constant 0 : i32
        %dma_start3A_99 = tpu.memref_slice %arg2[%dma_start3A_97, %dma_start3A_98] : memref<10240x128xf32, #tpu.memory_space<hbm>> -> memref<10240x128xf32, #tpu.memory_space<hbm>>
        tpu.enqueue_indirect_dma source(%dma_start3A_99 : memref<10240x128xf32, #tpu.memory_space<hbm>>) target(%arg9 : memref<128x128xf32, #tpu.memory_space<vmem>>) offsets(%dma_start3A_96 : memref<128xi32, #tpu.memory_space<vmem>>) semaphore(%arg12 : memref<!tpu.dma_semaphore, #tpu.memory_space<semaphore_mem>>)
        %add3A_100 = arith.constant 1 : i32
        %add3A_101 = arith.addi %mul3A_77, %add3A_100 : i32
        %dma_wait3A_102 = arith.constant 0 : i32
        %dma_wait3A_103 = tpu.memref_slice %arg7[%add3A_101, %dma_wait3A_102] : memref<32x128xi32, #tpu.memory_space<vmem>> -> memref<1x128xi32, #tpu.memory_space<vmem>>
        %dma_wait3A_104 = tpu.memref_squeeze %dma_wait3A_103 : memref<1x128xi32, #tpu.memory_space<vmem>> -> memref<128xi32, #tpu.memory_space<vmem>>
        %dma_wait3A_105 = arith.constant 0 : i32
        %dma_wait3A_106 = arith.constant 0 : i32
        %dma_wait3A_107 = tpu.memref_slice %arg2[%dma_wait3A_105, %dma_wait3A_106] : memref<10240x128xf32, #tpu.memory_space<hbm>> -> memref<10240x128xf32, #tpu.memory_space<hbm>>
        tpu.wait_indirect_dma semaphore(%arg13 : memref<!tpu.dma_semaphore, #tpu.memory_space<semaphore_mem>>) src(%dma_wait3A_107 : memref<10240x128xf32, #tpu.memory_space<hbm>>) dst(%arg10 : memref<128x128xf32, #tpu.memory_space<vmem>>)
        %add3A_108 = arith.constant 1 : i32
        %add3A_109 = arith.addi %mul3A_77, %add3A_108 : i32
        "tpu.region"() ({
          %run_scoped3A_110 = tpu.sem_alloc : memref<!tpu.dma_semaphore, #tpu.memory_space<semaphore_mem>>
          %dma_start3A_111 = arith.constant 0 : i32
          %dma_start3A_112 = tpu.memref_slice %arg8[%add3A_109, %dma_start3A_111] : memref<32x128xi32, #tpu.memory_space<vmem>> -> memref<1x128xi32, #tpu.memory_space<vmem>>
          %dma_start3A_113 = tpu.memref_squeeze %dma_start3A_112 : memref<1x128xi32, #tpu.memory_space<vmem>> -> memref<128xi32, #tpu.memory_space<vmem>>
          %dma_start3A_114 = arith.constant 0 : i32
          %dma_start3A_115 = arith.constant 0 : i32
          %dma_start3A_116 = tpu.memref_slice %arg11[%dma_start3A_114, %dma_start3A_115] : memref<10240x128xf32, #tpu.memory_space<vmem_shared>> -> memref<10240x128xf32, #tpu.memory_space<vmem_shared>>
          tpu.enqueue_indirect_dma source(%arg10 : memref<128x128xf32, #tpu.memory_space<vmem>>) target(%dma_start3A_116 : memref<10240x128xf32, #tpu.memory_space<vmem_shared>>) offsets(%dma_start3A_113 : memref<128xi32, #tpu.memory_space<vmem>>) semaphore(%run_scoped3A_110 : memref<!tpu.dma_semaphore, #tpu.memory_space<semaphore_mem>>) {add = true}
          %dma_wait3A_117 = arith.constant 0 : i32
          %dma_wait3A_118 = tpu.memref_slice %arg8[%add3A_109, %dma_wait3A_117] : memref<32x128xi32, #tpu.memory_space<vmem>> -> memref<1x128xi32, #tpu.memory_space<vmem>>
          %dma_wait3A_119 = tpu.memref_squeeze %dma_wait3A_118 : memref<1x128xi32, #tpu.memory_space<vmem>> -> memref<128xi32, #tpu.memory_space<vmem>>
          %dma_wait3A_120 = arith.constant 0 : i32
          %dma_wait3A_121 = arith.constant 0 : i32
          %dma_wait3A_122 = tpu.memref_slice %arg11[%dma_wait3A_120, %dma_wait3A_121] : memref<10240x128xf32, #tpu.memory_space<vmem_shared>> -> memref<10240x128xf32, #tpu.memory_space<vmem_shared>>
          tpu.wait_indirect_dma semaphore(%run_scoped3A_110 : memref<!tpu.dma_semaphore, #tpu.memory_space<semaphore_mem>>) src(%arg10 : memref<128x128xf32, #tpu.memory_space<vmem>>) dst(%dma_wait3A_122 : memref<10240x128xf32, #tpu.memory_space<vmem_shared>>)
          tpu.yield
        }) : () -> ()
      }
      %scan3A_49 = arith.constant 15 : i32
      %dma_start3A_50 = arith.constant 31 : i32
      %dma_start3A_51 = arith.constant 0 : i32
      %dma_start3A_52 = tpu.memref_slice %arg7[%dma_start3A_50, %dma_start3A_51] : memref<32x128xi32, #tpu.memory_space<vmem>> -> memref<1x128xi32, #tpu.memory_space<vmem>>
      %dma_start3A_53 = tpu.memref_squeeze %dma_start3A_52 : memref<1x128xi32, #tpu.memory_space<vmem>> -> memref<128xi32, #tpu.memory_space<vmem>>
      %dma_start3A_54 = arith.constant 0 : i32
      %dma_start3A_55 = arith.constant 0 : i32
      %dma_start3A_56 = tpu.memref_slice %arg2[%dma_start3A_54, %dma_start3A_55] : memref<10240x128xf32, #tpu.memory_space<hbm>> -> memref<10240x128xf32, #tpu.memory_space<hbm>>
      tpu.enqueue_indirect_dma source(%dma_start3A_56 : memref<10240x128xf32, #tpu.memory_space<hbm>>) target(%arg10 : memref<128x128xf32, #tpu.memory_space<vmem>>) offsets(%dma_start3A_53 : memref<128xi32, #tpu.memory_space<vmem>>) semaphore(%arg13 : memref<!tpu.dma_semaphore, #tpu.memory_space<semaphore_mem>>)
      %dma_wait3A = arith.constant 30 : i32
      %dma_wait3A_57 = arith.constant 0 : i32
      %dma_wait3A_58 = tpu.memref_slice %arg7[%dma_wait3A, %dma_wait3A_57] : memref<32x128xi32, #tpu.memory_space<vmem>> -> memref<1x128xi32, #tpu.memory_space<vmem>>
      %dma_wait3A_59 = tpu.memref_squeeze %dma_wait3A_58 : memref<1x128xi32, #tpu.memory_space<vmem>> -> memref<128xi32, #tpu.memory_space<vmem>>
      %dma_wait3A_60 = arith.constant 0 : i32
      %dma_wait3A_61 = arith.constant 0 : i32
      %dma_wait3A_62 = tpu.memref_slice %arg2[%dma_wait3A_60, %dma_wait3A_61] : memref<10240x128xf32, #tpu.memory_space<hbm>> -> memref<10240x128xf32, #tpu.memory_space<hbm>>
      tpu.wait_indirect_dma semaphore(%arg12 : memref<!tpu.dma_semaphore, #tpu.memory_space<semaphore_mem>>) src(%dma_wait3A_62 : memref<10240x128xf32, #tpu.memory_space<hbm>>) dst(%arg9 : memref<128x128xf32, #tpu.memory_space<vmem>>)
      %run_scoped3A = arith.constant 30 : i32
      "tpu.region"() ({
        %run_scoped3A_71 = tpu.sem_alloc : memref<!tpu.dma_semaphore, #tpu.memory_space<semaphore_mem>>
        %dma_start3A_72 = arith.constant 0 : i32
        %dma_start3A_73 = tpu.memref_slice %arg8[%run_scoped3A, %dma_start3A_72] : memref<32x128xi32, #tpu.memory_space<vmem>> -> memref<1x128xi32, #tpu.memory_space<vmem>>
        %dma_start3A_74 = tpu.memref_squeeze %dma_start3A_73 : memref<1x128xi32, #tpu.memory_space<vmem>> -> memref<128xi32, #tpu.memory_space<vmem>>
        %dma_start3A_75 = arith.constant 0 : i32
        %dma_start3A_76 = arith.constant 0 : i32
        %dma_start3A_77 = tpu.memref_slice %arg11[%dma_start3A_75, %dma_start3A_76] : memref<10240x128xf32, #tpu.memory_space<vmem_shared>> -> memref<10240x128xf32, #tpu.memory_space<vmem_shared>>
        tpu.enqueue_indirect_dma source(%arg9 : memref<128x128xf32, #tpu.memory_space<vmem>>) target(%dma_start3A_77 : memref<10240x128xf32, #tpu.memory_space<vmem_shared>>) offsets(%dma_start3A_74 : memref<128xi32, #tpu.memory_space<vmem>>) semaphore(%run_scoped3A_71 : memref<!tpu.dma_semaphore, #tpu.memory_space<semaphore_mem>>) {add = true}
        %dma_wait3A_78 = arith.constant 0 : i32
        %dma_wait3A_79 = tpu.memref_slice %arg8[%run_scoped3A, %dma_wait3A_78] : memref<32x128xi32, #tpu.memory_space<vmem>> -> memref<1x128xi32, #tpu.memory_space<vmem>>
        %dma_wait3A_80 = tpu.memref_squeeze %dma_wait3A_79 : memref<1x128xi32, #tpu.memory_space<vmem>> -> memref<128xi32, #tpu.memory_space<vmem>>
        %dma_wait3A_81 = arith.constant 0 : i32
        %dma_wait3A_82 = arith.constant 0 : i32
        %dma_wait3A_83 = tpu.memref_slice %arg11[%dma_wait3A_81, %dma_wait3A_82] : memref<10240x128xf32, #tpu.memory_space<vmem_shared>> -> memref<10240x128xf32, #tpu.memory_space<vmem_shared>>
        tpu.wait_indirect_dma semaphore(%run_scoped3A_71 : memref<!tpu.dma_semaphore, #tpu.memory_space<semaphore_mem>>) src(%arg9 : memref<128x128xf32, #tpu.memory_space<vmem>>) dst(%dma_wait3A_83 : memref<10240x128xf32, #tpu.memory_space<vmem_shared>>)
        tpu.yield
      }) : () -> ()
      %dma_wait3A_63 = arith.constant 31 : i32
      %dma_wait3A_64 = arith.constant 0 : i32
      %dma_wait3A_65 = tpu.memref_slice %arg7[%dma_wait3A_63, %dma_wait3A_64] : memref<32x128xi32, #tpu.memory_space<vmem>> -> memref<1x128xi32, #tpu.memory_space<vmem>>
      %dma_wait3A_66 = tpu.memref_squeeze %dma_wait3A_65 : memref<1x128xi32, #tpu.memory_space<vmem>> -> memref<128xi32, #tpu.memory_space<vmem>>
      %dma_wait3A_67 = arith.constant 0 : i32
      %dma_wait3A_68 = arith.constant 0 : i32
      %dma_wait3A_69 = tpu.memref_slice %arg2[%dma_wait3A_67, %dma_wait3A_68] : memref<10240x128xf32, #tpu.memory_space<hbm>> -> memref<10240x128xf32, #tpu.memory_space<hbm>>
      tpu.wait_indirect_dma semaphore(%arg13 : memref<!tpu.dma_semaphore, #tpu.memory_space<semaphore_mem>>) src(%dma_wait3A_69 : memref<10240x128xf32, #tpu.memory_space<hbm>>) dst(%arg10 : memref<128x128xf32, #tpu.memory_space<vmem>>)
      %run_scoped3A_70 = arith.constant 31 : i32
      "tpu.region"() ({
        %run_scoped3A_71 = tpu.sem_alloc : memref<!tpu.dma_semaphore, #tpu.memory_space<semaphore_mem>>
        %dma_start3A_72 = arith.constant 0 : i32
        %dma_start3A_73 = tpu.memref_slice %arg8[%run_scoped3A_70, %dma_start3A_72] : memref<32x128xi32, #tpu.memory_space<vmem>> -> memref<1x128xi32, #tpu.memory_space<vmem>>
        %dma_start3A_74 = tpu.memref_squeeze %dma_start3A_73 : memref<1x128xi32, #tpu.memory_space<vmem>> -> memref<128xi32, #tpu.memory_space<vmem>>
        %dma_start3A_75 = arith.constant 0 : i32
        %dma_start3A_76 = arith.constant 0 : i32
        %dma_start3A_77 = tpu.memref_slice %arg11[%dma_start3A_75, %dma_start3A_76] : memref<10240x128xf32, #tpu.memory_space<vmem_shared>> -> memref<10240x128xf32, #tpu.memory_space<vmem_shared>>
        tpu.enqueue_indirect_dma source(%arg10 : memref<128x128xf32, #tpu.memory_space<vmem>>) target(%dma_start3A_77 : memref<10240x128xf32, #tpu.memory_space<vmem_shared>>) offsets(%dma_start3A_74 : memref<128xi32, #tpu.memory_space<vmem>>) semaphore(%run_scoped3A_71 : memref<!tpu.dma_semaphore, #tpu.memory_space<semaphore_mem>>) {add = true}
        %dma_wait3A_78 = arith.constant 0 : i32
        %dma_wait3A_79 = tpu.memref_slice %arg8[%run_scoped3A_70, %dma_wait3A_78] : memref<32x128xi32, #tpu.memory_space<vmem>> -> memref<1x128xi32, #tpu.memory_space<vmem>>
        %dma_wait3A_80 = tpu.memref_squeeze %dma_wait3A_79 : memref<1x128xi32, #tpu.memory_space<vmem>> -> memref<128xi32, #tpu.memory_space<vmem>>
        %dma_wait3A_81 = arith.constant 0 : i32
        %dma_wait3A_82 = arith.constant 0 : i32
        %dma_wait3A_83 = tpu.memref_slice %arg11[%dma_wait3A_81, %dma_wait3A_82] : memref<10240x128xf32, #tpu.memory_space<vmem_shared>> -> memref<10240x128xf32, #tpu.memory_space<vmem_shared>>
        tpu.wait_indirect_dma semaphore(%run_scoped3A_71 : memref<!tpu.dma_semaphore, #tpu.memory_space<semaphore_mem>>) src(%arg10 : memref<128x128xf32, #tpu.memory_space<vmem>>) dst(%dma_wait3A_83 : memref<10240x128xf32, #tpu.memory_space<vmem_shared>>)
        tpu.yield
      }) : () -> ()
    }
    %while3A_28 = arith.constant 1 : i32
    scf.for %while3A_34 = %while3A_26 to %while3A_22 step %while3A_28  : i32 {
      %mul3A_35 = arith.muli %while3A_34, %while3A : i32
      %add3A_36 = arith.addi %while3A_19, %mul3A_35 : i32
      %mul3A_37 = arith.constant 32 : i32
      %mul3A_38 = arith.muli %add3A_36, %mul3A_37 : i32
      %add3A_39 = arith.addi %select_n3A, %mul3A_38 : i32
      "tpu.region"() ({
        %run_scoped3A_71 = tpu.sem_alloc : memref<!tpu.dma_semaphore, #tpu.memory_space<semaphore_mem>>
        %dma_start3A_72 = arith.constant 0 : i32
        %dma_start3A_73 = tpu.memref_slice %arg3[%add3A_39, %dma_start3A_72] : memref<2560x128xi32, #tpu.memory_space<hbm>> -> memref<32x128xi32, #tpu.memory_space<hbm>>
        %dma_start3A_74 = arith.constant 0 : i32
        %dma_start3A_75 = tpu.memref_slice %arg3[%add3A_39, %dma_start3A_74] : memref<2560x128xi32, #tpu.memory_space<hbm>> -> memref<32x128xi32, #tpu.memory_space<hbm>>
        tpu.enqueue_dma source(%dma_start3A_75 : memref<32x128xi32, #tpu.memory_space<hbm>>) target(%arg7 : memref<32x128xi32, #tpu.memory_space<vmem>>) target_semaphore(%run_scoped3A_71 : memref<!tpu.dma_semaphore, #tpu.memory_space<semaphore_mem>>)
        %dma_wait3A_76 = arith.constant 0 : i32
        %dma_wait3A_77 = tpu.memref_slice %arg3[%add3A_39, %dma_wait3A_76] : memref<2560x128xi32, #tpu.memory_space<hbm>> -> memref<32x128xi32, #tpu.memory_space<hbm>>
        %dma_wait3A_78 = arith.constant 0 : i32
        %dma_wait3A_79 = tpu.memref_slice %arg3[%add3A_39, %dma_wait3A_78] : memref<2560x128xi32, #tpu.memory_space<hbm>> -> memref<32x128xi32, #tpu.memory_space<hbm>>
        tpu.wait_dma2 semaphore(%run_scoped3A_71 : memref<!tpu.dma_semaphore, #tpu.memory_space<semaphore_mem>>) src(%dma_wait3A_79 : memref<32x128xi32, #tpu.memory_space<hbm>>) dst(%arg7 : memref<32x128xi32, #tpu.memory_space<vmem>>)
        tpu.yield
      }) : () -> ()
      "tpu.region"() ({
        %run_scoped3A_71 = tpu.sem_alloc : memref<!tpu.dma_semaphore, #tpu.memory_space<semaphore_mem>>
        %dma_start3A_72 = arith.constant 0 : i32
        %dma_start3A_73 = tpu.memref_slice %arg4[%add3A_39, %dma_start3A_72] : memref<2560x128xi32, #tpu.memory_space<hbm>> -> memref<32x128xi32, #tpu.memory_space<hbm>>
        %dma_start3A_74 = arith.constant 0 : i32
        %dma_start3A_75 = tpu.memref_slice %arg4[%add3A_39, %dma_start3A_74] : memref<2560x128xi32, #tpu.memory_space<hbm>> -> memref<32x128xi32, #tpu.memory_space<hbm>>
        tpu.enqueue_dma source(%dma_start3A_75 : memref<32x128xi32, #tpu.memory_space<hbm>>) target(%arg8 : memref<32x128xi32, #tpu.memory_space<vmem>>) target_semaphore(%run_scoped3A_71 : memref<!tpu.dma_semaphore, #tpu.memory_space<semaphore_mem>>)
        %dma_wait3A_76 = arith.constant 0 : i32
        %dma_wait3A_77 = tpu.memref_slice %arg4[%add3A_39, %dma_wait3A_76] : memref<2560x128xi32, #tpu.memory_space<hbm>> -> memref<32x128xi32, #tpu.memory_space<hbm>>
        %dma_wait3A_78 = arith.constant 0 : i32
        %dma_wait3A_79 = tpu.memref_slice %arg4[%add3A_39, %dma_wait3A_78] : memref<2560x128xi32, #tpu.memory_space<hbm>> -> memref<32x128xi32, #tpu.memory_space<hbm>>
        tpu.wait_dma2 semaphore(%run_scoped3A_71 : memref<!tpu.dma_semaphore, #tpu.memory_space<semaphore_mem>>) src(%dma_wait3A_79 : memref<32x128xi32, #tpu.memory_space<hbm>>) dst(%arg8 : memref<32x128xi32, #tpu.memory_space<vmem>>)
        tpu.yield
      }) : () -> ()
      %dma_start3A = arith.constant 0 : i32
      %dma_start3A_40 = arith.constant 0 : i32
      %dma_start3A_41 = tpu.memref_slice %arg7[%dma_start3A, %dma_start3A_40] : memref<32x128xi32, #tpu.memory_space<vmem>> -> memref<1x128xi32, #tpu.memory_space<vmem>>
      %dma_start3A_42 = tpu.memref_squeeze %dma_start3A_41 : memref<1x128xi32, #tpu.memory_space<vmem>> -> memref<128xi32, #tpu.memory_space<vmem>>
      %dma_start3A_43 = arith.constant 0 : i32
      %dma_start3A_44 = arith.constant 0 : i32
      %dma_start3A_45 = tpu.memref_slice %arg2[%dma_start3A_43, %dma_start3A_44] : memref<10240x128xf32, #tpu.memory_space<hbm>> -> memref<10240x128xf32, #tpu.memory_space<hbm>>
      tpu.enqueue_indirect_dma source(%dma_start3A_45 : memref<10240x128xf32, #tpu.memory_space<hbm>>) target(%arg9 : memref<128x128xf32, #tpu.memory_space<vmem>>) offsets(%dma_start3A_42 : memref<128xi32, #tpu.memory_space<vmem>>) semaphore(%arg12 : memref<!tpu.dma_semaphore, #tpu.memory_space<semaphore_mem>>)
      %scan3A = arith.constant 0 : i32
      %scan3A_46 = arith.constant 15 : i32
      %scan3A_47 = arith.addi %scan3A, %scan3A_46 : i32
      %scan3A_48 = arith.constant 1 : i32
      scf.for %scan3A_71 = %scan3A to %scan3A_47 step %scan3A_48  : i32 {
        %mul3A_72 = arith.constant 1 : i32
        %mul3A_73 = arith.muli %scan3A_71, %mul3A_72 : i32
        %add3A_74 = arith.constant 0 : i32
        %add3A_75 = arith.addi %add3A_74, %mul3A_73 : i32
        %mul3A_76 = arith.constant 2 : i32
        %mul3A_77 = arith.muli %mul3A_76, %add3A_75 : i32
        %add3A_78 = arith.constant 1 : i32
        %add3A_79 = arith.addi %mul3A_77, %add3A_78 : i32
        %dma_start3A_80 = arith.constant 0 : i32
        %dma_start3A_81 = tpu.memref_slice %arg7[%add3A_79, %dma_start3A_80] : memref<32x128xi32, #tpu.memory_space<vmem>> -> memref<1x128xi32, #tpu.memory_space<vmem>>
        %dma_start3A_82 = tpu.memref_squeeze %dma_start3A_81 : memref<1x128xi32, #tpu.memory_space<vmem>> -> memref<128xi32, #tpu.memory_space<vmem>>
        %dma_start3A_83 = arith.constant 0 : i32
        %dma_start3A_84 = arith.constant 0 : i32
        %dma_start3A_85 = tpu.memref_slice %arg2[%dma_start3A_83, %dma_start3A_84] : memref<10240x128xf32, #tpu.memory_space<hbm>> -> memref<10240x128xf32, #tpu.memory_space<hbm>>
        tpu.enqueue_indirect_dma source(%dma_start3A_85 : memref<10240x128xf32, #tpu.memory_space<hbm>>) target(%arg10 : memref<128x128xf32, #tpu.memory_space<vmem>>) offsets(%dma_start3A_82 : memref<128xi32, #tpu.memory_space<vmem>>) semaphore(%arg13 : memref<!tpu.dma_semaphore, #tpu.memory_space<semaphore_mem>>)
        %dma_wait3A_86 = arith.constant 0 : i32
        %dma_wait3A_87 = tpu.memref_slice %arg7[%mul3A_77, %dma_wait3A_86] : memref<32x128xi32, #tpu.memory_space<vmem>> -> memref<1x128xi32, #tpu.memory_space<vmem>>
        %dma_wait3A_88 = tpu.memref_squeeze %dma_wait3A_87 : memref<1x128xi32, #tpu.memory_space<vmem>> -> memref<128xi32, #tpu.memory_space<vmem>>
        %dma_wait3A_89 = arith.constant 0 : i32
        %dma_wait3A_90 = arith.constant 0 : i32
        %dma_wait3A_91 = tpu.memref_slice %arg2[%dma_wait3A_89, %dma_wait3A_90] : memref<10240x128xf32, #tpu.memory_space<hbm>> -> memref<10240x128xf32, #tpu.memory_space<hbm>>
        tpu.wait_indirect_dma semaphore(%arg12 : memref<!tpu.dma_semaphore, #tpu.memory_space<semaphore_mem>>) src(%dma_wait3A_91 : memref<10240x128xf32, #tpu.memory_space<hbm>>) dst(%arg9 : memref<128x128xf32, #tpu.memory_space<vmem>>)
        "tpu.region"() ({
          %run_scoped3A_110 = tpu.sem_alloc : memref<!tpu.dma_semaphore, #tpu.memory_space<semaphore_mem>>
          %dma_start3A_111 = arith.constant 0 : i32
          %dma_start3A_112 = tpu.memref_slice %arg8[%mul3A_77, %dma_start3A_111] : memref<32x128xi32, #tpu.memory_space<vmem>> -> memref<1x128xi32, #tpu.memory_space<vmem>>
          %dma_start3A_113 = tpu.memref_squeeze %dma_start3A_112 : memref<1x128xi32, #tpu.memory_space<vmem>> -> memref<128xi32, #tpu.memory_space<vmem>>
          %dma_start3A_114 = arith.constant 0 : i32
          %dma_start3A_115 = arith.constant 0 : i32
          %dma_start3A_116 = tpu.memref_slice %arg11[%dma_start3A_114, %dma_start3A_115] : memref<10240x128xf32, #tpu.memory_space<vmem_shared>> -> memref<10240x128xf32, #tpu.memory_space<vmem_shared>>
          tpu.enqueue_indirect_dma source(%arg9 : memref<128x128xf32, #tpu.memory_space<vmem>>) target(%dma_start3A_116 : memref<10240x128xf32, #tpu.memory_space<vmem_shared>>) offsets(%dma_start3A_113 : memref<128xi32, #tpu.memory_space<vmem>>) semaphore(%run_scoped3A_110 : memref<!tpu.dma_semaphore, #tpu.memory_space<semaphore_mem>>) {add = true}
          %dma_wait3A_117 = arith.constant 0 : i32
          %dma_wait3A_118 = tpu.memref_slice %arg8[%mul3A_77, %dma_wait3A_117] : memref<32x128xi32, #tpu.memory_space<vmem>> -> memref<1x128xi32, #tpu.memory_space<vmem>>
          %dma_wait3A_119 = tpu.memref_squeeze %dma_wait3A_118 : memref<1x128xi32, #tpu.memory_space<vmem>> -> memref<128xi32, #tpu.memory_space<vmem>>
          %dma_wait3A_120 = arith.constant 0 : i32
          %dma_wait3A_121 = arith.constant 0 : i32
          %dma_wait3A_122 = tpu.memref_slice %arg11[%dma_wait3A_120, %dma_wait3A_121] : memref<10240x128xf32, #tpu.memory_space<vmem_shared>> -> memref<10240x128xf32, #tpu.memory_space<vmem_shared>>
          tpu.wait_indirect_dma semaphore(%run_scoped3A_110 : memref<!tpu.dma_semaphore, #tpu.memory_space<semaphore_mem>>) src(%arg9 : memref<128x128xf32, #tpu.memory_space<vmem>>) dst(%dma_wait3A_122 : memref<10240x128xf32, #tpu.memory_space<vmem_shared>>)
          tpu.yield
        }) : () -> ()
        %add3A_92 = arith.constant 2 : i32
        %add3A_93 = arith.addi %mul3A_77, %add3A_92 : i32
        %dma_start3A_94 = arith.constant 0 : i32
        %dma_start3A_95 = tpu.memref_slice %arg7[%add3A_93, %dma_start3A_94] : memref<32x128xi32, #tpu.memory_space<vmem>> -> memref<1x128xi32, #tpu.memory_space<vmem>>
        %dma_start3A_96 = tpu.memref_squeeze %dma_start3A_95 : memref<1x128xi32, #tpu.memory_space<vmem>> -> memref<128xi32, #tpu.memory_space<vmem>>
        %dma_start3A_97 = arith.constant 0 : i32
        %dma_start3A_98 = arith.constant 0 : i32
        %dma_start3A_99 = tpu.memref_slice %arg2[%dma_start3A_97, %dma_start3A_98] : memref<10240x128xf32, #tpu.memory_space<hbm>> -> memref<10240x128xf32, #tpu.memory_space<hbm>>
        tpu.enqueue_indirect_dma source(%dma_start3A_99 : memref<10240x128xf32, #tpu.memory_space<hbm>>) target(%arg9 : memref<128x128xf32, #tpu.memory_space<vmem>>) offsets(%dma_start3A_96 : memref<128xi32, #tpu.memory_space<vmem>>) semaphore(%arg12 : memref<!tpu.dma_semaphore, #tpu.memory_space<semaphore_mem>>)
        %add3A_100 = arith.constant 1 : i32
        %add3A_101 = arith.addi %mul3A_77, %add3A_100 : i32
        %dma_wait3A_102 = arith.constant 0 : i32
        %dma_wait3A_103 = tpu.memref_slice %arg7[%add3A_101, %dma_wait3A_102] : memref<32x128xi32, #tpu.memory_space<vmem>> -> memref<1x128xi32, #tpu.memory_space<vmem>>
        %dma_wait3A_104 = tpu.memref_squeeze %dma_wait3A_103 : memref<1x128xi32, #tpu.memory_space<vmem>> -> memref<128xi32, #tpu.memory_space<vmem>>
        %dma_wait3A_105 = arith.constant 0 : i32
        %dma_wait3A_106 = arith.constant 0 : i32
        %dma_wait3A_107 = tpu.memref_slice %arg2[%dma_wait3A_105, %dma_wait3A_106] : memref<10240x128xf32, #tpu.memory_space<hbm>> -> memref<10240x128xf32, #tpu.memory_space<hbm>>
        tpu.wait_indirect_dma semaphore(%arg13 : memref<!tpu.dma_semaphore, #tpu.memory_space<semaphore_mem>>) src(%dma_wait3A_107 : memref<10240x128xf32, #tpu.memory_space<hbm>>) dst(%arg10 : memref<128x128xf32, #tpu.memory_space<vmem>>)
        %add3A_108 = arith.constant 1 : i32
        %add3A_109 = arith.addi %mul3A_77, %add3A_108 : i32
        "tpu.region"() ({
          %run_scoped3A_110 = tpu.sem_alloc : memref<!tpu.dma_semaphore, #tpu.memory_space<semaphore_mem>>
          %dma_start3A_111 = arith.constant 0 : i32
          %dma_start3A_112 = tpu.memref_slice %arg8[%add3A_109, %dma_start3A_111] : memref<32x128xi32, #tpu.memory_space<vmem>> -> memref<1x128xi32, #tpu.memory_space<vmem>>
          %dma_start3A_113 = tpu.memref_squeeze %dma_start3A_112 : memref<1x128xi32, #tpu.memory_space<vmem>> -> memref<128xi32, #tpu.memory_space<vmem>>
          %dma_start3A_114 = arith.constant 0 : i32
          %dma_start3A_115 = arith.constant 0 : i32
          %dma_start3A_116 = tpu.memref_slice %arg11[%dma_start3A_114, %dma_start3A_115] : memref<10240x128xf32, #tpu.memory_space<vmem_shared>> -> memref<10240x128xf32, #tpu.memory_space<vmem_shared>>
          tpu.enqueue_indirect_dma source(%arg10 : memref<128x128xf32, #tpu.memory_space<vmem>>) target(%dma_start3A_116 : memref<10240x128xf32, #tpu.memory_space<vmem_shared>>) offsets(%dma_start3A_113 : memref<128xi32, #tpu.memory_space<vmem>>) semaphore(%run_scoped3A_110 : memref<!tpu.dma_semaphore, #tpu.memory_space<semaphore_mem>>) {add = true}
          %dma_wait3A_117 = arith.constant 0 : i32
          %dma_wait3A_118 = tpu.memref_slice %arg8[%add3A_109, %dma_wait3A_117] : memref<32x128xi32, #tpu.memory_space<vmem>> -> memref<1x128xi32, #tpu.memory_space<vmem>>
          %dma_wait3A_119 = tpu.memref_squeeze %dma_wait3A_118 : memref<1x128xi32, #tpu.memory_space<vmem>> -> memref<128xi32, #tpu.memory_space<vmem>>
          %dma_wait3A_120 = arith.constant 0 : i32
          %dma_wait3A_121 = arith.constant 0 : i32
          %dma_wait3A_122 = tpu.memref_slice %arg11[%dma_wait3A_120, %dma_wait3A_121] : memref<10240x128xf32, #tpu.memory_space<vmem_shared>> -> memref<10240x128xf32, #tpu.memory_space<vmem_shared>>
          tpu.wait_indirect_dma semaphore(%run_scoped3A_110 : memref<!tpu.dma_semaphore, #tpu.memory_space<semaphore_mem>>) src(%arg10 : memref<128x128xf32, #tpu.memory_space<vmem>>) dst(%dma_wait3A_122 : memref<10240x128xf32, #tpu.memory_space<vmem_shared>>)
          tpu.yield
        }) : () -> ()
      }
      %scan3A_49 = arith.constant 15 : i32
      %dma_start3A_50 = arith.constant 31 : i32
      %dma_start3A_51 = arith.constant 0 : i32
      %dma_start3A_52 = tpu.memref_slice %arg7[%dma_start3A_50, %dma_start3A_51] : memref<32x128xi32, #tpu.memory_space<vmem>> -> memref<1x128xi32, #tpu.memory_space<vmem>>
      %dma_start3A_53 = tpu.memref_squeeze %dma_start3A_52 : memref<1x128xi32, #tpu.memory_space<vmem>> -> memref<128xi32, #tpu.memory_space<vmem>>
      %dma_start3A_54 = arith.constant 0 : i32
      %dma_start3A_55 = arith.constant 0 : i32
      %dma_start3A_56 = tpu.memref_slice %arg2[%dma_start3A_54, %dma_start3A_55] : memref<10240x128xf32, #tpu.memory_space<hbm>> -> memref<10240x128xf32, #tpu.memory_space<hbm>>
      tpu.enqueue_indirect_dma source(%dma_start3A_56 : memref<10240x128xf32, #tpu.memory_space<hbm>>) target(%arg10 : memref<128x128xf32, #tpu.memory_space<vmem>>) offsets(%dma_start3A_53 : memref<128xi32, #tpu.memory_space<vmem>>) semaphore(%arg13 : memref<!tpu.dma_semaphore, #tpu.memory_space<semaphore_mem>>)
      %dma_wait3A = arith.constant 30 : i32
      %dma_wait3A_57 = arith.constant 0 : i32
      %dma_wait3A_58 = tpu.memref_slice %arg7[%dma_wait3A, %dma_wait3A_57] : memref<32x128xi32, #tpu.memory_space<vmem>> -> memref<1x128xi32, #tpu.memory_space<vmem>>
      %dma_wait3A_59 = tpu.memref_squeeze %dma_wait3A_58 : memref<1x128xi32, #tpu.memory_space<vmem>> -> memref<128xi32, #tpu.memory_space<vmem>>
      %dma_wait3A_60 = arith.constant 0 : i32
      %dma_wait3A_61 = arith.constant 0 : i32
      %dma_wait3A_62 = tpu.memref_slice %arg2[%dma_wait3A_60, %dma_wait3A_61] : memref<10240x128xf32, #tpu.memory_space<hbm>> -> memref<10240x128xf32, #tpu.memory_space<hbm>>
      tpu.wait_indirect_dma semaphore(%arg12 : memref<!tpu.dma_semaphore, #tpu.memory_space<semaphore_mem>>) src(%dma_wait3A_62 : memref<10240x128xf32, #tpu.memory_space<hbm>>) dst(%arg9 : memref<128x128xf32, #tpu.memory_space<vmem>>)
      %run_scoped3A = arith.constant 30 : i32
      "tpu.region"() ({
        %run_scoped3A_71 = tpu.sem_alloc : memref<!tpu.dma_semaphore, #tpu.memory_space<semaphore_mem>>
        %dma_start3A_72 = arith.constant 0 : i32
        %dma_start3A_73 = tpu.memref_slice %arg8[%run_scoped3A, %dma_start3A_72] : memref<32x128xi32, #tpu.memory_space<vmem>> -> memref<1x128xi32, #tpu.memory_space<vmem>>
        %dma_start3A_74 = tpu.memref_squeeze %dma_start3A_73 : memref<1x128xi32, #tpu.memory_space<vmem>> -> memref<128xi32, #tpu.memory_space<vmem>>
        %dma_start3A_75 = arith.constant 0 : i32
        %dma_start3A_76 = arith.constant 0 : i32
        %dma_start3A_77 = tpu.memref_slice %arg11[%dma_start3A_75, %dma_start3A_76] : memref<10240x128xf32, #tpu.memory_space<vmem_shared>> -> memref<10240x128xf32, #tpu.memory_space<vmem_shared>>
        tpu.enqueue_indirect_dma source(%arg9 : memref<128x128xf32, #tpu.memory_space<vmem>>) target(%dma_start3A_77 : memref<10240x128xf32, #tpu.memory_space<vmem_shared>>) offsets(%dma_start3A_74 : memref<128xi32, #tpu.memory_space<vmem>>) semaphore(%run_scoped3A_71 : memref<!tpu.dma_semaphore, #tpu.memory_space<semaphore_mem>>) {add = true}
        %dma_wait3A_78 = arith.constant 0 : i32
        %dma_wait3A_79 = tpu.memref_slice %arg8[%run_scoped3A, %dma_wait3A_78] : memref<32x128xi32, #tpu.memory_space<vmem>> -> memref<1x128xi32, #tpu.memory_space<vmem>>
        %dma_wait3A_80 = tpu.memref_squeeze %dma_wait3A_79 : memref<1x128xi32, #tpu.memory_space<vmem>> -> memref<128xi32, #tpu.memory_space<vmem>>
        %dma_wait3A_81 = arith.constant 0 : i32
        %dma_wait3A_82 = arith.constant 0 : i32
        %dma_wait3A_83 = tpu.memref_slice %arg11[%dma_wait3A_81, %dma_wait3A_82] : memref<10240x128xf32, #tpu.memory_space<vmem_shared>> -> memref<10240x128xf32, #tpu.memory_space<vmem_shared>>
        tpu.wait_indirect_dma semaphore(%run_scoped3A_71 : memref<!tpu.dma_semaphore, #tpu.memory_space<semaphore_mem>>) src(%arg9 : memref<128x128xf32, #tpu.memory_space<vmem>>) dst(%dma_wait3A_83 : memref<10240x128xf32, #tpu.memory_space<vmem_shared>>)
        tpu.yield
      }) : () -> ()
      %dma_wait3A_63 = arith.constant 31 : i32
      %dma_wait3A_64 = arith.constant 0 : i32
      %dma_wait3A_65 = tpu.memref_slice %arg7[%dma_wait3A_63, %dma_wait3A_64] : memref<32x128xi32, #tpu.memory_space<vmem>> -> memref<1x128xi32, #tpu.memory_space<vmem>>
      %dma_wait3A_66 = tpu.memref_squeeze %dma_wait3A_65 : memref<1x128xi32, #tpu.memory_space<vmem>> -> memref<128xi32, #tpu.memory_space<vmem>>
      %dma_wait3A_67 = arith.constant 0 : i32
      %dma_wait3A_68 = arith.constant 0 : i32
      %dma_wait3A_69 = tpu.memref_slice %arg2[%dma_wait3A_67, %dma_wait3A_68] : memref<10240x128xf32, #tpu.memory_space<hbm>> -> memref<10240x128xf32, #tpu.memory_space<hbm>>
      tpu.wait_indirect_dma semaphore(%arg13 : memref<!tpu.dma_semaphore, #tpu.memory_space<semaphore_mem>>) src(%dma_wait3A_69 : memref<10240x128xf32, #tpu.memory_space<hbm>>) dst(%arg10 : memref<128x128xf32, #tpu.memory_space<vmem>>)
      %run_scoped3A_70 = arith.constant 31 : i32
      "tpu.region"() ({
        %run_scoped3A_71 = tpu.sem_alloc : memref<!tpu.dma_semaphore, #tpu.memory_space<semaphore_mem>>
        %dma_start3A_72 = arith.constant 0 : i32
        %dma_start3A_73 = tpu.memref_slice %arg8[%run_scoped3A_70, %dma_start3A_72] : memref<32x128xi32, #tpu.memory_space<vmem>> -> memref<1x128xi32, #tpu.memory_space<vmem>>
        %dma_start3A_74 = tpu.memref_squeeze %dma_start3A_73 : memref<1x128xi32, #tpu.memory_space<vmem>> -> memref<128xi32, #tpu.memory_space<vmem>>
        %dma_start3A_75 = arith.constant 0 : i32
        %dma_start3A_76 = arith.constant 0 : i32
        %dma_start3A_77 = tpu.memref_slice %arg11[%dma_start3A_75, %dma_start3A_76] : memref<10240x128xf32, #tpu.memory_space<vmem_shared>> -> memref<10240x128xf32, #tpu.memory_space<vmem_shared>>
        tpu.enqueue_indirect_dma source(%arg10 : memref<128x128xf32, #tpu.memory_space<vmem>>) target(%dma_start3A_77 : memref<10240x128xf32, #tpu.memory_space<vmem_shared>>) offsets(%dma_start3A_74 : memref<128xi32, #tpu.memory_space<vmem>>) semaphore(%run_scoped3A_71 : memref<!tpu.dma_semaphore, #tpu.memory_space<semaphore_mem>>) {add = true}
        %dma_wait3A_78 = arith.constant 0 : i32
        %dma_wait3A_79 = tpu.memref_slice %arg8[%run_scoped3A_70, %dma_wait3A_78] : memref<32x128xi32, #tpu.memory_space<vmem>> -> memref<1x128xi32, #tpu.memory_space<vmem>>
        %dma_wait3A_80 = tpu.memref_squeeze %dma_wait3A_79 : memref<1x128xi32, #tpu.memory_space<vmem>> -> memref<128xi32, #tpu.memory_space<vmem>>
        %dma_wait3A_81 = arith.constant 0 : i32
        %dma_wait3A_82 = arith.constant 0 : i32
        %dma_wait3A_83 = tpu.memref_slice %arg11[%dma_wait3A_81, %dma_wait3A_82] : memref<10240x128xf32, #tpu.memory_space<vmem_shared>> -> memref<10240x128xf32, #tpu.memory_space<vmem_shared>>
        tpu.wait_indirect_dma semaphore(%run_scoped3A_71 : memref<!tpu.dma_semaphore, #tpu.memory_space<semaphore_mem>>) src(%arg10 : memref<128x128xf32, #tpu.memory_space<vmem>>) dst(%dma_wait3A_83 : memref<10240x128xf32, #tpu.memory_space<vmem_shared>>)
        tpu.yield
      }) : () -> ()
    }
    %barrier3A_29 = arith.constant 0 : index
    tpu.barrier barrier_id(%barrier3A_29)
    %mul3A_30 = arith.constant 640 : i32
    %mul3A_31 = arith.muli %arg1, %mul3A_30 : i32
    %mul3A_32 = arith.constant 640 : i32
    %mul3A_33 = arith.muli %arg1, %mul3A_32 : i32
    "tpu.region"() ({
      %run_scoped3A = tpu.sem_alloc : memref<!tpu.dma_semaphore, #tpu.memory_space<semaphore_mem>>
      %dma_start3A = arith.constant 0 : i32
      %dma_start3A_34 = tpu.memref_slice %arg6[%arg0, %mul3A_33, %dma_start3A] : memref<2x10240x128xf32, #tpu.memory_space<hbm>> -> memref<1x640x128xf32, #tpu.memory_space<hbm>>
      %dma_start3A_35 = tpu.memref_squeeze %dma_start3A_34 : memref<1x640x128xf32, #tpu.memory_space<hbm>> -> memref<640x128xf32, #tpu.memory_space<hbm>>
      %dma_start3A_36 = arith.constant 0 : i32
      %dma_start3A_37 = tpu.memref_slice %arg11[%mul3A_31, %dma_start3A_36] : memref<10240x128xf32, #tpu.memory_space<vmem_shared>> -> memref<640x128xf32, #tpu.memory_space<vmem_shared>>
      tpu.enqueue_dma source(%dma_start3A_37 : memref<640x128xf32, #tpu.memory_space<vmem_shared>>) target(%dma_start3A_35 : memref<640x128xf32, #tpu.memory_space<hbm>>) target_semaphore(%run_scoped3A : memref<!tpu.dma_semaphore, #tpu.memory_space<semaphore_mem>>)
      %dma_wait3A = arith.constant 0 : i32
      %dma_wait3A_38 = tpu.memref_slice %arg6[%arg0, %mul3A_33, %dma_wait3A] : memref<2x10240x128xf32, #tpu.memory_space<hbm>> -> memref<1x640x128xf32, #tpu.memory_space<hbm>>
      %dma_wait3A_39 = tpu.memref_squeeze %dma_wait3A_38 : memref<1x640x128xf32, #tpu.memory_space<hbm>> -> memref<640x128xf32, #tpu.memory_space<hbm>>
      %dma_wait3A_40 = arith.constant 0 : i32
      %dma_wait3A_41 = tpu.memref_slice %arg11[%mul3A_31, %dma_wait3A_40] : memref<10240x128xf32, #tpu.memory_space<vmem_shared>> -> memref<640x128xf32, #tpu.memory_space<vmem_shared>>
      tpu.wait_dma2 semaphore(%run_scoped3A : memref<!tpu.dma_semaphore, #tpu.memory_space<semaphore_mem>>) src(%dma_wait3A_41 : memref<640x128xf32, #tpu.memory_space<vmem_shared>>) dst(%dma_wait3A_39 : memref<640x128xf32, #tpu.memory_space<hbm>>)
      tpu.yield
    }) : () -> ()
    return
  }
}

module attributes {stable_mosaic.version = 14 : i64} {
  func.func @_tc_prep_body(%arg0: i32, %arg1: memref<2x512xf32, #tpu.memory_space<vmem>>, %arg2: memref<512x128xf32, #tpu.memory_space<vmem>>, %arg3: memref<128x128xf32, #tpu.memory_space<vmem>>, %arg4: memref<1x128xf32, #tpu.memory_space<vmem>>, %arg5: memref<512x1xf32, #tpu.memory_space<vmem>>, %arg6: memref<512x128xf32, #tpu.memory_space<vmem>>) attributes {dimension_semantics = [#tpu.dimension_semantics<arbitrary>], iteration_bounds = array<i64: 20>, scalar_prefetch = 0 : i64, scratch_operands = 0 : i64, tpu.core_type = #tpu.core_type<tc>, window_params = [{transform_indices = @transform_0, window_bounds = array<i64: 2, 512>}, {transform_indices = @transform_1, window_bounds = array<i64: 512, 128>}, {pipeline_mode = #tpu.pipeline_mode<synchronous>, transform_indices = @transform_2, window_bounds = array<i64: 128, 128>}, {pipeline_mode = #tpu.pipeline_mode<synchronous>, transform_indices = @transform_3, window_bounds = array<i64: 1, 128>}, {transform_indices = @transform_4, window_bounds = array<i64: 512, 1>}, {transform_indices = @transform_5, window_bounds = array<i64: 512, 128>}]} {
    %get3A = arith.constant 0 : index
    %get3A_0 = arith.constant 0 : index
    %get3A_1 = vector.load %arg1[%get3A, %get3A_0] : memref<2x512xf32, #tpu.memory_space<vmem>>, vector<2x512xf32>
    %reduce_sum3A = arith.constant dense<0.000000e+00> : vector<512xf32>
    %reduce_sum3A_2 = vector.multi_reduction <add>, %get3A_1, %reduce_sum3A [0] : vector<2x512xf32> to vector<512xf32>
    %add3A = arith.constant 1.000000e+00 : f32
    %add3A_3 = vector.broadcast %add3A : f32 to vector<512xf32>
    %add3A_4 = arith.addf %reduce_sum3A_2, %add3A_3 : vector<512xf32>
    %rsqrt3A = math.rsqrt %add3A_4 : vector<512xf32>
    %reshape3A = vector.shape_cast %rsqrt3A : vector<512xf32> to vector<512x1xf32>
    %swap3A = arith.constant 0 : index
    %swap3A_5 = arith.constant 0 : index
    %swap3A_6 = vector.load %arg5[%swap3A, %swap3A_5] : memref<512x1xf32, #tpu.memory_space<vmem>>, vector<512x1xf32>
    tpu.vector_store %arg5[%swap3A, %swap3A_5], %reshape3A {strides = array<i32>} : memref<512x1xf32, #tpu.memory_space<vmem>>, vector<512x1xf32>,
    %get3A_7 = arith.constant 0 : index
    %get3A_8 = arith.constant 0 : index
    %get3A_9 = vector.load %arg2[%get3A_7, %get3A_8] : memref<512x128xf32, #tpu.memory_space<vmem>>, vector<512x128xf32>
    %get3A_10 = arith.constant 0 : index
    %get3A_11 = arith.constant 0 : index
    %get3A_12 = vector.load %arg3[%get3A_10, %get3A_11] : memref<128x128xf32, #tpu.memory_space<vmem>>, vector<128x128xf32>
    %dot_general3A = arith.constant dense<0.000000e+00> : vector<512x128xf32>
    %dot_general3A_13 = tpu.matmul %get3A_9, %get3A_12, %dot_general3A {dimension_numbers = #tpu.dot_dimension_numbers<[1], [0], [0], [1], [0, 0, 1, 1], [], []>, transpose_lhs_hint = false} : vector<512x128xf32>, vector<128x128xf32>, vector<512x128xf32> -> vector<512x128xf32>
    %get3A_14 = arith.constant 0 : index
    %get3A_15 = arith.constant 0 : index
    %get3A_16 = vector.load %arg4[%get3A_14, %get3A_15] : memref<1x128xf32, #tpu.memory_space<vmem>>, vector<1x128xf32>
    %add3A_17 = vector.broadcast %get3A_16 : vector<1x128xf32> to vector<512x128xf32>
    %add3A_18 = arith.addf %dot_general3A_13, %add3A_17 : vector<512x128xf32>
    %mul3A = vector.broadcast %reshape3A : vector<512x1xf32> to vector<512x128xf32>
    %mul3A_19 = arith.mulf %add3A_18, %mul3A : vector<512x128xf32>
    %swap3A_20 = arith.constant 0 : index
    %swap3A_21 = arith.constant 0 : index
    %swap3A_22 = vector.load %arg6[%swap3A_20, %swap3A_21] : memref<512x128xf32, #tpu.memory_space<vmem>>, vector<512x128xf32>
    tpu.vector_store %arg6[%swap3A_20, %swap3A_21], %mul3A_19 {strides = array<i32>} : memref<512x128xf32, #tpu.memory_space<vmem>>, vector<512x128xf32>,
    return
  }
  func.func @transform_0(%arg0: i32) -> (i32, i32) {
    %c0_i32 = arith.constant 0 : i32
    %c0_i32_0 = arith.constant 0 : i32
    return %c0_i32, %arg0 : i32, i32
  }
  func.func @transform_1(%arg0: i32) -> (i32, i32) {
    %c0_i32 = arith.constant 0 : i32
    %c0_i32_0 = arith.constant 0 : i32
    return %arg0, %c0_i32 : i32, i32
  }
  func.func @transform_2(%arg0: i32) -> (i32, i32) {
    %c0_i32 = arith.constant 0 : i32
    %c0_i32_0 = arith.constant 0 : i32
    %c0_i32_1 = arith.constant 0 : i32
    return %c0_i32, %c0_i32_0 : i32, i32
  }
  func.func @transform_3(%arg0: i32) -> (i32, i32) {
    %c0_i32 = arith.constant 0 : i32
    %c0_i32_0 = arith.constant 0 : i32
    %c0_i32_1 = arith.constant 0 : i32
    return %c0_i32, %c0_i32_0 : i32, i32
  }
  func.func @transform_4(%arg0: i32) -> (i32, i32) {
    %c0_i32 = arith.constant 0 : i32
    %c0_i32_0 = arith.constant 0 : i32
    return %arg0, %c0_i32 : i32, i32
  }
  func.func @transform_5(%arg0: i32) -> (i32, i32) {
    %c0_i32 = arith.constant 0 : i32
    %c0_i32_0 = arith.constant 0 : i32
    return %arg0, %c0_i32 : i32, i32
  }
}

module attributes {stable_mosaic.version = 14 : i64} {
  func.func @_tc_mid_body(%arg0: i32, %arg1: memref<2x512x128xf32, #tpu.memory_space<vmem>>, %arg2: memref<512x128xf32, #tpu.memory_space<vmem>>, %arg3: memref<512x1xf32, #tpu.memory_space<vmem>>, %arg4: memref<128x128xf32, #tpu.memory_space<vmem>>, %arg5: memref<1x128xf32, #tpu.memory_space<vmem>>, %arg6: memref<512x128xf32, #tpu.memory_space<vmem>>) attributes {dimension_semantics = [#tpu.dimension_semantics<arbitrary>], iteration_bounds = array<i64: 20>, scalar_prefetch = 0 : i64, scratch_operands = 0 : i64, tpu.core_type = #tpu.core_type<tc>, window_params = [{transform_indices = @transform_0, window_bounds = array<i64: 2, 512, 128>}, {transform_indices = @transform_1, window_bounds = array<i64: 512, 128>}, {transform_indices = @transform_2, window_bounds = array<i64: 512, 1>}, {pipeline_mode = #tpu.pipeline_mode<synchronous>, transform_indices = @transform_3, window_bounds = array<i64: 128, 128>}, {pipeline_mode = #tpu.pipeline_mode<synchronous>, transform_indices = @transform_4, window_bounds = array<i64: 1, 128>}, {transform_indices = @transform_5, window_bounds = array<i64: 512, 128>}]} {
    %get3A = arith.constant 0 : index
    %get3A_0 = arith.constant 0 : index
    %get3A_1 = arith.constant 0 : index
    %get3A_2 = vector.load %arg1[%get3A, %get3A_0, %get3A_1] : memref<2x512x128xf32, #tpu.memory_space<vmem>>, vector<1x512x128xf32>
    %get3A_3 = vector.shape_cast %get3A_2 : vector<1x512x128xf32> to vector<512x128xf32>
    %get3A_4 = arith.constant 1 : index
    %get3A_5 = arith.constant 0 : index
    %get3A_6 = arith.constant 0 : index
    %get3A_7 = vector.load %arg1[%get3A_4, %get3A_5, %get3A_6] : memref<2x512x128xf32, #tpu.memory_space<vmem>>, vector<1x512x128xf32>
    %get3A_8 = vector.shape_cast %get3A_7 : vector<1x512x128xf32> to vector<512x128xf32>
    %add3A = arith.addf %get3A_3, %get3A_8 : vector<512x128xf32>
    %get3A_9 = arith.constant 0 : index
    %get3A_10 = arith.constant 0 : index
    %get3A_11 = vector.load %arg2[%get3A_9, %get3A_10] : memref<512x128xf32, #tpu.memory_space<vmem>>, vector<512x128xf32>
    %add3A_12 = arith.addf %add3A, %get3A_11 : vector<512x128xf32>
    %get3A_13 = arith.constant 0 : index
    %get3A_14 = arith.constant 0 : index
    %get3A_15 = vector.load %arg3[%get3A_13, %get3A_14] : memref<512x1xf32, #tpu.memory_space<vmem>>, vector<512x1xf32>
    %mul3A = vector.broadcast %get3A_15 : vector<512x1xf32> to vector<512x128xf32>
    %mul3A_16 = arith.mulf %add3A_12, %mul3A : vector<512x128xf32>
    %get3A_17 = arith.constant 0 : index
    %get3A_18 = arith.constant 0 : index
    %get3A_19 = vector.load %arg4[%get3A_17, %get3A_18] : memref<128x128xf32, #tpu.memory_space<vmem>>, vector<128x128xf32>
    %dot_general3A = arith.constant dense<0.000000e+00> : vector<512x128xf32>
    %dot_general3A_20 = tpu.matmul %mul3A_16, %get3A_19, %dot_general3A {dimension_numbers = #tpu.dot_dimension_numbers<[1], [0], [0], [1], [0, 0, 1, 1], [], []>, transpose_lhs_hint = false} : vector<512x128xf32>, vector<128x128xf32>, vector<512x128xf32> -> vector<512x128xf32>
    %get3A_21 = arith.constant 0 : index
    %get3A_22 = arith.constant 0 : index
    %get3A_23 = vector.load %arg5[%get3A_21, %get3A_22] : memref<1x128xf32, #tpu.memory_space<vmem>>, vector<1x128xf32>
    %add3A_24 = vector.broadcast %get3A_23 : vector<1x128xf32> to vector<512x128xf32>
    %add3A_25 = arith.addf %dot_general3A_20, %add3A_24 : vector<512x128xf32>
    %max3A = arith.constant 0.000000e+00 : f32
    %max3A_26 = vector.broadcast %max3A : f32 to vector<512x128xf32>
    %max3A_27 = arith.maximumf %add3A_25, %max3A_26 : vector<512x128xf32>
    %get3A_28 = arith.constant 0 : index
    %get3A_29 = arith.constant 0 : index
    %get3A_30 = vector.load %arg3[%get3A_28, %get3A_29] : memref<512x1xf32, #tpu.memory_space<vmem>>, vector<512x1xf32>
    %mul3A_31 = vector.broadcast %get3A_30 : vector<512x1xf32> to vector<512x128xf32>
    %mul3A_32 = arith.mulf %max3A_27, %mul3A_31 : vector<512x128xf32>
    %swap3A = arith.constant 0 : index
    %swap3A_33 = arith.constant 0 : index
    %swap3A_34 = vector.load %arg6[%swap3A, %swap3A_33] : memref<512x128xf32, #tpu.memory_space<vmem>>, vector<512x128xf32>
    tpu.vector_store %arg6[%swap3A, %swap3A_33], %mul3A_32 {strides = array<i32>} : memref<512x128xf32, #tpu.memory_space<vmem>>, vector<512x128xf32>,
    return
  }
  func.func @transform_0(%arg0: i32) -> (i32, i32, i32) {
    %c0_i32 = arith.constant 0 : i32
    %c0_i32_0 = arith.constant 0 : i32
    %c0_i32_1 = arith.constant 0 : i32
    return %c0_i32, %arg0, %c0_i32_0 : i32, i32, i32
  }
  func.func @transform_1(%arg0: i32) -> (i32, i32) {
    %c0_i32 = arith.constant 0 : i32
    %c0_i32_0 = arith.constant 0 : i32
    return %arg0, %c0_i32 : i32, i32
  }
  func.func @transform_2(%arg0: i32) -> (i32, i32) {
    %c0_i32 = arith.constant 0 : i32
    %c0_i32_0 = arith.constant 0 : i32
    return %arg0, %c0_i32 : i32, i32
  }
  func.func @transform_3(%arg0: i32) -> (i32, i32) {
    %c0_i32 = arith.constant 0 : i32
    %c0_i32_0 = arith.constant 0 : i32
    %c0_i32_1 = arith.constant 0 : i32
    return %c0_i32, %c0_i32_0 : i32, i32
  }
  func.func @transform_4(%arg0: i32) -> (i32, i32) {
    %c0_i32 = arith.constant 0 : i32
    %c0_i32_0 = arith.constant 0 : i32
    %c0_i32_1 = arith.constant 0 : i32
    return %c0_i32, %c0_i32_0 : i32, i32
  }
  func.func @transform_5(%arg0: i32) -> (i32, i32) {
    %c0_i32 = arith.constant 0 : i32
    %c0_i32_0 = arith.constant 0 : i32
    return %arg0, %c0_i32 : i32, i32
  }
}

module attributes {stable_mosaic.version = 14 : i64} {
  func.func @_tc_final_body(%arg0: i32, %arg1: memref<2x512x128xf32, #tpu.memory_space<vmem>>, %arg2: memref<512x128xf32, #tpu.memory_space<vmem>>, %arg3: memref<512x1xf32, #tpu.memory_space<vmem>>, %arg4: memref<128x128xf32, #tpu.memory_space<vmem>>, %arg5: memref<1x128xf32, #tpu.memory_space<vmem>>, %arg6: memref<128x128xf32, #tpu.memory_space<vmem>>, %arg7: memref<1x128xf32, #tpu.memory_space<vmem>>, %arg8: memref<512x128xf32, #tpu.memory_space<vmem>>) attributes {dimension_semantics = [#tpu.dimension_semantics<arbitrary>], iteration_bounds = array<i64: 20>, scalar_prefetch = 0 : i64, scratch_operands = 0 : i64, tpu.core_type = #tpu.core_type<tc>, window_params = [{transform_indices = @transform_0, window_bounds = array<i64: 2, 512, 128>}, {transform_indices = @transform_1, window_bounds = array<i64: 512, 128>}, {transform_indices = @transform_2, window_bounds = array<i64: 512, 1>}, {pipeline_mode = #tpu.pipeline_mode<synchronous>, transform_indices = @transform_3, window_bounds = array<i64: 128, 128>}, {pipeline_mode = #tpu.pipeline_mode<synchronous>, transform_indices = @transform_4, window_bounds = array<i64: 1, 128>}, {pipeline_mode = #tpu.pipeline_mode<synchronous>, transform_indices = @transform_5, window_bounds = array<i64: 128, 128>}, {pipeline_mode = #tpu.pipeline_mode<synchronous>, transform_indices = @transform_6, window_bounds = array<i64: 1, 128>}, {transform_indices = @transform_7, window_bounds = array<i64: 512, 128>}]} {
    %get3A = arith.constant 0 : index
    %get3A_0 = arith.constant 0 : index
    %get3A_1 = arith.constant 0 : index
    %get3A_2 = vector.load %arg1[%get3A, %get3A_0, %get3A_1] : memref<2x512x128xf32, #tpu.memory_space<vmem>>, vector<1x512x128xf32>
    %get3A_3 = vector.shape_cast %get3A_2 : vector<1x512x128xf32> to vector<512x128xf32>
    %get3A_4 = arith.constant 1 : index
    %get3A_5 = arith.constant 0 : index
    %get3A_6 = arith.constant 0 : index
    %get3A_7 = vector.load %arg1[%get3A_4, %get3A_5, %get3A_6] : memref<2x512x128xf32, #tpu.memory_space<vmem>>, vector<1x512x128xf32>
    %get3A_8 = vector.shape_cast %get3A_7 : vector<1x512x128xf32> to vector<512x128xf32>
    %add3A = arith.addf %get3A_3, %get3A_8 : vector<512x128xf32>
    %get3A_9 = arith.constant 0 : index
    %get3A_10 = arith.constant 0 : index
    %get3A_11 = vector.load %arg2[%get3A_9, %get3A_10] : memref<512x128xf32, #tpu.memory_space<vmem>>, vector<512x128xf32>
    %add3A_12 = arith.addf %add3A, %get3A_11 : vector<512x128xf32>
    %get3A_13 = arith.constant 0 : index
    %get3A_14 = arith.constant 0 : index
    %get3A_15 = vector.load %arg3[%get3A_13, %get3A_14] : memref<512x1xf32, #tpu.memory_space<vmem>>, vector<512x1xf32>
    %mul3A = vector.broadcast %get3A_15 : vector<512x1xf32> to vector<512x128xf32>
    %mul3A_16 = arith.mulf %add3A_12, %mul3A : vector<512x128xf32>
    %get3A_17 = arith.constant 0 : index
    %get3A_18 = arith.constant 0 : index
    %get3A_19 = vector.load %arg4[%get3A_17, %get3A_18] : memref<128x128xf32, #tpu.memory_space<vmem>>, vector<128x128xf32>
    %dot_general3A = arith.constant dense<0.000000e+00> : vector<512x128xf32>
    %dot_general3A_20 = tpu.matmul %mul3A_16, %get3A_19, %dot_general3A {dimension_numbers = #tpu.dot_dimension_numbers<[1], [0], [0], [1], [0, 0, 1, 1], [], []>, transpose_lhs_hint = false} : vector<512x128xf32>, vector<128x128xf32>, vector<512x128xf32> -> vector<512x128xf32>
    %get3A_21 = arith.constant 0 : index
    %get3A_22 = arith.constant 0 : index
    %get3A_23 = vector.load %arg5[%get3A_21, %get3A_22] : memref<1x128xf32, #tpu.memory_space<vmem>>, vector<1x128xf32>
    %add3A_24 = vector.broadcast %get3A_23 : vector<1x128xf32> to vector<512x128xf32>
    %add3A_25 = arith.addf %dot_general3A_20, %add3A_24 : vector<512x128xf32>
    %get3A_26 = arith.constant 0 : index
    %get3A_27 = arith.constant 0 : index
    %get3A_28 = vector.load %arg6[%get3A_26, %get3A_27] : memref<128x128xf32, #tpu.memory_space<vmem>>, vector<128x128xf32>
    %dot_general3A_29 = arith.constant dense<0.000000e+00> : vector<512x128xf32>
    %dot_general3A_30 = tpu.matmul %add3A_25, %get3A_28, %dot_general3A_29 {dimension_numbers = #tpu.dot_dimension_numbers<[1], [0], [0], [1], [0, 0, 1, 1], [], []>, transpose_lhs_hint = false} : vector<512x128xf32>, vector<128x128xf32>, vector<512x128xf32> -> vector<512x128xf32>
    %get3A_31 = arith.constant 0 : index
    %get3A_32 = arith.constant 0 : index
    %get3A_33 = vector.load %arg7[%get3A_31, %get3A_32] : memref<1x128xf32, #tpu.memory_space<vmem>>, vector<1x128xf32>
    %add3A_34 = vector.broadcast %get3A_33 : vector<1x128xf32> to vector<512x128xf32>
    %add3A_35 = arith.addf %dot_general3A_30, %add3A_34 : vector<512x128xf32>
    %swap3A = arith.constant 0 : index
    %swap3A_36 = arith.constant 0 : index
    %swap3A_37 = vector.load %arg8[%swap3A, %swap3A_36] : memref<512x128xf32, #tpu.memory_space<vmem>>, vector<512x128xf32>
    tpu.vector_store %arg8[%swap3A, %swap3A_36], %add3A_35 {strides = array<i32>} : memref<512x128xf32, #tpu.memory_space<vmem>>, vector<512x128xf32>,
    return
  }
  func.func @transform_0(%arg0: i32) -> (i32, i32, i32) {
    %c0_i32 = arith.constant 0 : i32
    %c0_i32_0 = arith.constant 0 : i32
    %c0_i32_1 = arith.constant 0 : i32
    return %c0_i32, %arg0, %c0_i32_0 : i32, i32, i32
  }
  func.func @transform_1(%arg0: i32) -> (i32, i32) {
    %c0_i32 = arith.constant 0 : i32
    %c0_i32_0 = arith.constant 0 : i32
    return %arg0, %c0_i32 : i32, i32
  }
  func.func @transform_2(%arg0: i32) -> (i32, i32) {
    %c0_i32 = arith.constant 0 : i32
    %c0_i32_0 = arith.constant 0 : i32
    return %arg0, %c0_i32 : i32, i32
  }
  func.func @transform_3(%arg0: i32) -> (i32, i32) {
    %c0_i32 = arith.constant 0 : i32
    %c0_i32_0 = arith.constant 0 : i32
    %c0_i32_1 = arith.constant 0 : i32
    return %c0_i32, %c0_i32_0 : i32, i32
  }
  func.func @transform_4(%arg0: i32) -> (i32, i32) {
    %c0_i32 = arith.constant 0 : i32
    %c0_i32_0 = arith.constant 0 : i32
    %c0_i32_1 = arith.constant 0 : i32
    return %c0_i32, %c0_i32_0 : i32, i32
  }
  func.func @transform_5(%arg0: i32) -> (i32, i32) {
    %c0_i32 = arith.constant 0 : i32
    %c0_i32_0 = arith.constant 0 : i32
    %c0_i32_1 = arith.constant 0 : i32
    return %c0_i32, %c0_i32_0 : i32, i32
  }
  func.func @transform_6(%arg0: i32) -> (i32, i32) {
    %c0_i32 = arith.constant 0 : i32
    %c0_i32_0 = arith.constant 0 : i32
    %c0_i32_1 = arith.constant 0 : i32
    return %c0_i32, %c0_i32_0 : i32, i32
  }
  func.func @transform_7(%arg0: i32) -> (i32, i32) {
    %c0_i32 = arith.constant 0 : i32
    %c0_i32_0 = arith.constant 0 : i32
    return %arg0, %c0_i32 : i32, i32
  }
}

</mosaic_0001>

<sc_bundles>
// kernel: kernel.10.cloned.1.call-start
scs
__scs_entry_jumppad:
0x0: {  	(pc) =	sbr.rel $0x88, $3  }
0x1: {  	(tag) =	ssettag $0x0;
	lr =	simm.s32 $0x1  }
0x2: {  	[smem:$0x3F95] =	sst lr;
	_ =	strace $0xD0000000  }
0x3: {  	_ = 	snop  }
0x4: {  	_ = 	snop  }
0x5: {  	_ = 	snop  }
0x6: {  	_ = 	snop  }
0x7: {  	_ = 	snop  }
__scs_overlays_trampoline_lowered:
0x8: {  	[smem:$0x3FA4] =	sst s0  }
0x9: {  	[smem:$0x3FA5] =	sst s1  }
0xa: {  	[smem:$0x3FA6] =	sst s2  }
0xb: {  	[smem:$0x3FA7] =	sst s3  }
0xc: {  	[smem:$0x3FA8] =	sst s4  }
0xd: {  	[smem:$0x3FA9] =	sst s5  }
0xe: {  	[smem:$0x3FAA] =	sst s6  }
0xf: {  	[smem:$0x3FAB] =	sst s7  }
0x10: {  	[smem:$0x3FAC] =	sst s8  }
0x11: {  	[smem:$0x3FAD] =	sst s9;
	s0 =	simm.s32 @!p0 $0x0  }
0x12: {  	s1 =	sld [smem:$0x3F93];
	s0 =	simm.s32 @p0 $0x1  }
0x13: {  	[smem:$0x3FAE] =	sst s0;
	s0 =	simm.s32 @!p1 $0x0  }
0x14: {  	s2 =	sld [smem:$0x3F92];
	s0 =	simm.s32 @p1 $0x1  }
0x15: {  	[smem:$0x3FAF] =	sst s0;
	s0 =	simm.s32 @!p2 $0x0  }
0x16: {  	s3 =	sld [smem:$0x3FDB];
	s0 =	simm.s32 @p2 $0x1  }
0x17: {  	s4 =	simm.s32 $0x1BF5;
	[smem:$0x3FB1] =	sst s0  }
0x18: {  	s0 =	sld [smem:$0x3F94];
	_ =	swait.ge [sflag:s4], $0x0  }
0x19: {  	s7 =	sld [smem:$0x3F95]  }
0x1a: {  	s8 =	sadd.s32 $0xFFFFE003, lr  }
0x1b: {  	s9 =	sadd.s32 $0xFFFFFEF7, lr;
	s5 =	simm.s32 $0xFFFFFFFF;
	p2 =	slt.u32 s8, $0xFFFFF086  }
0x1c: {  	p1 =	slt.u32 s9, $0xF7A;
	s5 =	simm.s32 @!p2 $0x0  }
0x1d: {  	s5 =	simm.s32 @p1 $0x1;
	p0 =	seq.s32 s7, s2  }
0x1e: {  	s7 =	smul.u32 @!p0 $0xF7A, s2;
	p2 =	seq.s32 @!p0 s5, $0x0  }
0x1f: {  	s9 =	smul.u32 $0xF7A, s1;
	s8 =	simm.s32 @!p0 $0x1BF5;
	p2 =	por !p2, p0  }
0x20: {  	[sflag:s8] =	ssyncset.s32 @!p0 $0xFFFFF086;
	s6 =	sadd.s32 @!p0 s3, s7;
	s7 =	simm.s32 @!p0 $0x108  }
0x21: {  	s3 =	sadd.s32 s3, s9;
	s6 =	sadd.s32 @!p0 $0x88, s6;
	s7 =	simm.s32 @p2 $0x1082  }
0x22: {  	[simem:s7], [sflag:s8] =	dma.local @!p0 [hbm:s6], $0xF7A  }
0x23: {  	s9 =	sor.u32 $0xD0000000, s2;
	s6 =	simm.s32 $0x108;
	_ =	swait.ge @!p0 [sflag:s8], $0x0  }
0x24: {  	s3 =	sadd.s32 $0x88, s3;
	s6 =	simm.s32 @!p1 $0x1082;
	[sflag:s4] =	ssyncset.s32 $0xFFFFF086  }
0x25: {  	[simem:s6], [sflag:s4] =	dma.local [hbm:s3], $0xF7A  }
0x26: {  	[smem:$0x3F95] =	sst s1;
	(tag) =	ssettag s2;
	_ =	strace s9  }
0x27: {  	s1 =	sld [smem:$0x3FA5]  }
0x28: {  	s2 =	sld [smem:$0x3FA6]  }
0x29: {  	s4 =	sld [smem:$0x3FA8]  }
0x2a: {  	p0 =	seq.s32 s5, $0x0;
	s5 =	sld [smem:$0x3FA9]  }
0x2b: {  	s6 =	sld [smem:$0x3FAA]  }
0x2c: {  	s7 =	sld [smem:$0x3FAB]  }
0x2d: {  	s3 =	simm.s32 $0x108;
	s8 =	sld [smem:$0x3FAC]  }
0x2e: {  	s3 =	simm.s32 @!p0 $0x1082;
	s9 =	sld [smem:$0x3FAD]  }
0x2f: {  	lr =	sadd.s32 s0, s3;
	s0 =	sld [smem:$0x3FA4]  }
0x30: {  	s3 =	sld [smem:$0x3FA7]  }
0x31: {  	[smem:$0x3FB0] =	sst s10  }
0x32: {  	s10 =	sld [smem:$0x3FAE];
	_ =	sdelay $0x3  }
0x33: {  	p0 =	seq.s32 s10, $0x1;
	s10 =	sld [smem:$0x3FB0];
	_ =	sdelay $0x3  }
0x34: {  	[smem:$0x3FB0] =	sst s10  }
0x35: {  	s10 =	sld [smem:$0x3FAF];
	_ =	sdelay $0x3  }
0x36: {  	p1 =	seq.s32 s10, $0x1;
	s10 =	sld [smem:$0x3FB0];
	_ =	sdelay $0x3  }
0x37: {  	[smem:$0x3FB0] =	sst s10  }
0x38: {  	s10 =	sld [smem:$0x3FB1]  }
0x39: {  	_ = 	snop;
	(pc) =	sbr.ind lr, $3  }
0x3a: {  	_ = 	snop  }
0x3b: {  	_ = 	snop  }
0x3c: {  	p2 =	seq.s32 s10, $0x1;
	s10 =	sld [smem:$0x3FB0]  }
0x3d: {  	_ =	shalt  }
0x3e: {  	_ =	shalt  }
0x3f: {  	_ =	shalt  }
0x40: {  	_ =	shalt  }
0x41: {  	_ =	shalt  }
0x42: {  	_ =	shalt  }
0x43: {  	_ =	shalt  }
0x44: {  	_ =	shalt  }
0x45: {  	_ =	shalt  }
0x46: {  	_ =	shalt  }
0x47: {  	_ =	shalt  }
0x48: {  	_ =	shalt  }
0x49: {  	_ =	shalt  }
0x4a: {  	_ =	shalt  }
0x4b: {  	_ =	shalt  }
0x4c: {  	_ =	shalt  }
0x4d: {  	_ =	shalt  }
0x4e: {  	_ =	shalt  }
0x4f: {  	_ =	shalt  }
0x50: {  	_ =	shalt  }
0x51: {  	_ =	shalt  }
0x52: {  	_ =	shalt  }
0x53: {  	_ =	shalt  }
0x54: {  	_ =	shalt  }
0x55: {  	_ =	shalt  }
0x56: {  	_ =	shalt  }
0x57: {  	_ =	shalt  }
0x58: {  	_ =	shalt  }
0x59: {  	_ =	shalt  }
0x5a: {  	_ =	shalt  }
0x5b: {  	_ =	shalt  }
0x5c: {  	_ =	shalt  }
0x5d: {  	_ =	shalt  }
0x5e: {  	_ =	shalt  }
0x5f: {  	_ =	shalt  }
0x60: {  	_ =	shalt  }
0x61: {  	_ =	shalt  }
0x62: {  	_ =	shalt  }
0x63: {  	_ =	shalt  }
0x64: {  	_ =	shalt  }
0x65: {  	_ =	shalt  }
0x66: {  	_ =	shalt  }
0x67: {  	_ =	shalt  }
0x68: {  	_ =	shalt  }
0x69: {  	_ =	shalt  }
0x6a: {  	_ =	shalt  }
0x6b: {  	_ =	shalt  }
0x6c: {  	_ =	shalt  }
0x6d: {  	_ =	shalt  }
0x6e: {  	_ =	shalt  }
0x6f: {  	_ =	shalt  }
0x70: {  	_ =	shalt  }
0x71: {  	_ =	shalt  }
0x72: {  	_ =	shalt  }
0x73: {  	_ =	shalt  }
0x74: {  	_ =	shalt  }
0x75: {  	_ =	shalt  }
0x76: {  	_ =	shalt  }
0x77: {  	_ =	shalt  }
0x78: {  	_ =	shalt  }
0x79: {  	_ =	shalt  }
0x7a: {  	_ =	shalt  }
0x7b: {  	_ =	shalt  }
0x7c: {  	_ =	shalt  }
0x7d: {  	_ =	shalt  }
0x7e: {  	_ =	shalt  }
0x7f: {  	_ =	shalt  }
0x80: {  	_ =	shalt  }
0x81: {  	_ =	shalt  }
0x82: {  	_ =	shalt  }
0x83: {  	_ =	shalt  }
0x84: {  	_ =	shalt  }
0x85: {  	_ =	shalt  }
0x86: {  	_ =	shalt  }
0x87: {  	_ =	shalt  }
.Lfunc_end0:
.L_simem_size_0:
called_computation_lowered:
.L_overlay_start_0:
0x88: {  	s2 =	sld [smem:$0x3FD9]  }
0x89: {  	s3 =	sld [smem:$0x3FFE];
	_ =	sdelay $0x1  }
0x8a: {  	s1 =	srdreg.scid  }
0x8b: {  	s0 =	sand.u32 $0x1, s1  }
0x8c: {  	s16 =	sshll.u32 s0, $0xA;
	s2 =	sadd.s32 s3, s2  }
0x8d: {  	s2 =	sadd.s32 s2, s16  }
0x8e: {  	[smem:$0x3FBC] =	sst s2  }
0x8f: {  	_ = 	snop  }
0x90: {  	(tm) =	ssettm $0x1  }
0x91: {  	s17 =	sld [smem:$0x3FFB];
	_ =	sdelay $0x3  }
0x92: {  	_ =	strace s17  }
0x93: {  	s2 =	sld [smem:$0x3FFC];
	_ =	sdelay $0x3  }
0x94: {  	_ =	strace s2  }
0x95: {  	s2 =	sld [smem:$0x3FFD];
	_ =	sdelay $0x3  }
0x96: {  	_ =	strace s2  }
0x97: {  	_ =	strace $0x8FFFFFFF  }
0x98: {  	s18 =	sld [smem:$0x3FDB];
	_ =	sdelay $0x1  }
0x99: {  	s19 =	simm.s32 $_scs_section_size  }
0x9a: {  	s4 =	simm.s32 $_size__tile_overlayer_lowered;
	s5 =	simm.s32 $_tile_overlayer_lowered  }
0x9b: {  	s22 =	simm.s32 $0x1BFF;
	s21 =	sshll.u32 s5, $0x1;
	s2 =	sadd.s32 s19, s18  }
0x9c: {  	s6 =	simm.s32 $0x0;
	s20 =	sshll.u32 s4, $0x1;
	s4 =	sadd.s32 s21, s2  }
0x9d: {  	[timem:s6], [sflag:s22] =	dma.local [hbm:s4], s20  }
0x9e: {  	_ =	swait.ge [sflag:s22], s20  }
0x9f: {  	s3 =	ssub.s32 $0x0, s20;
	[sflag:s22] =	ssyncset.done $0x0  }
0xa0: {  	[sflag:s22] =	ssyncadd.s32 s3;
	_ =	sdelay $0x1  }
0xa1: {  	s23 =	simm.s32 $0x1B8B  }
0xa2: {  	_ =	swait.ge [sflag:s23], $0x1  }
0xa3: {  	[sflag:s23] =	ssyncset.done $0x0  }
0xa4: {  	s25 =	simm.s32 $0x1B8E;
	s24 =	sld [smem:$0x3FFE];
	[sflag:s23] =	ssyncadd.s32 $0xFFFFFFFF  }
0xa5: {  	s26 =	simm.s32 $execute0_lowered;
	[smem:$0x3FD2] =	sst s25  }
0xa6: {  	s4 =	sshll.u32 s26, $0x1;
	_ =	strace $0x80000046;
	[dreg:$0x1] =	wrdreg $0xFFFFFFFF  }
0xa7: {  	s28 =	simm.s32 $_size_execute0_lowered;
	s2 =	sadd.s32 s2, s4;
	[dreg:$0x0] =	wrdreg $0x0  }
0xa8: {  	s4 =	sshll.u32 s28, $0x1;
	[dreg:$0x2] =	wrdreg s2  }
0xa9: {  	[dreg:$0x3] =	wrdreg s4  }
0xaa: {  	[dreg:$0x4] =	wrdreg $0xC0  }
0xab: {  	_ =	task [dreg:s6], $0x5FFFF  }
0xac: {  	[dreg:$0x1] =	wrdreg $0xFFFFFFFF  }
0xad: {  	[dreg:$0x0] =	wrdreg $0x60  }
0xae: {  	[dreg:$0x2] =	wrdreg s24  }
0xaf: {  	[dreg:$0x3] =	wrdreg $0x28800  }
0xb0: {  	[dreg:$0x4] =	wrdreg $0x9  }
0xb1: {  	_ =	task.clear_ibuf [dreg:s6], $0x5FFFF;
	_ =	strace $0x90000046  }
0xb2: {  	s29 =	simm.s32 $0x9;
	_ =	strace $0x80000048  }
0xb3: {  	_ =	swait.ge [sflag:s29], $0x1  }
0xb4: {  	[sflag:s29] =	ssyncadd.s32 $0xFFFFFFFF  }
0xb5: {  	_ =	strace $0x90000048  }
0xb6: {  	_ =	sfence  }
0xb7: {  	s30 =	sld [smem:$0x0];
	_ =	sdelay $0x2  }
0xb8: {  	s31 =	sshll.u32 s1, $0xD;
	s1 =	sshrl.u32 s1, $0x2  }
0xb9: {  	s3 =	sand.u32 $0x4000, s31;
	s1 =	sadd.s32 s1, s30  }
0xba: {  	s0 =	sor.u32 s3, s0;
	s1 =	sshll.u32 s1, $0x11  }
0xbb: {  	s0 =	sor.u32 s1, s0  }
0xbc: {  	s0 =	sadd.s32 $0x8F2B, s0  }
0xbd: {  	[sflag:s0] =	ssyncadd.remote.s32 $0x1  }
0xbe: {  	_ =	sfence.sel $0xFFFF  }
0xbf: {  	[dreg:$0x0] =	wrdreg $0xFFFFFFFF;
	(pc) =	sbr.abs _section_cstart, $3  }
0xc0: {  	[dreg:$0x1] =	wrdreg $0xFFFFFFFF  }
0xc1: {  	_ =	task.clear_ibuf [dreg:s6], $0x2FFFF;
	_ =	strace $0x9FFFFFFF  }
0xc2: {  	(tm) =	ssettm $0x7FFFFFFF  }
0xc3: {  	_ =	shalt  }
tec
execute0_lowered:
.L_overlay_start_1:
0x0: {  	(tag) =	ssettag $0x1  }
0x1: {  	s0 =	srdreg.scid;
	s5 =	rddreg [dreg:$0x0]  }
0x2: {  	s2 =	rddreg [dreg:$0x1];
	s3 =	simm.s32 $0x0;
	s12 =	simm.s32 $0x2800  }
0x3: {  	s13 =	simm.s32 $0x20;
	s4 =	sand.u32 $0x1, s0;
	s0 =	stileid.u32  }
0x4: {  	s14 =	simm.s32 $0x10;
	s15 =	simm.s32 $0x0;
	s7 =	smul.u32 $0x500, s0  }
0x5: {  	[smem:$0x7FF] =	sst s3;
	s1 =	sshll.u32 s4, $0x4;
	s8 =	smul.u32 $0x280, s0  }
0x6: {  	s9 =	sshll.u32 s4, $0x7;
	s4 =	ssub.s32 $0x2, s4;
	s1 =	sor.u32 s0, s1  }
0x7: {  	s31 =	sshll.u32 s0, $0x6;
	s30 =	sshrl.u32 s4, $0x1;
	s6 =	smul.u32 $0x500, s1  }
0x8: {  	s1 =	rddreg [dreg:$0x2];
	_ =	strace $0x80000047;
	s7 =	sor.u32 s9, s7  }
0x9: {  	s29 =	sshrl.u32 s8, $0x3;
	s10 =	ssub.s32 s4, s30;
	s11 =	sadd.s32 s8, s2  }
0xa: {  	s7 =	sshrl.u32 s7, $0x3;
	s9 =	sadd.s32 s29, s5;
	s8 =	smax.u32 s10, $0x1  }
0xb: {  	s10 =	simm.s32 $0x1;
	s6 =	sadd.s32 s6, s5;
	s7 =	sadd.s32 s7, s5  }
0xc: {  	s4 =	sadd.s32 $0xDE00, s9;
	s5 =	sor.u32 $0x1C01, s31;
	s9 =	sshrl.u32 s11, $0x3  }
0xd: {  	v0 =	vimm.f32 $1.000000000e+00;
	s11 =	simm.s32 $0x80;
	s6 =	sadd.s32 $0x3E00, s6;
	s7 =	sadd.s32 $0xE400, s7  }
.LBB2_1:
0xe: {  	[tilespmem:$0x2800] =	vst v0  }
0xf: {  	[tilespmem:$0x2810] =	vst v0  }
0x10: {  	[tilespmem:$0x2820] =	vst v0  }
0x11: {  	[tilespmem:$0x2830] =	vst v0  }
0x12: {  	[tilespmem:$0x2840] =	vst v0  }
0x13: {  	[tilespmem:$0x2850] =	vst v0  }
0x14: {  	[tilespmem:$0x2860] =	vst v0  }
0x15: {  	[tilespmem:$0x2870] =	vst v0  }
0x16: {  	[spmem:s9], [sflag:s5] =	dma.local [hbm:s4], $0x50  }
0x17: {  	_ =	swait.ge [sflag:s10], $0x50  }
0x18: {  	[sflag:s10] =	ssyncset.done $0x0  }
0x19: {  	[sflag:s10] =	ssyncadd.s32 $0xFFFFFFB0  }
0x1a: {  	[tilespmem:s3], [sflag:$0x1] =	stream.linear.gather [hbm4b:s6+s3], $0x2800, $0x38;
	[tilespmem:$0x2B00] =	vst v63  }
0x1b: {  	_ =	swait.ge [sflag:s10], $0x2800  }
0x1c: {  	[sflag:s10] =	ssyncset.done $0x0  }
0x1d: {  	[sflag:s10] =	ssyncadd.s32 $0xFFFFD800  }
0x1e: {  	s16 =	simm.s32 $0x0;
	[bflag:$0x0] =	sbarrier.arrive $0xFFFF  }
0x1f: {  	[spmem:s2] =	stream.indirect.scatter.add.f32 [tilespmem:s12], [sflag:$0x1], $0x1, s16, s11, $0xb8;
	[tilespmem:$0x2B00] =	vst v63  }
0x20: {  	_ =	swait.ge [sflag:s10], $0x80  }
0x21: {  	s16 =	simm.s32 $0x200;
	[sflag:s10] =	ssyncset.done $0x0  }
.LBB2_2:
0x22: {  	s17 =	sshra.s32 s16, $0x2;
	[sflag:s10] =	ssyncadd.s32 $0xFFFFFF80;
	p0 =	sne.s32 s16, $0x9E00  }
0x23: {  	[spmem:s2] =	stream.indirect.scatter.add.f32 [tilespmem:s12], [sflag:$0x1], $0x1, s17, s11, $0xb8;
	[tilespmem:$0x2B00] =	vst v63  }
.Ltmp0:
0x24: {  	_ = 	snop;
	(pc) =	sbr.rel @p0 .LBB2_2-.Ltmp0, $4  }
0x25: {  	_ = 	snop  }
0x26: {  	s16 =	sadd.s32 $0x200, s16  }
0x27: {  	_ =	swait.ge [sflag:s10], $0x80  }
0x28: {  	[sflag:s10] =	ssyncset.done $0x0  }
0x29: {  	s15 =	sadd.s32 $0x1, s15  }
0x2a: {  	[sflag:s10] =	ssyncadd.s32 $0xFFFFFF80;
	p0 =	sne.s32 s15, s8  }
.Ltmp1:
0x2b: {  	[bflag:$0x0] =	sbarrier.arrive $0xFFFF;
	(pc) =	sbr.rel @p0 .LBB2_1-.Ltmp1, $4  }
0x2c: {  	[hbm:s7@s13], [sflag:s5] =	dma.strided [spmem:s9@s14], $0x50, s10, $0x10   }
0x2d: {  	_ =	swait.ge [sflag:s10], $0x50  }
0x2e: {  	[sflag:s10] =	ssyncset.done $0x0  }
0x2f: {  	[sflag:s10] =	ssyncadd.s32 $0xFFFFFFB0  }
0x30: {  	_ =	sfence.sel $0x180000  }
0x31: {  	[bflag:$0x0] =	sbarrier.arrive $0xFFFF  }
0x32: {  	p0 =	sne.s32 s0, $0x0;
	_ =	strace $0x90000047  }
0x33: {  	s0 =	sadd.s32 @!p0 $0x100000, s1;
	[bflag:$0x2] =	sbarrier.arrive $0xFFFF  }
0x34: {  	[sflag:s0] =	ssyncadd.tile.s32 @!p0 $0x1;
	_ =	shalt  }
.Lfunc_end2:
_tile_overlayer_lowered:
.L_overlay_start_2:
0x35: {  	(tag) =	ssettag $0x2  }
0x36: {  	s0 =	rddreg [dreg:$0x0];
	s2 =	stileid.u32  }
0x37: {  	s1 =	rddreg [dreg:$0x1];
	p0 =	sne.s32 s2, $0x0  }
0x38: {  	s3 =	rddreg [dreg:$0x2];
	[bflag:$0x3] =	sbarrier.arrive $0xFFFF;
	s2 =	simm.s32 @!p0 $0x1C01  }
0x39: {  	[timem:s3], [sflag:s2] =	dma.local @!p0 [hbm:s0], s1  }
0x3a: {  	s0 =	simm.s32 @!p0 $0x1  }
0x3b: {  	_ =	swait.ge @!p0 [sflag:s0], s1  }
0x3c: {  	s1 =	ssub.s32 @!p0 $0x0, s1;
	[sflag:s0] =	ssyncset.done @!p0 $0x0  }
0x3d: {  	[sflag:s0] =	ssyncadd.s32 @!p0 s1  }
0x3e: {  	[bflag:$0x3] =	sbarrier.arrive $0xFFFF  }
0x3f: {  	_ =	shalt  }

// kernel: kernel.13.cloned.1.call-start
scs
__scs_entry_jumppad:
0x0: {  	(pc) =	sbr.rel $0x88, $3  }
0x1: {  	(tag) =	ssettag $0x0;
	lr =	simm.s32 $0x1  }
0x2: {  	[smem:$0x3F95] =	sst lr;
	_ =	strace $0xD0000000  }
0x3: {  	_ = 	snop  }
0x4: {  	_ = 	snop  }
0x5: {  	_ = 	snop  }
0x6: {  	_ = 	snop  }
0x7: {  	_ = 	snop  }
__scs_overlays_trampoline_lowered:
0x8: {  	[smem:$0x3FA4] =	sst s0  }
0x9: {  	[smem:$0x3FA5] =	sst s1  }
0xa: {  	[smem:$0x3FA6] =	sst s2  }
0xb: {  	[smem:$0x3FA7] =	sst s3  }
0xc: {  	[smem:$0x3FA8] =	sst s4  }
0xd: {  	[smem:$0x3FA9] =	sst s5  }
0xe: {  	[smem:$0x3FAA] =	sst s6  }
0xf: {  	[smem:$0x3FAB] =	sst s7  }
0x10: {  	[smem:$0x3FAC] =	sst s8  }
0x11: {  	[smem:$0x3FAD] =	sst s9;
	s0 =	simm.s32 @!p0 $0x0  }
0x12: {  	s1 =	sld [smem:$0x3F93];
	s0 =	simm.s32 @p0 $0x1  }
0x13: {  	[smem:$0x3FAE] =	sst s0;
	s0 =	simm.s32 @!p1 $0x0  }
0x14: {  	s2 =	sld [smem:$0x3F92];
	s0 =	simm.s32 @p1 $0x1  }
0x15: {  	[smem:$0x3FAF] =	sst s0;
	s0 =	simm.s32 @!p2 $0x0  }
0x16: {  	s3 =	sld [smem:$0x3FDB];
	s0 =	simm.s32 @p2 $0x1  }
0x17: {  	s4 =	simm.s32 $0x1BF5;
	[smem:$0x3FB1] =	sst s0  }
0x18: {  	s0 =	sld [smem:$0x3F94];
	_ =	swait.ge [sflag:s4], $0x0  }
0x19: {  	s7 =	sld [smem:$0x3F95]  }
0x1a: {  	s8 =	sadd.s32 $0xFFFFE003, lr  }
0x1b: {  	s9 =	sadd.s32 $0xFFFFFEF7, lr;
	s5 =	simm.s32 $0xFFFFFFFF;
	p2 =	slt.u32 s8, $0xFFFFF086  }
0x1c: {  	p1 =	slt.u32 s9, $0xF7A;
	s5 =	simm.s32 @!p2 $0x0  }
0x1d: {  	s5 =	simm.s32 @p1 $0x1;
	p0 =	seq.s32 s7, s2  }
0x1e: {  	s7 =	smul.u32 @!p0 $0xF7A, s2;
	p2 =	seq.s32 @!p0 s5, $0x0  }
0x1f: {  	s9 =	smul.u32 $0xF7A, s1;
	s8 =	simm.s32 @!p0 $0x1BF5;
	p2 =	por !p2, p0  }
0x20: {  	[sflag:s8] =	ssyncset.s32 @!p0 $0xFFFFF086;
	s6 =	sadd.s32 @!p0 s3, s7;
	s7 =	simm.s32 @!p0 $0x108  }
0x21: {  	s3 =	sadd.s32 s3, s9;
	s6 =	sadd.s32 @!p0 $0x88, s6;
	s7 =	simm.s32 @p2 $0x1082  }
0x22: {  	[simem:s7], [sflag:s8] =	dma.local @!p0 [hbm:s6], $0xF7A  }
0x23: {  	s9 =	sor.u32 $0xD0000000, s2;
	s6 =	simm.s32 $0x108;
	_ =	swait.ge @!p0 [sflag:s8], $0x0  }
0x24: {  	s3 =	sadd.s32 $0x88, s3;
	s6 =	simm.s32 @!p1 $0x1082;
	[sflag:s4] =	ssyncset.s32 $0xFFFFF086  }
0x25: {  	[simem:s6], [sflag:s4] =	dma.local [hbm:s3], $0xF7A  }
0x26: {  	[smem:$0x3F95] =	sst s1;
	(tag) =	ssettag s2;
	_ =	strace s9  }
0x27: {  	s1 =	sld [smem:$0x3FA5]  }
0x28: {  	s2 =	sld [smem:$0x3FA6]  }
0x29: {  	s4 =	sld [smem:$0x3FA8]  }
0x2a: {  	p0 =	seq.s32 s5, $0x0;
	s5 =	sld [smem:$0x3FA9]  }
0x2b: {  	s6 =	sld [smem:$0x3FAA]  }
0x2c: {  	s7 =	sld [smem:$0x3FAB]  }
0x2d: {  	s3 =	simm.s32 $0x108;
	s8 =	sld [smem:$0x3FAC]  }
0x2e: {  	s3 =	simm.s32 @!p0 $0x1082;
	s9 =	sld [smem:$0x3FAD]  }
0x2f: {  	lr =	sadd.s32 s0, s3;
	s0 =	sld [smem:$0x3FA4]  }
0x30: {  	s3 =	sld [smem:$0x3FA7]  }
0x31: {  	[smem:$0x3FB0] =	sst s10  }
0x32: {  	s10 =	sld [smem:$0x3FAE];
	_ =	sdelay $0x3  }
0x33: {  	p0 =	seq.s32 s10, $0x1;
	s10 =	sld [smem:$0x3FB0];
	_ =	sdelay $0x3  }
0x34: {  	[smem:$0x3FB0] =	sst s10  }
0x35: {  	s10 =	sld [smem:$0x3FAF];
	_ =	sdelay $0x3  }
0x36: {  	p1 =	seq.s32 s10, $0x1;
	s10 =	sld [smem:$0x3FB0];
	_ =	sdelay $0x3  }
0x37: {  	[smem:$0x3FB0] =	sst s10  }
0x38: {  	s10 =	sld [smem:$0x3FB1]  }
0x39: {  	_ = 	snop;
	(pc) =	sbr.ind lr, $3  }
0x3a: {  	_ = 	snop  }
0x3b: {  	_ = 	snop  }
0x3c: {  	p2 =	seq.s32 s10, $0x1;
	s10 =	sld [smem:$0x3FB0]  }
0x3d: {  	_ =	shalt  }
0x3e: {  	_ =	shalt  }
0x3f: {  	_ =	shalt  }
0x40: {  	_ =	shalt  }
0x41: {  	_ =	shalt  }
0x42: {  	_ =	shalt  }
0x43: {  	_ =	shalt  }
0x44: {  	_ =	shalt  }
0x45: {  	_ =	shalt  }
0x46: {  	_ =	shalt  }
0x47: {  	_ =	shalt  }
0x48: {  	_ =	shalt  }
0x49: {  	_ =	shalt  }
0x4a: {  	_ =	shalt  }
0x4b: {  	_ =	shalt  }
0x4c: {  	_ =	shalt  }
0x4d: {  	_ =	shalt  }
0x4e: {  	_ =	shalt  }
0x4f: {  	_ =	shalt  }
0x50: {  	_ =	shalt  }
0x51: {  	_ =	shalt  }
0x52: {  	_ =	shalt  }
0x53: {  	_ =	shalt  }
0x54: {  	_ =	shalt  }
0x55: {  	_ =	shalt  }
0x56: {  	_ =	shalt  }
0x57: {  	_ =	shalt  }
0x58: {  	_ =	shalt  }
0x59: {  	_ =	shalt  }
0x5a: {  	_ =	shalt  }
0x5b: {  	_ =	shalt  }
0x5c: {  	_ =	shalt  }
0x5d: {  	_ =	shalt  }
0x5e: {  	_ =	shalt  }
0x5f: {  	_ =	shalt  }
0x60: {  	_ =	shalt  }
0x61: {  	_ =	shalt  }
0x62: {  	_ =	shalt  }
0x63: {  	_ =	shalt  }
0x64: {  	_ =	shalt  }
0x65: {  	_ =	shalt  }
0x66: {  	_ =	shalt  }
0x67: {  	_ =	shalt  }
0x68: {  	_ =	shalt  }
0x69: {  	_ =	shalt  }
0x6a: {  	_ =	shalt  }
0x6b: {  	_ =	shalt  }
0x6c: {  	_ =	shalt  }
0x6d: {  	_ =	shalt  }
0x6e: {  	_ =	shalt  }
0x6f: {  	_ =	shalt  }
0x70: {  	_ =	shalt  }
0x71: {  	_ =	shalt  }
0x72: {  	_ =	shalt  }
0x73: {  	_ =	shalt  }
0x74: {  	_ =	shalt  }
0x75: {  	_ =	shalt  }
0x76: {  	_ =	shalt  }
0x77: {  	_ =	shalt  }
0x78: {  	_ =	shalt  }
0x79: {  	_ =	shalt  }
0x7a: {  	_ =	shalt  }
0x7b: {  	_ =	shalt  }
0x7c: {  	_ =	shalt  }
0x7d: {  	_ =	shalt  }
0x7e: {  	_ =	shalt  }
0x7f: {  	_ =	shalt  }
0x80: {  	_ =	shalt  }
0x81: {  	_ =	shalt  }
0x82: {  	_ =	shalt  }
0x83: {  	_ =	shalt  }
0x84: {  	_ =	shalt  }
0x85: {  	_ =	shalt  }
0x86: {  	_ =	shalt  }
0x87: {  	_ =	shalt  }
.Lfunc_end0:
.L_simem_size_0:
called_computation.1_lowered:
.L_overlay_start_0:
0x88: {  	s2 =	sld [smem:$0x3FD9]  }
0x89: {  	s3 =	sld [smem:$0x3FFE];
	_ =	sdelay $0x1  }
0x8a: {  	s1 =	srdreg.scid  }
0x8b: {  	s0 =	sand.u32 $0x1, s1  }
0x8c: {  	s17 =	sshll.u32 s0, $0xA;
	s2 =	sadd.s32 s3, s2  }
0x8d: {  	s2 =	sadd.s32 s2, s17  }
0x8e: {  	[smem:$0x3FBC] =	sst s2  }
0x8f: {  	_ = 	snop  }
0x90: {  	s2 =	sld [smem:$0x3FD0];
	(tm) =	ssettm $0x1  }
0x91: {  	s18 =	sld [smem:$0x3FFB];
	_ =	sdelay $0x3  }
0x92: {  	_ =	strace s18  }
0x93: {  	s3 =	sld [smem:$0x3FFC];
	_ =	sdelay $0x3  }
0x94: {  	_ =	strace s3  }
0x95: {  	s3 =	sld [smem:$0x3FFD];
	_ =	sdelay $0x3  }
0x96: {  	_ =	strace s3  }
0x97: {  	_ =	strace $0x8FFFFFFF  }
0x98: {  	s19 =	sld [smem:$0x3FDB];
	_ =	sdelay $0x1  }
0x99: {  	s4 =	simm.s32 $_scs_section_size  }
0x9a: {  	s5 =	simm.s32 $_size__tile_overlayer_lowered;
	s6 =	simm.s32 $_tile_overlayer_lowered  }
0x9b: {  	s22 =	simm.s32 $0x1BFF;
	s21 =	sshll.u32 s6, $0x1;
	s3 =	sadd.s32 s4, s19  }
0x9c: {  	s7 =	simm.s32 $0x0;
	s20 =	sshll.u32 s5, $0x1;
	s5 =	sadd.s32 s21, s3  }
0x9d: {  	[timem:s7], [sflag:s22] =	dma.local [hbm:s5], s20  }
0x9e: {  	_ =	swait.ge [sflag:s22], s20  }
0x9f: {  	s4 =	ssub.s32 $0x0, s20;
	[sflag:s22] =	ssyncset.done $0x0  }
0xa0: {  	[sflag:s22] =	ssyncadd.s32 s4;
	_ =	sdelay $0x1  }
0xa1: {  	s23 =	simm.s32 $0x1B8B  }
0xa2: {  	_ =	swait.ge [sflag:s23], $0x1  }
0xa3: {  	[sflag:s23] =	ssyncset.done $0x0  }
0xa4: {  	s25 =	simm.s32 $0x1B8E;
	s24 =	sld [smem:$0x3FFE];
	[sflag:s23] =	ssyncadd.s32 $0xFFFFFFFF  }
0xa5: {  	s26 =	simm.s32 $execute0_lowered;
	[smem:$0x3FD2] =	sst s25  }
0xa6: {  	s5 =	sshll.u32 s26, $0x1;
	_ =	strace $0x80000049;
	[dreg:$0x1] =	wrdreg $0xFFFFFFFF  }
0xa7: {  	s28 =	simm.s32 $_size_execute0_lowered;
	s3 =	sadd.s32 s3, s5;
	[dreg:$0x0] =	wrdreg $0x0  }
0xa8: {  	s5 =	sshll.u32 s28, $0x1;
	[dreg:$0x2] =	wrdreg s3  }
0xa9: {  	[dreg:$0x3] =	wrdreg s5  }
0xaa: {  	[dreg:$0x4] =	wrdreg $0xC0  }
0xab: {  	_ =	task [dreg:s7], $0x5FFFF  }
0xac: {  	[dreg:$0x1] =	wrdreg $0xFFFFFFFF  }
0xad: {  	[dreg:$0x0] =	wrdreg $0x60  }
0xae: {  	[dreg:$0x2] =	wrdreg s24  }
0xaf: {  	[dreg:$0x3] =	wrdreg s2  }
0xb0: {  	[dreg:$0x4] =	wrdreg $0xA0000  }
0xb1: {  	[dreg:$0x5] =	wrdreg $0x9  }
0xb2: {  	_ =	task.clear_ibuf [dreg:s7], $0x6FFFF;
	_ =	strace $0x90000049  }
0xb3: {  	s29 =	simm.s32 $0x9;
	_ =	strace $0x8000004B  }
0xb4: {  	_ =	swait.ge [sflag:s29], $0x1  }
0xb5: {  	[sflag:s29] =	ssyncadd.s32 $0xFFFFFFFF  }
0xb6: {  	_ =	strace $0x9000004B  }
0xb7: {  	_ =	sfence  }
0xb8: {  	s30 =	sld [smem:$0x0];
	_ =	sdelay $0x2  }
0xb9: {  	s31 =	sshll.u32 s1, $0xD;
	s1 =	sshrl.u32 s1, $0x2  }
0xba: {  	s3 =	sand.u32 $0x4000, s31;
	s1 =	sadd.s32 s1, s30  }
0xbb: {  	s0 =	sor.u32 s3, s0;
	s1 =	sshll.u32 s1, $0x11  }
0xbc: {  	s0 =	sor.u32 s1, s0  }
0xbd: {  	s0 =	sadd.s32 $0x8F2B, s0  }
0xbe: {  	[sflag:s0] =	ssyncadd.remote.s32 $0x1  }
0xbf: {  	_ =	sfence.sel $0xFFFF  }
0xc0: {  	[dreg:$0x0] =	wrdreg $0xFFFFFFFF;
	(pc) =	sbr.abs _section_cstart, $3  }
0xc1: {  	[dreg:$0x1] =	wrdreg $0xFFFFFFFF  }
0xc2: {  	_ =	task.clear_ibuf [dreg:s7], $0x2FFFF;
	_ =	strace $0x9FFFFFFF  }
0xc3: {  	(tm) =	ssettm $0x7FFFFFFF  }
tec
execute0_lowered:
.L_overlay_start_1:
0x0: {  	(tag) =	ssettag $0x1  }
0x1: {  	s7 =	rddreg [dreg:$0x0]  }
0x2: {  	s2 =	rddreg [dreg:$0x1]  }
0x3: {  	s3 =	rddreg [dreg:$0x2]  }
0x4: {  	s0 =	rddreg [dreg:$0x3];
	s1 =	stileid.u32  }
0x5: {  	s5 =	srdreg.scid;
	s4 =	simm.s32 $0x0;
	s14 =	simm.s32 $0x1000  }
0x6: {  	s15 =	simm.s32 $0x80;
	s16 =	simm.s32 $0x2000;
	s17 =	simm.s32 $0x6000  }
0x7: {  	s18 =	simm.s32 $0x1;
	s19 =	simm.s32 $0x2;
	s21 =	simm.s32 $0x1F00  }
0x8: {  	s22 =	simm.s32 $0x1F80;
	s8 =	smul.u32 $0x14000, s1;
	s20 =	sand.u32 $0x1, s5  }
0x9: {  	[smem:$0x7FF] =	sst s4;
	s5 =	sadd.s32 $0xDE00, s7;
	s6 =	sadd.s32 $0x3E00, s7  }
0xa: {  	s26 =	smul.u32 $0x50000, s1;
	s30 =	sshll.u32 s1, $0x6;
	s31 =	sshll.u32 s1, $0xC  }
0xb: {  	s9 =	smul.u32 $0x140000, s20;
	_ =	strace $0x8000004A;
	s11 =	ssub.s32 $0x2, s20  }
0xc: {  	p0 =	seq.s32 s20, $0x0;
	s10 =	sshrl.u32 s8, $0x3;
	s28 =	sshrl.u32 s11, $0x1  }
0xd: {  	s29 =	sshrl.u32 s26, $0x2;
	s8 =	sadd.s32 s8, s9;
	s10 =	sadd.s32 s10, s7  }
0xe: {  	s11 =	ssub.s32 s11, s28;
	s13 =	sadd.s32 s29, s3;
	s8 =	sshrl.u32 s8, $0x3  }
0xf: {  	s9 =	sor.u32 $0x40000, s31;
	s11 =	smax.u32 s11, $0x1;
	s12 =	sadd.s32 s8, s7  }
0x10: {  	s7 =	sadd.s32 $0x35E00, s10;
	s8 =	sor.u32 $0x1C03, s30;
	s10 =	sshll.u32 s1, $0xE  }
0x11: {  	s9 =	smov.u32 @p0 s10;
	s10 =	sadd.s32 $0x5DE00, s12;
	s12 =	sshrl.u32 s13, $0x3  }
0x12: {  	s13 =	simm.s32 $0x3;
	p0 =	sne.s32 s20, $0x0;
	s20 =	simm.s32 $0xF80  }
.LBB2_1:
0x13: {  	[spmem:s12], [sflag:s8] =	dma.local [hbm:s7], $0x2800  }
0x14: {  	_ =	swait.ge [sflag:s13], $0x2800  }
0x15: {  	[sflag:s13] =	ssyncset.done $0x0  }
0x16: {  	[sflag:s13] =	ssyncadd.s32 $0xFFFFD800  }
0x17: {  	s23 =	simm.s32 $0x0;
	[bflag:$0x0] =	sbarrier.arrive $0xFFFF  }
.LBB2_2:
0x18: {  	s24 =	sshll.u32 s23, $0xC  }
0x19: {  	s24 =	sadd.s32 s9, s24  }
0x1a: {  	s24 =	sshrl.u32 s24, $0x3  }
0x1b: {  	s26 =	simm.s32 $0x0;
	s25 =	sadd.s32 s2, s24  }
0x1c: {  	[tilespmem:s26], [sflag:$0x3] =	stream.linear.gather [hbm4b:s25+s26], $0x1000, $0x38;
	[tilespmem:$0x1E000] =	vst v63  }
0x1d: {  	_ =	swait.ge [sflag:s13], $0x1000  }
0x1e: {  	[sflag:s13] =	ssyncset.done $0x0  }
0x1f: {  	s24 =	sadd.s32 s6, s24;
	[sflag:s13] =	ssyncadd.s32 $0xFFFFF000  }
0x20: {  	[tilespmem:s14], [sflag:$0x3] =	stream.linear.gather [hbm4b:s24+s26], $0x1000, $0x38;
	[tilespmem:$0x1E000] =	vst v63  }
0x21: {  	_ =	swait.ge [sflag:s13], $0x1000  }
0x22: {  	[sflag:s13] =	ssyncset.done $0x0  }
0x23: {  	[sflag:s13] =	ssyncadd.s32 $0xFFFFF000  }
0x24: {  	[tilespmem:s16], [sflag:$0x1] =	stream.indirect.gather [hbm4b:s5+s15], $0x80, s26, s15, $0xb8;
	[tilespmem:$0x1E000] =	vst v63  }
0x25: {  	s28 =	simm.s32 $0x80  }
0x26: {  	[tilespmem:s17], [sflag:$0x2] =	stream.indirect.gather [hbm4b:s5+s15], $0x80, s28, s15, $0xb8;
	[tilespmem:$0x1E000] =	vst v63  }
0x27: {  	_ =	swait.ge [sflag:s18], $0x4000  }
0x28: {  	[sflag:s18] =	ssyncset.done $0x0  }
0x29: {  	s29 =	simm.s32 $0x1000;
	[sflag:s18] =	ssyncadd.s32 $0xFFFFC000  }
0x2a: {  	[spmem:s3] =	stream.indirect.scatter.add.f32 [tilespmem:s16], [sflag:$0x3], $0x80, s29, s15, $0xb8;
	[tilespmem:$0x1E000] =	vst v63  }
0x2b: {  	_ =	swait.ge [sflag:s13], $0x4000  }
0x2c: {  	[sflag:s13] =	ssyncset.done $0x0  }
0x2d: {  	s30 =	simm.s32 $0x100;
	[sflag:s13] =	ssyncadd.s32 $0xFFFFC000  }
0x2e: {  	[tilespmem:s16], [sflag:$0x1] =	stream.indirect.gather [hbm4b:s5+s15], $0x80, s30, s15, $0xb8;
	[tilespmem:$0x1E000] =	vst v63  }
0x2f: {  	_ =	swait.ge [sflag:s19], $0x4000  }
0x30: {  	[sflag:s19] =	ssyncset.done $0x0  }
0x31: {  	s31 =	simm.s32 $0x1080;
	[sflag:s19] =	ssyncadd.s32 $0xFFFFC000  }
0x32: {  	[spmem:s3] =	stream.indirect.scatter.add.f32 [tilespmem:s17], [sflag:$0x3], $0x80, s31, s15, $0xb8;
	[tilespmem:$0x1E000] =	vst v63  }
0x33: {  	_ =	swait.ge [sflag:s13], $0x4000  }
0x34: {  	s25 =	simm.s32 $0x800;
	s24 =	simm.s32 $0x100;
	[sflag:s13] =	ssyncset.done $0x0  }
.LBB2_3:
0x35: {  	s26 =	sadd.s32 $0x80, s24  }
0x36: {  	[sflag:s13] =	ssyncadd.s32 $0xFFFFC000;
	s28 =	smov.u32 s25;
	s29 =	sadd.s32 $0x400, s25  }
0x37: {  	[tilespmem:s17], [sflag:$0x2] =	stream.indirect.gather [hbm4b:s5+s15], $0x80, s26, s15, $0xb8;
	[tilespmem:$0x1E000] =	vst v63  }
0x38: {  	p1 =	sne.s32 s25, $0x3800;
	_ =	swait.ge [sflag:s18], $0x4000  }
0x39: {  	[sflag:s18] =	ssyncset.done $0x0  }
0x3a: {  	s25 =	sadd.s32 $0x1000, s24;
	[sflag:s18] =	ssyncadd.s32 $0xFFFFC000  }
0x3b: {  	[spmem:s3] =	stream.indirect.scatter.add.f32 [tilespmem:s16], [sflag:$0x3], $0x80, s25, s15, $0xb8;
	[tilespmem:$0x1E000] =	vst v63  }
0x3c: {  	_ =	swait.ge [sflag:s13], $0x4000  }
0x3d: {  	[sflag:s13] =	ssyncset.done $0x0  }
0x3e: {  	s25 =	sadd.s32 $0x100, s24;
	[sflag:s13] =	ssyncadd.s32 $0xFFFFC000  }
0x3f: {  	[tilespmem:s16], [sflag:$0x1] =	stream.indirect.gather [hbm4b:s5+s15], $0x80, s25, s15, $0xb8;
	[tilespmem:$0x1E000] =	vst v63  }
0x40: {  	_ =	swait.ge [sflag:s19], $0x4000  }
.Ltmp0:
0x41: {  	[sflag:s19] =	ssyncset.done $0x0;
	(pc) =	sbr.rel @p1 .LBB2_3-.Ltmp0, $4  }
0x42: {  	s24 =	sadd.s32 $0x1080, s24;
	[sflag:s19] =	ssyncadd.s32 $0xFFFFC000  }
0x43: {  	[spmem:s3] =	stream.indirect.scatter.add.f32 [tilespmem:s17], [sflag:$0x3], $0x80, s24, s15, $0xb8;
	[tilespmem:$0x1E000] =	vst v63  }
0x44: {  	_ =	swait.ge [sflag:s13], $0x4000  }
0x45: {  	s25 =	smov.u32 s29;
	s24 =	sshra.s32 s28, $0x2;
	[sflag:s13] =	ssyncset.done $0x0  }
0x46: {  	s25 =	sadd.s32 $0x80, s24;
	[sflag:s13] =	ssyncadd.s32 $0xFFFFC000  }
0x47: {  	[tilespmem:s17], [sflag:$0x2] =	stream.indirect.gather [hbm4b:s5+s15], $0x80, s25, s15, $0xb8;
	[tilespmem:$0x1E000] =	vst v63  }
0x48: {  	_ =	swait.ge [sflag:s18], $0x4000  }
0x49: {  	[sflag:s18] =	ssyncset.done $0x0  }
0x4a: {  	s29 =	sadd.s32 $0x1000, s24;
	[sflag:s18] =	ssyncadd.s32 $0xFFFFC000  }
0x4b: {  	[spmem:s3] =	stream.indirect.scatter.add.f32 [tilespmem:s16], [sflag:$0x3], $0x80, s29, s15, $0xb8;
	[tilespmem:$0x1E000] =	vst v63  }
0x4c: {  	_ =	swait.ge [sflag:s13], $0x4000  }
0x4d: {  	[sflag:s13] =	ssyncset.done $0x0  }
0x4e: {  	s30 =	sadd.s32 $0x100, s24;
	[sflag:s13] =	ssyncadd.s32 $0xFFFFC000  }
0x4f: {  	[tilespmem:s16], [sflag:$0x1] =	stream.indirect.gather [hbm4b:s5+s15], $0x80, s30, s15, $0xb8;
	[tilespmem:$0x1E000] =	vst v63  }
0x50: {  	_ =	swait.ge [sflag:s19], $0x4000  }
0x51: {  	[sflag:s19] =	ssyncset.done $0x0  }
0x52: {  	s31 =	sadd.s32 $0x1080, s24;
	[sflag:s19] =	ssyncadd.s32 $0xFFFFC000  }
0x53: {  	[spmem:s3] =	stream.indirect.scatter.add.f32 [tilespmem:s17], [sflag:$0x3], $0x80, s31, s15, $0xb8;
	[tilespmem:$0x1E000] =	vst v63  }
0x54: {  	_ =	swait.ge [sflag:s13], $0x4000  }
0x55: {  	[sflag:s13] =	ssyncset.done $0x0  }
0x56: {  	[sflag:s13] =	ssyncadd.s32 $0xFFFFC000  }
0x57: {  	[tilespmem:s17], [sflag:$0x2] =	stream.indirect.gather [hbm4b:s5+s15], $0x80, s20, s15, $0xb8;
	[tilespmem:$0x1E000] =	vst v63  }
0x58: {  	_ =	swait.ge [sflag:s18], $0x4000  }
0x59: {  	[sflag:s18] =	ssyncset.done $0x0  }
0x5a: {  	[sflag:s18] =	ssyncadd.s32 $0xFFFFC000  }
0x5b: {  	[spmem:s3] =	stream.indirect.scatter.add.f32 [tilespmem:s16], [sflag:$0x3], $0x80, s21, s15, $0xb8;
	[tilespmem:$0x1E000] =	vst v63  }
0x5c: {  	_ =	swait.ge [sflag:s13], $0x4000  }
0x5d: {  	[sflag:s13] =	ssyncset.done $0x0  }
0x5e: {  	[sflag:s13] =	ssyncadd.s32 $0xFFFFC000  }
0x5f: {  	p1 =	slt.u32 @!p0 s23, $0x3;
	_ =	swait.ge [sflag:s19], $0x4000  }
0x60: {  	p1 =	por p0, !p1;
	[sflag:s19] =	ssyncset.done $0x0  }
.Ltmp1:
0x61: {  	[sflag:s19] =	ssyncadd.s32 $0xFFFFC000;
	(pc) =	sbr.rel @!p1 .LBB2_2-.Ltmp1, $4  }
0x62: {  	[spmem:s3] =	stream.indirect.scatter.add.f32 [tilespmem:s17], [sflag:$0x3], $0x80, s22, s15, $0xb8;
	[tilespmem:$0x1E000] =	vst v63  }
0x63: {  	_ =	swait.ge [sflag:s13], $0x4000  }
0x64: {  	[sflag:s13] =	ssyncset.done $0x0  }
0x65: {  	s23 =	sadd.s32 $0x1, s23;
	[sflag:s13] =	ssyncadd.s32 $0xFFFFC000  }
0x66: {  	s4 =	sadd.s32 $0x1, s4  }
0x67: {  	p1 =	sne.s32 s4, s11  }
.Ltmp2:
0x68: {  	[bflag:$0x0] =	sbarrier.arrive $0xFFFF;
	(pc) =	sbr.rel @p1 .LBB2_1-.Ltmp2, $4  }
0x69: {  	[hbm:s10], [sflag:s8] =	dma.local [spmem:s12], $0x2800  }
0x6a: {  	_ =	swait.ge [sflag:s13], $0x2800  }
0x6b: {  	[sflag:s13] =	ssyncset.done $0x0  }
0x6c: {  	[sflag:s13] =	ssyncadd.s32 $0xFFFFD800  }
0x6d: {  	_ =	sfence.sel $0x180000  }
0x6e: {  	[bflag:$0x0] =	sbarrier.arrive $0xFFFF  }
0x6f: {  	p0 =	sne.s32 s1, $0x0;
	_ =	strace $0x9000004A  }
0x70: {  	s0 =	sadd.s32 @!p0 $0x100000, s0;
	[bflag:$0x2] =	sbarrier.arrive $0xFFFF  }
0x71: {  	[sflag:s0] =	ssyncadd.tile.s32 @!p0 $0x1;
	_ =	shalt  }
.Lfunc_end2:
_tile_overlayer_lowered:
.L_overlay_start_2:
0x72: {  	(tag) =	ssettag $0x2  }
0x73: {  	s0 =	rddreg [dreg:$0x0];
	s2 =	stileid.u32  }
0x74: {  	s1 =	rddreg [dreg:$0x1];
	p0 =	sne.s32 s2, $0x0  }
0x75: {  	s3 =	rddreg [dreg:$0x2];
	[bflag:$0x3] =	sbarrier.arrive $0xFFFF;
	s2 =	simm.s32 @!p0 $0x1C03  }
0x76: {  	[timem:s3], [sflag:s2] =	dma.local @!p0 [hbm:s0], s1  }
0x77: {  	s0 =	simm.s32 @!p0 $0x3  }
0x78: {  	_ =	swait.ge @!p0 [sflag:s0], s1  }
0x79: {  	s1 =	ssub.s32 @!p0 $0x0, s1;
	[sflag:s0] =	ssyncset.done @!p0 $0x0  }
0x7a: {  	[sflag:s0] =	ssyncadd.s32 @!p0 s1  }
0x7b: {  	[bflag:$0x3] =	sbarrier.arrive $0xFFFF  }
0x7c: {  	_ =	shalt  }

// kernel: kernel.16.cloned.1.call-start
scs
__scs_entry_jumppad:
0x0: {  	(pc) =	sbr.rel $0x88, $3  }
0x1: {  	(tag) =	ssettag $0x0;
	lr =	simm.s32 $0x1  }
0x2: {  	[smem:$0x3F95] =	sst lr;
	_ =	strace $0xD0000000  }
0x3: {  	_ = 	snop  }
0x4: {  	_ = 	snop  }
0x5: {  	_ = 	snop  }
0x6: {  	_ = 	snop  }
0x7: {  	_ = 	snop  }
__scs_overlays_trampoline_lowered:
0x8: {  	[smem:$0x3FA4] =	sst s0  }
0x9: {  	[smem:$0x3FA5] =	sst s1  }
0xa: {  	[smem:$0x3FA6] =	sst s2  }
0xb: {  	[smem:$0x3FA7] =	sst s3  }
0xc: {  	[smem:$0x3FA8] =	sst s4  }
0xd: {  	[smem:$0x3FA9] =	sst s5  }
0xe: {  	[smem:$0x3FAA] =	sst s6  }
0xf: {  	[smem:$0x3FAB] =	sst s7  }
0x10: {  	[smem:$0x3FAC] =	sst s8  }
0x11: {  	[smem:$0x3FAD] =	sst s9;
	s0 =	simm.s32 @!p0 $0x0  }
0x12: {  	s1 =	sld [smem:$0x3F93];
	s0 =	simm.s32 @p0 $0x1  }
0x13: {  	[smem:$0x3FAE] =	sst s0;
	s0 =	simm.s32 @!p1 $0x0  }
0x14: {  	s2 =	sld [smem:$0x3F92];
	s0 =	simm.s32 @p1 $0x1  }
0x15: {  	[smem:$0x3FAF] =	sst s0;
	s0 =	simm.s32 @!p2 $0x0  }
0x16: {  	s3 =	sld [smem:$0x3FDB];
	s0 =	simm.s32 @p2 $0x1  }
0x17: {  	s4 =	simm.s32 $0x1BF5;
	[smem:$0x3FB1] =	sst s0  }
0x18: {  	s0 =	sld [smem:$0x3F94];
	_ =	swait.ge [sflag:s4], $0x0  }
0x19: {  	s7 =	sld [smem:$0x3F95]  }
0x1a: {  	s8 =	sadd.s32 $0xFFFFE003, lr  }
0x1b: {  	s9 =	sadd.s32 $0xFFFFFEF7, lr;
	s5 =	simm.s32 $0xFFFFFFFF;
	p2 =	slt.u32 s8, $0xFFFFF086  }
0x1c: {  	p1 =	slt.u32 s9, $0xF7A;
	s5 =	simm.s32 @!p2 $0x0  }
0x1d: {  	s5 =	simm.s32 @p1 $0x1;
	p0 =	seq.s32 s7, s2  }
0x1e: {  	s7 =	smul.u32 @!p0 $0xF7A, s2;
	p2 =	seq.s32 @!p0 s5, $0x0  }
0x1f: {  	s9 =	smul.u32 $0xF7A, s1;
	s8 =	simm.s32 @!p0 $0x1BF5;
	p2 =	por !p2, p0  }
0x20: {  	[sflag:s8] =	ssyncset.s32 @!p0 $0xFFFFF086;
	s6 =	sadd.s32 @!p0 s3, s7;
	s7 =	simm.s32 @!p0 $0x108  }
0x21: {  	s3 =	sadd.s32 s3, s9;
	s6 =	sadd.s32 @!p0 $0x88, s6;
	s7 =	simm.s32 @p2 $0x1082  }
0x22: {  	[simem:s7], [sflag:s8] =	dma.local @!p0 [hbm:s6], $0xF7A  }
0x23: {  	s9 =	sor.u32 $0xD0000000, s2;
	s6 =	simm.s32 $0x108;
	_ =	swait.ge @!p0 [sflag:s8], $0x0  }
0x24: {  	s3 =	sadd.s32 $0x88, s3;
	s6 =	simm.s32 @!p1 $0x1082;
	[sflag:s4] =	ssyncset.s32 $0xFFFFF086  }
0x25: {  	[simem:s6], [sflag:s4] =	dma.local [hbm:s3], $0xF7A  }
0x26: {  	[smem:$0x3F95] =	sst s1;
	(tag) =	ssettag s2;
	_ =	strace s9  }
0x27: {  	s1 =	sld [smem:$0x3FA5]  }
0x28: {  	s2 =	sld [smem:$0x3FA6]  }
0x29: {  	s4 =	sld [smem:$0x3FA8]  }
0x2a: {  	p0 =	seq.s32 s5, $0x0;
	s5 =	sld [smem:$0x3FA9]  }
0x2b: {  	s6 =	sld [smem:$0x3FAA]  }
0x2c: {  	s7 =	sld [smem:$0x3FAB]  }
0x2d: {  	s3 =	simm.s32 $0x108;
	s8 =	sld [smem:$0x3FAC]  }
0x2e: {  	s3 =	simm.s32 @!p0 $0x1082;
	s9 =	sld [smem:$0x3FAD]  }
0x2f: {  	lr =	sadd.s32 s0, s3;
	s0 =	sld [smem:$0x3FA4]  }
0x30: {  	s3 =	sld [smem:$0x3FA7]  }
0x31: {  	[smem:$0x3FB0] =	sst s10  }
0x32: {  	s10 =	sld [smem:$0x3FAE];
	_ =	sdelay $0x3  }
0x33: {  	p0 =	seq.s32 s10, $0x1;
	s10 =	sld [smem:$0x3FB0];
	_ =	sdelay $0x3  }
0x34: {  	[smem:$0x3FB0] =	sst s10  }
0x35: {  	s10 =	sld [smem:$0x3FAF];
	_ =	sdelay $0x3  }
0x36: {  	p1 =	seq.s32 s10, $0x1;
	s10 =	sld [smem:$0x3FB0];
	_ =	sdelay $0x3  }
0x37: {  	[smem:$0x3FB0] =	sst s10  }
0x38: {  	s10 =	sld [smem:$0x3FB1]  }
0x39: {  	_ = 	snop;
	(pc) =	sbr.ind lr, $3  }
0x3a: {  	_ = 	snop  }
0x3b: {  	_ = 	snop  }
0x3c: {  	p2 =	seq.s32 s10, $0x1;
	s10 =	sld [smem:$0x3FB0]  }
0x3d: {  	_ =	shalt  }
0x3e: {  	_ =	shalt  }
0x3f: {  	_ =	shalt  }
0x40: {  	_ =	shalt  }
0x41: {  	_ =	shalt  }
0x42: {  	_ =	shalt  }
0x43: {  	_ =	shalt  }
0x44: {  	_ =	shalt  }
0x45: {  	_ =	shalt  }
0x46: {  	_ =	shalt  }
0x47: {  	_ =	shalt  }
0x48: {  	_ =	shalt  }
0x49: {  	_ =	shalt  }
0x4a: {  	_ =	shalt  }
0x4b: {  	_ =	shalt  }
0x4c: {  	_ =	shalt  }
0x4d: {  	_ =	shalt  }
0x4e: {  	_ =	shalt  }
0x4f: {  	_ =	shalt  }
0x50: {  	_ =	shalt  }
0x51: {  	_ =	shalt  }
0x52: {  	_ =	shalt  }
0x53: {  	_ =	shalt  }
0x54: {  	_ =	shalt  }
0x55: {  	_ =	shalt  }
0x56: {  	_ =	shalt  }
0x57: {  	_ =	shalt  }
0x58: {  	_ =	shalt  }
0x59: {  	_ =	shalt  }
0x5a: {  	_ =	shalt  }
0x5b: {  	_ =	shalt  }
0x5c: {  	_ =	shalt  }
0x5d: {  	_ =	shalt  }
0x5e: {  	_ =	shalt  }
0x5f: {  	_ =	shalt  }
0x60: {  	_ =	shalt  }
0x61: {  	_ =	shalt  }
0x62: {  	_ =	shalt  }
0x63: {  	_ =	shalt  }
0x64: {  	_ =	shalt  }
0x65: {  	_ =	shalt  }
0x66: {  	_ =	shalt  }
0x67: {  	_ =	shalt  }
0x68: {  	_ =	shalt  }
0x69: {  	_ =	shalt  }
0x6a: {  	_ =	shalt  }
0x6b: {  	_ =	shalt  }
0x6c: {  	_ =	shalt  }
0x6d: {  	_ =	shalt  }
0x6e: {  	_ =	shalt  }
0x6f: {  	_ =	shalt  }
0x70: {  	_ =	shalt  }
0x71: {  	_ =	shalt  }
0x72: {  	_ =	shalt  }
0x73: {  	_ =	shalt  }
0x74: {  	_ =	shalt  }
0x75: {  	_ =	shalt  }
0x76: {  	_ =	shalt  }
0x77: {  	_ =	shalt  }
0x78: {  	_ =	shalt  }
0x79: {  	_ =	shalt  }
0x7a: {  	_ =	shalt  }
0x7b: {  	_ =	shalt  }
0x7c: {  	_ =	shalt  }
0x7d: {  	_ =	shalt  }
0x7e: {  	_ =	shalt  }
0x7f: {  	_ =	shalt  }
0x80: {  	_ =	shalt  }
0x81: {  	_ =	shalt  }
0x82: {  	_ =	shalt  }
0x83: {  	_ =	shalt  }
0x84: {  	_ =	shalt  }
0x85: {  	_ =	shalt  }
0x86: {  	_ =	shalt  }
0x87: {  	_ =	shalt  }
.Lfunc_end0:
.L_simem_size_0:
called_computation.2_lowered:
.L_overlay_start_0:
0x88: {  	s2 =	sld [smem:$0x3FD9]  }
0x89: {  	s3 =	sld [smem:$0x3FFE];
	_ =	sdelay $0x1  }
0x8a: {  	s1 =	srdreg.scid  }
0x8b: {  	s0 =	sand.u32 $0x1, s1  }
0x8c: {  	s17 =	sshll.u32 s0, $0xA;
	s2 =	sadd.s32 s3, s2  }
0x8d: {  	s2 =	sadd.s32 s2, s17  }
0x8e: {  	[smem:$0x3FBC] =	sst s2  }
0x8f: {  	_ = 	snop  }
0x90: {  	s2 =	sld [smem:$0x3FD0];
	(tm) =	ssettm $0x1  }
0x91: {  	s18 =	sld [smem:$0x3FFB];
	_ =	sdelay $0x3  }
0x92: {  	_ =	strace s18  }
0x93: {  	s3 =	sld [smem:$0x3FFC];
	_ =	sdelay $0x3  }
0x94: {  	_ =	strace s3  }
0x95: {  	s3 =	sld [smem:$0x3FFD];
	_ =	sdelay $0x3  }
0x96: {  	_ =	strace s3  }
0x97: {  	_ =	strace $0x8FFFFFFF  }
0x98: {  	s19 =	sld [smem:$0x3FDB];
	_ =	sdelay $0x1  }
0x99: {  	s4 =	simm.s32 $_scs_section_size  }
0x9a: {  	s5 =	simm.s32 $_size__tile_overlayer_lowered;
	s6 =	simm.s32 $_tile_overlayer_lowered  }
0x9b: {  	s22 =	simm.s32 $0x1BFF;
	s21 =	sshll.u32 s6, $0x1;
	s3 =	sadd.s32 s4, s19  }
0x9c: {  	s7 =	simm.s32 $0x0;
	s20 =	sshll.u32 s5, $0x1;
	s5 =	sadd.s32 s21, s3  }
0x9d: {  	[timem:s7], [sflag:s22] =	dma.local [hbm:s5], s20  }
0x9e: {  	_ =	swait.ge [sflag:s22], s20  }
0x9f: {  	s4 =	ssub.s32 $0x0, s20;
	[sflag:s22] =	ssyncset.done $0x0  }
0xa0: {  	[sflag:s22] =	ssyncadd.s32 s4;
	_ =	sdelay $0x1  }
0xa1: {  	s23 =	simm.s32 $0x1B8B  }
0xa2: {  	_ =	swait.ge [sflag:s23], $0x1  }
0xa3: {  	[sflag:s23] =	ssyncset.done $0x0  }
0xa4: {  	s25 =	simm.s32 $0x1B8E;
	s24 =	sld [smem:$0x3FFE];
	[sflag:s23] =	ssyncadd.s32 $0xFFFFFFFF  }
0xa5: {  	s26 =	simm.s32 $execute0_lowered;
	[smem:$0x3FD2] =	sst s25  }
0xa6: {  	s5 =	sshll.u32 s26, $0x1;
	_ =	strace $0x8000004C;
	[dreg:$0x1] =	wrdreg $0xFFFFFFFF  }
0xa7: {  	s28 =	simm.s32 $_size_execute0_lowered;
	s3 =	sadd.s32 s3, s5;
	[dreg:$0x0] =	wrdreg $0x0  }
0xa8: {  	s5 =	sshll.u32 s28, $0x1;
	[dreg:$0x2] =	wrdreg s3  }
0xa9: {  	[dreg:$0x3] =	wrdreg s5  }
0xaa: {  	[dreg:$0x4] =	wrdreg $0xC0  }
0xab: {  	_ =	task [dreg:s7], $0x5FFFF  }
0xac: {  	[dreg:$0x1] =	wrdreg $0xFFFFFFFF  }
0xad: {  	[dreg:$0x0] =	wrdreg $0x60  }
0xae: {  	[dreg:$0x2] =	wrdreg s24  }
0xaf: {  	[dreg:$0x3] =	wrdreg s2  }
0xb0: {  	[dreg:$0x4] =	wrdreg $0xA0000  }
0xb1: {  	[dreg:$0x5] =	wrdreg $0x9  }
0xb2: {  	_ =	task.clear_ibuf [dreg:s7], $0x6FFFF;
	_ =	strace $0x9000004C  }
0xb3: {  	s29 =	simm.s32 $0x9;
	_ =	strace $0x8000004E  }
0xb4: {  	_ =	swait.ge [sflag:s29], $0x1  }
0xb5: {  	[sflag:s29] =	ssyncadd.s32 $0xFFFFFFFF  }
0xb6: {  	_ =	strace $0x9000004E  }
0xb7: {  	_ =	sfence  }
0xb8: {  	s30 =	sld [smem:$0x0];
	_ =	sdelay $0x2  }
0xb9: {  	s31 =	sshll.u32 s1, $0xD;
	s1 =	sshrl.u32 s1, $0x2  }
0xba: {  	s3 =	sand.u32 $0x4000, s31;
	s1 =	sadd.s32 s1, s30  }
0xbb: {  	s0 =	sor.u32 s3, s0;
	s1 =	sshll.u32 s1, $0x11  }
0xbc: {  	s0 =	sor.u32 s1, s0  }
0xbd: {  	s0 =	sadd.s32 $0x8F2B, s0  }
0xbe: {  	[sflag:s0] =	ssyncadd.remote.s32 $0x1  }
0xbf: {  	_ =	sfence.sel $0xFFFF  }
0xc0: {  	[dreg:$0x0] =	wrdreg $0xFFFFFFFF;
	(pc) =	sbr.abs _section_cstart, $3  }
0xc1: {  	[dreg:$0x1] =	wrdreg $0xFFFFFFFF  }
0xc2: {  	_ =	task.clear_ibuf [dreg:s7], $0x2FFFF;
	_ =	strace $0x9FFFFFFF  }
0xc3: {  	(tm) =	ssettm $0x7FFFFFFF  }
tec
execute0_lowered:
.L_overlay_start_1:
0x0: {  	(tag) =	ssettag $0x1  }
0x1: {  	s7 =	rddreg [dreg:$0x0]  }
0x2: {  	s2 =	rddreg [dreg:$0x1]  }
0x3: {  	s3 =	rddreg [dreg:$0x2]  }
0x4: {  	s0 =	rddreg [dreg:$0x3];
	s1 =	stileid.u32  }
0x5: {  	s5 =	srdreg.scid;
	s4 =	simm.s32 $0x0;
	s14 =	simm.s32 $0x1000  }
0x6: {  	s15 =	simm.s32 $0x80;
	s16 =	simm.s32 $0x2000;
	s17 =	simm.s32 $0x6000  }
0x7: {  	s18 =	simm.s32 $0x1;
	s19 =	simm.s32 $0x2;
	s21 =	simm.s32 $0x1F00  }
0x8: {  	s22 =	simm.s32 $0x1F80;
	s8 =	smul.u32 $0x14000, s1;
	s20 =	sand.u32 $0x1, s5  }
0x9: {  	[smem:$0x7FF] =	sst s4;
	s5 =	sadd.s32 $0xDE00, s7;
	s6 =	sadd.s32 $0x3E00, s7  }
0xa: {  	s26 =	smul.u32 $0x50000, s1;
	s30 =	sshll.u32 s1, $0x6;
	s31 =	sshll.u32 s1, $0xC  }
0xb: {  	s9 =	smul.u32 $0x140000, s20;
	_ =	strace $0x8000004D;
	s11 =	ssub.s32 $0x2, s20  }
0xc: {  	p0 =	seq.s32 s20, $0x0;
	s10 =	sshrl.u32 s8, $0x3;
	s28 =	sshrl.u32 s11, $0x1  }
0xd: {  	s29 =	sshrl.u32 s26, $0x2;
	s8 =	sadd.s32 s8, s9;
	s10 =	sadd.s32 s10, s7  }
0xe: {  	s11 =	ssub.s32 s11, s28;
	s13 =	sadd.s32 s29, s3;
	s8 =	sshrl.u32 s8, $0x3  }
0xf: {  	s9 =	sor.u32 $0x40000, s31;
	s11 =	smax.u32 s11, $0x1;
	s12 =	sadd.s32 s8, s7  }
0x10: {  	s7 =	sadd.s32 $0x35E00, s10;
	s8 =	sor.u32 $0x1C03, s30;
	s10 =	sshll.u32 s1, $0xE  }
0x11: {  	s9 =	smov.u32 @p0 s10;
	s10 =	sadd.s32 $0x5DE00, s12;
	s12 =	sshrl.u32 s13, $0x3  }
0x12: {  	s13 =	simm.s32 $0x3;
	p0 =	sne.s32 s20, $0x0;
	s20 =	simm.s32 $0xF80  }
.LBB2_1:
0x13: {  	[spmem:s12], [sflag:s8] =	dma.local [hbm:s7], $0x2800  }
0x14: {  	_ =	swait.ge [sflag:s13], $0x2800  }
0x15: {  	[sflag:s13] =	ssyncset.done $0x0  }
0x16: {  	[sflag:s13] =	ssyncadd.s32 $0xFFFFD800  }
0x17: {  	s23 =	simm.s32 $0x0;
	[bflag:$0x0] =	sbarrier.arrive $0xFFFF  }
.LBB2_2:
0x18: {  	s24 =	sshll.u32 s23, $0xC  }
0x19: {  	s24 =	sadd.s32 s9, s24  }
0x1a: {  	s24 =	sshrl.u32 s24, $0x3  }
0x1b: {  	s26 =	simm.s32 $0x0;
	s25 =	sadd.s32 s2, s24  }
0x1c: {  	[tilespmem:s26], [sflag:$0x3] =	stream.linear.gather [hbm4b:s25+s26], $0x1000, $0x38;
	[tilespmem:$0x1E000] =	vst v63  }
0x1d: {  	_ =	swait.ge [sflag:s13], $0x1000  }
0x1e: {  	[sflag:s13] =	ssyncset.done $0x0  }
0x1f: {  	s24 =	sadd.s32 s6, s24;
	[sflag:s13] =	ssyncadd.s32 $0xFFFFF000  }
0x20: {  	[tilespmem:s14], [sflag:$0x3] =	stream.linear.gather [hbm4b:s24+s26], $0x1000, $0x38;
	[tilespmem:$0x1E000] =	vst v63  }
0x21: {  	_ =	swait.ge [sflag:s13], $0x1000  }
0x22: {  	[sflag:s13] =	ssyncset.done $0x0  }
0x23: {  	[sflag:s13] =	ssyncadd.s32 $0xFFFFF000  }
0x24: {  	[tilespmem:s16], [sflag:$0x1] =	stream.indirect.gather [hbm4b:s5+s15], $0x80, s26, s15, $0xb8;
	[tilespmem:$0x1E000] =	vst v63  }
0x25: {  	s28 =	simm.s32 $0x80  }
0x26: {  	[tilespmem:s17], [sflag:$0x2] =	stream.indirect.gather [hbm4b:s5+s15], $0x80, s28, s15, $0xb8;
	[tilespmem:$0x1E000] =	vst v63  }
0x27: {  	_ =	swait.ge [sflag:s18], $0x4000  }
0x28: {  	[sflag:s18] =	ssyncset.done $0x0  }
0x29: {  	s29 =	simm.s32 $0x1000;
	[sflag:s18] =	ssyncadd.s32 $0xFFFFC000  }
0x2a: {  	[spmem:s3] =	stream.indirect.scatter.add.f32 [tilespmem:s16], [sflag:$0x3], $0x80, s29, s15, $0xb8;
	[tilespmem:$0x1E000] =	vst v63  }
0x2b: {  	_ =	swait.ge [sflag:s13], $0x4000  }
0x2c: {  	[sflag:s13] =	ssyncset.done $0x0  }
0x2d: {  	s30 =	simm.s32 $0x100;
	[sflag:s13] =	ssyncadd.s32 $0xFFFFC000  }
0x2e: {  	[tilespmem:s16], [sflag:$0x1] =	stream.indirect.gather [hbm4b:s5+s15], $0x80, s30, s15, $0xb8;
	[tilespmem:$0x1E000] =	vst v63  }
0x2f: {  	_ =	swait.ge [sflag:s19], $0x4000  }
0x30: {  	[sflag:s19] =	ssyncset.done $0x0  }
0x31: {  	s31 =	simm.s32 $0x1080;
	[sflag:s19] =	ssyncadd.s32 $0xFFFFC000  }
0x32: {  	[spmem:s3] =	stream.indirect.scatter.add.f32 [tilespmem:s17], [sflag:$0x3], $0x80, s31, s15, $0xb8;
	[tilespmem:$0x1E000] =	vst v63  }
0x33: {  	_ =	swait.ge [sflag:s13], $0x4000  }
0x34: {  	s25 =	simm.s32 $0x800;
	s24 =	simm.s32 $0x100;
	[sflag:s13] =	ssyncset.done $0x0  }
.LBB2_3:
0x35: {  	s26 =	sadd.s32 $0x80, s24  }
0x36: {  	[sflag:s13] =	ssyncadd.s32 $0xFFFFC000;
	s28 =	smov.u32 s25;
	s29 =	sadd.s32 $0x400, s25  }
0x37: {  	[tilespmem:s17], [sflag:$0x2] =	stream.indirect.gather [hbm4b:s5+s15], $0x80, s26, s15, $0xb8;
	[tilespmem:$0x1E000] =	vst v63  }
0x38: {  	p1 =	sne.s32 s25, $0x3800;
	_ =	swait.ge [sflag:s18], $0x4000  }
0x39: {  	[sflag:s18] =	ssyncset.done $0x0  }
0x3a: {  	s25 =	sadd.s32 $0x1000, s24;
	[sflag:s18] =	ssyncadd.s32 $0xFFFFC000  }
0x3b: {  	[spmem:s3] =	stream.indirect.scatter.add.f32 [tilespmem:s16], [sflag:$0x3], $0x80, s25, s15, $0xb8;
	[tilespmem:$0x1E000] =	vst v63  }
0x3c: {  	_ =	swait.ge [sflag:s13], $0x4000  }
0x3d: {  	[sflag:s13] =	ssyncset.done $0x0  }
0x3e: {  	s25 =	sadd.s32 $0x100, s24;
	[sflag:s13] =	ssyncadd.s32 $0xFFFFC000  }
0x3f: {  	[tilespmem:s16], [sflag:$0x1] =	stream.indirect.gather [hbm4b:s5+s15], $0x80, s25, s15, $0xb8;
	[tilespmem:$0x1E000] =	vst v63  }
0x40: {  	_ =	swait.ge [sflag:s19], $0x4000  }
.Ltmp0:
0x41: {  	[sflag:s19] =	ssyncset.done $0x0;
	(pc) =	sbr.rel @p1 .LBB2_3-.Ltmp0, $4  }
0x42: {  	s24 =	sadd.s32 $0x1080, s24;
	[sflag:s19] =	ssyncadd.s32 $0xFFFFC000  }
0x43: {  	[spmem:s3] =	stream.indirect.scatter.add.f32 [tilespmem:s17], [sflag:$0x3], $0x80, s24, s15, $0xb8;
	[tilespmem:$0x1E000] =	vst v63  }
0x44: {  	_ =	swait.ge [sflag:s13], $0x4000  }
0x45: {  	s25 =	smov.u32 s29;
	s24 =	sshra.s32 s28, $0x2;
	[sflag:s13] =	ssyncset.done $0x0  }
0x46: {  	s25 =	sadd.s32 $0x80, s24;
	[sflag:s13] =	ssyncadd.s32 $0xFFFFC000  }
0x47: {  	[tilespmem:s17], [sflag:$0x2] =	stream.indirect.gather [hbm4b:s5+s15], $0x80, s25, s15, $0xb8;
	[tilespmem:$0x1E000] =	vst v63  }
0x48: {  	_ =	swait.ge [sflag:s18], $0x4000  }
0x49: {  	[sflag:s18] =	ssyncset.done $0x0  }
0x4a: {  	s29 =	sadd.s32 $0x1000, s24;
	[sflag:s18] =	ssyncadd.s32 $0xFFFFC000  }
0x4b: {  	[spmem:s3] =	stream.indirect.scatter.add.f32 [tilespmem:s16], [sflag:$0x3], $0x80, s29, s15, $0xb8;
	[tilespmem:$0x1E000] =	vst v63  }
0x4c: {  	_ =	swait.ge [sflag:s13], $0x4000  }
0x4d: {  	[sflag:s13] =	ssyncset.done $0x0  }
0x4e: {  	s30 =	sadd.s32 $0x100, s24;
	[sflag:s13] =	ssyncadd.s32 $0xFFFFC000  }
0x4f: {  	[tilespmem:s16], [sflag:$0x1] =	stream.indirect.gather [hbm4b:s5+s15], $0x80, s30, s15, $0xb8;
	[tilespmem:$0x1E000] =	vst v63  }
0x50: {  	_ =	swait.ge [sflag:s19], $0x4000  }
0x51: {  	[sflag:s19] =	ssyncset.done $0x0  }
0x52: {  	s31 =	sadd.s32 $0x1080, s24;
	[sflag:s19] =	ssyncadd.s32 $0xFFFFC000  }
0x53: {  	[spmem:s3] =	stream.indirect.scatter.add.f32 [tilespmem:s17], [sflag:$0x3], $0x80, s31, s15, $0xb8;
	[tilespmem:$0x1E000] =	vst v63  }
0x54: {  	_ =	swait.ge [sflag:s13], $0x4000  }
0x55: {  	[sflag:s13] =	ssyncset.done $0x0  }
0x56: {  	[sflag:s13] =	ssyncadd.s32 $0xFFFFC000  }
0x57: {  	[tilespmem:s17], [sflag:$0x2] =	stream.indirect.gather [hbm4b:s5+s15], $0x80, s20, s15, $0xb8;
	[tilespmem:$0x1E000] =	vst v63  }
0x58: {  	_ =	swait.ge [sflag:s18], $0x4000  }
0x59: {  	[sflag:s18] =	ssyncset.done $0x0  }
0x5a: {  	[sflag:s18] =	ssyncadd.s32 $0xFFFFC000  }
0x5b: {  	[spmem:s3] =	stream.indirect.scatter.add.f32 [tilespmem:s16], [sflag:$0x3], $0x80, s21, s15, $0xb8;
	[tilespmem:$0x1E000] =	vst v63  }
0x5c: {  	_ =	swait.ge [sflag:s13], $0x4000  }
0x5d: {  	[sflag:s13] =	ssyncset.done $0x0  }
0x5e: {  	[sflag:s13] =	ssyncadd.s32 $0xFFFFC000  }
0x5f: {  	p1 =	slt.u32 @!p0 s23, $0x3;
	_ =	swait.ge [sflag:s19], $0x4000  }
0x60: {  	p1 =	por p0, !p1;
	[sflag:s19] =	ssyncset.done $0x0  }
.Ltmp1:
0x61: {  	[sflag:s19] =	ssyncadd.s32 $0xFFFFC000;
	(pc) =	sbr.rel @!p1 .LBB2_2-.Ltmp1, $4  }
0x62: {  	[spmem:s3] =	stream.indirect.scatter.add.f32 [tilespmem:s17], [sflag:$0x3], $0x80, s22, s15, $0xb8;
	[tilespmem:$0x1E000] =	vst v63  }
0x63: {  	_ =	swait.ge [sflag:s13], $0x4000  }
0x64: {  	[sflag:s13] =	ssyncset.done $0x0  }
0x65: {  	s23 =	sadd.s32 $0x1, s23;
	[sflag:s13] =	ssyncadd.s32 $0xFFFFC000  }
0x66: {  	s4 =	sadd.s32 $0x1, s4  }
0x67: {  	p1 =	sne.s32 s4, s11  }
.Ltmp2:
0x68: {  	[bflag:$0x0] =	sbarrier.arrive $0xFFFF;
	(pc) =	sbr.rel @p1 .LBB2_1-.Ltmp2, $4  }
0x69: {  	[hbm:s10], [sflag:s8] =	dma.local [spmem:s12], $0x2800  }
0x6a: {  	_ =	swait.ge [sflag:s13], $0x2800  }
0x6b: {  	[sflag:s13] =	ssyncset.done $0x0  }
0x6c: {  	[sflag:s13] =	ssyncadd.s32 $0xFFFFD800  }
0x6d: {  	_ =	sfence.sel $0x180000  }
0x6e: {  	[bflag:$0x0] =	sbarrier.arrive $0xFFFF  }
0x6f: {  	p0 =	sne.s32 s1, $0x0;
	_ =	strace $0x9000004D  }
0x70: {  	s0 =	sadd.s32 @!p0 $0x100000, s0;
	[bflag:$0x2] =	sbarrier.arrive $0xFFFF  }
0x71: {  	[sflag:s0] =	ssyncadd.tile.s32 @!p0 $0x1;
	_ =	shalt  }
.Lfunc_end2:
_tile_overlayer_lowered:
.L_overlay_start_2:
0x72: {  	(tag) =	ssettag $0x2  }
0x73: {  	s0 =	rddreg [dreg:$0x0];
	s2 =	stileid.u32  }
0x74: {  	s1 =	rddreg [dreg:$0x1];
	p0 =	sne.s32 s2, $0x0  }
0x75: {  	s3 =	rddreg [dreg:$0x2];
	[bflag:$0x3] =	sbarrier.arrive $0xFFFF;
	s2 =	simm.s32 @!p0 $0x1C03  }
0x76: {  	[timem:s3], [sflag:s2] =	dma.local @!p0 [hbm:s0], s1  }
0x77: {  	s0 =	simm.s32 @!p0 $0x3  }
0x78: {  	_ =	swait.ge @!p0 [sflag:s0], s1  }
0x79: {  	s1 =	ssub.s32 @!p0 $0x0, s1;
	[sflag:s0] =	ssyncset.done @!p0 $0x0  }
0x7a: {  	[sflag:s0] =	ssyncadd.s32 @!p0 s1  }
0x7b: {  	[bflag:$0x3] =	sbarrier.arrive $0xFFFF  }
0x7c: {  	_ =	shalt  }

// kernel: kernel.19.cloned.1.call-start
scs
__scs_entry_jumppad:
0x0: {  	(pc) =	sbr.rel $0x88, $3  }
0x1: {  	(tag) =	ssettag $0x0;
	lr =	simm.s32 $0x1  }
0x2: {  	[smem:$0x3F95] =	sst lr;
	_ =	strace $0xD0000000  }
0x3: {  	_ = 	snop  }
0x4: {  	_ = 	snop  }
0x5: {  	_ = 	snop  }
0x6: {  	_ = 	snop  }
0x7: {  	_ = 	snop  }
__scs_overlays_trampoline_lowered:
0x8: {  	[smem:$0x3FA4] =	sst s0  }
0x9: {  	[smem:$0x3FA5] =	sst s1  }
0xa: {  	[smem:$0x3FA6] =	sst s2  }
0xb: {  	[smem:$0x3FA7] =	sst s3  }
0xc: {  	[smem:$0x3FA8] =	sst s4  }
0xd: {  	[smem:$0x3FA9] =	sst s5  }
0xe: {  	[smem:$0x3FAA] =	sst s6  }
0xf: {  	[smem:$0x3FAB] =	sst s7  }
0x10: {  	[smem:$0x3FAC] =	sst s8  }
0x11: {  	[smem:$0x3FAD] =	sst s9;
	s0 =	simm.s32 @!p0 $0x0  }
0x12: {  	s1 =	sld [smem:$0x3F93];
	s0 =	simm.s32 @p0 $0x1  }
0x13: {  	[smem:$0x3FAE] =	sst s0;
	s0 =	simm.s32 @!p1 $0x0  }
0x14: {  	s2 =	sld [smem:$0x3F92];
	s0 =	simm.s32 @p1 $0x1  }
0x15: {  	[smem:$0x3FAF] =	sst s0;
	s0 =	simm.s32 @!p2 $0x0  }
0x16: {  	s3 =	sld [smem:$0x3FDB];
	s0 =	simm.s32 @p2 $0x1  }
0x17: {  	s4 =	simm.s32 $0x1BF5;
	[smem:$0x3FB1] =	sst s0  }
0x18: {  	s0 =	sld [smem:$0x3F94];
	_ =	swait.ge [sflag:s4], $0x0  }
0x19: {  	s7 =	sld [smem:$0x3F95]  }
0x1a: {  	s8 =	sadd.s32 $0xFFFFE003, lr  }
0x1b: {  	s9 =	sadd.s32 $0xFFFFFEF7, lr;
	s5 =	simm.s32 $0xFFFFFFFF;
	p2 =	slt.u32 s8, $0xFFFFF086  }
0x1c: {  	p1 =	slt.u32 s9, $0xF7A;
	s5 =	simm.s32 @!p2 $0x0  }
0x1d: {  	s5 =	simm.s32 @p1 $0x1;
	p0 =	seq.s32 s7, s2  }
0x1e: {  	s7 =	smul.u32 @!p0 $0xF7A, s2;
	p2 =	seq.s32 @!p0 s5, $0x0  }
0x1f: {  	s9 =	smul.u32 $0xF7A, s1;
	s8 =	simm.s32 @!p0 $0x1BF5;
	p2 =	por !p2, p0  }
0x20: {  	[sflag:s8] =	ssyncset.s32 @!p0 $0xFFFFF086;
	s6 =	sadd.s32 @!p0 s3, s7;
	s7 =	simm.s32 @!p0 $0x108  }
0x21: {  	s3 =	sadd.s32 s3, s9;
	s6 =	sadd.s32 @!p0 $0x88, s6;
	s7 =	simm.s32 @p2 $0x1082  }
0x22: {  	[simem:s7], [sflag:s8] =	dma.local @!p0 [hbm:s6], $0xF7A  }
0x23: {  	s9 =	sor.u32 $0xD0000000, s2;
	s6 =	simm.s32 $0x108;
	_ =	swait.ge @!p0 [sflag:s8], $0x0  }
0x24: {  	s3 =	sadd.s32 $0x88, s3;
	s6 =	simm.s32 @!p1 $0x1082;
	[sflag:s4] =	ssyncset.s32 $0xFFFFF086  }
0x25: {  	[simem:s6], [sflag:s4] =	dma.local [hbm:s3], $0xF7A  }
0x26: {  	[smem:$0x3F95] =	sst s1;
	(tag) =	ssettag s2;
	_ =	strace s9  }
0x27: {  	s1 =	sld [smem:$0x3FA5]  }
0x28: {  	s2 =	sld [smem:$0x3FA6]  }
0x29: {  	s4 =	sld [smem:$0x3FA8]  }
0x2a: {  	p0 =	seq.s32 s5, $0x0;
	s5 =	sld [smem:$0x3FA9]  }
0x2b: {  	s6 =	sld [smem:$0x3FAA]  }
0x2c: {  	s7 =	sld [smem:$0x3FAB]  }
0x2d: {  	s3 =	simm.s32 $0x108;
	s8 =	sld [smem:$0x3FAC]  }
0x2e: {  	s3 =	simm.s32 @!p0 $0x1082;
	s9 =	sld [smem:$0x3FAD]  }
0x2f: {  	lr =	sadd.s32 s0, s3;
	s0 =	sld [smem:$0x3FA4]  }
0x30: {  	s3 =	sld [smem:$0x3FA7]  }
0x31: {  	[smem:$0x3FB0] =	sst s10  }
0x32: {  	s10 =	sld [smem:$0x3FAE];
	_ =	sdelay $0x3  }
0x33: {  	p0 =	seq.s32 s10, $0x1;
	s10 =	sld [smem:$0x3FB0];
	_ =	sdelay $0x3  }
0x34: {  	[smem:$0x3FB0] =	sst s10  }
0x35: {  	s10 =	sld [smem:$0x3FAF];
	_ =	sdelay $0x3  }
0x36: {  	p1 =	seq.s32 s10, $0x1;
	s10 =	sld [smem:$0x3FB0];
	_ =	sdelay $0x3  }
0x37: {  	[smem:$0x3FB0] =	sst s10  }
0x38: {  	s10 =	sld [smem:$0x3FB1]  }
0x39: {  	_ = 	snop;
	(pc) =	sbr.ind lr, $3  }
0x3a: {  	_ = 	snop  }
0x3b: {  	_ = 	snop  }
0x3c: {  	p2 =	seq.s32 s10, $0x1;
	s10 =	sld [smem:$0x3FB0]  }
0x3d: {  	_ =	shalt  }
0x3e: {  	_ =	shalt  }
0x3f: {  	_ =	shalt  }
0x40: {  	_ =	shalt  }
0x41: {  	_ =	shalt  }
0x42: {  	_ =	shalt  }
0x43: {  	_ =	shalt  }
0x44: {  	_ =	shalt  }
0x45: {  	_ =	shalt  }
0x46: {  	_ =	shalt  }
0x47: {  	_ =	shalt  }
0x48: {  	_ =	shalt  }
0x49: {  	_ =	shalt  }
0x4a: {  	_ =	shalt  }
0x4b: {  	_ =	shalt  }
0x4c: {  	_ =	shalt  }
0x4d: {  	_ =	shalt  }
0x4e: {  	_ =	shalt  }
0x4f: {  	_ =	shalt  }
0x50: {  	_ =	shalt  }
0x51: {  	_ =	shalt  }
0x52: {  	_ =	shalt  }
0x53: {  	_ =	shalt  }
0x54: {  	_ =	shalt  }
0x55: {  	_ =	shalt  }
0x56: {  	_ =	shalt  }
0x57: {  	_ =	shalt  }
0x58: {  	_ =	shalt  }
0x59: {  	_ =	shalt  }
0x5a: {  	_ =	shalt  }
0x5b: {  	_ =	shalt  }
0x5c: {  	_ =	shalt  }
0x5d: {  	_ =	shalt  }
0x5e: {  	_ =	shalt  }
0x5f: {  	_ =	shalt  }
0x60: {  	_ =	shalt  }
0x61: {  	_ =	shalt  }
0x62: {  	_ =	shalt  }
0x63: {  	_ =	shalt  }
0x64: {  	_ =	shalt  }
0x65: {  	_ =	shalt  }
0x66: {  	_ =	shalt  }
0x67: {  	_ =	shalt  }
0x68: {  	_ =	shalt  }
0x69: {  	_ =	shalt  }
0x6a: {  	_ =	shalt  }
0x6b: {  	_ =	shalt  }
0x6c: {  	_ =	shalt  }
0x6d: {  	_ =	shalt  }
0x6e: {  	_ =	shalt  }
0x6f: {  	_ =	shalt  }
0x70: {  	_ =	shalt  }
0x71: {  	_ =	shalt  }
0x72: {  	_ =	shalt  }
0x73: {  	_ =	shalt  }
0x74: {  	_ =	shalt  }
0x75: {  	_ =	shalt  }
0x76: {  	_ =	shalt  }
0x77: {  	_ =	shalt  }
0x78: {  	_ =	shalt  }
0x79: {  	_ =	shalt  }
0x7a: {  	_ =	shalt  }
0x7b: {  	_ =	shalt  }
0x7c: {  	_ =	shalt  }
0x7d: {  	_ =	shalt  }
0x7e: {  	_ =	shalt  }
0x7f: {  	_ =	shalt  }
0x80: {  	_ =	shalt  }
0x81: {  	_ =	shalt  }
0x82: {  	_ =	shalt  }
0x83: {  	_ =	shalt  }
0x84: {  	_ =	shalt  }
0x85: {  	_ =	shalt  }
0x86: {  	_ =	shalt  }
0x87: {  	_ =	shalt  }
.Lfunc_end0:
.L_simem_size_0:
called_computation.3_lowered:
.L_overlay_start_0:
0x88: {  	s2 =	sld [smem:$0x3FD9]  }
0x89: {  	s3 =	sld [smem:$0x3FFE];
	_ =	sdelay $0x1  }
0x8a: {  	s1 =	srdreg.scid  }
0x8b: {  	s0 =	sand.u32 $0x1, s1  }
0x8c: {  	s17 =	sshll.u32 s0, $0xA;
	s2 =	sadd.s32 s3, s2  }
0x8d: {  	s2 =	sadd.s32 s2, s17  }
0x8e: {  	[smem:$0x3FBC] =	sst s2  }
0x8f: {  	_ = 	snop  }
0x90: {  	s2 =	sld [smem:$0x3FD0];
	(tm) =	ssettm $0x1  }
0x91: {  	s18 =	sld [smem:$0x3FFB];
	_ =	sdelay $0x3  }
0x92: {  	_ =	strace s18  }
0x93: {  	s3 =	sld [smem:$0x3FFC];
	_ =	sdelay $0x3  }
0x94: {  	_ =	strace s3  }
0x95: {  	s3 =	sld [smem:$0x3FFD];
	_ =	sdelay $0x3  }
0x96: {  	_ =	strace s3  }
0x97: {  	_ =	strace $0x8FFFFFFF  }
0x98: {  	s19 =	sld [smem:$0x3FDB];
	_ =	sdelay $0x1  }
0x99: {  	s4 =	simm.s32 $_scs_section_size  }
0x9a: {  	s5 =	simm.s32 $_size__tile_overlayer_lowered;
	s6 =	simm.s32 $_tile_overlayer_lowered  }
0x9b: {  	s22 =	simm.s32 $0x1BFF;
	s21 =	sshll.u32 s6, $0x1;
	s3 =	sadd.s32 s4, s19  }
0x9c: {  	s7 =	simm.s32 $0x0;
	s20 =	sshll.u32 s5, $0x1;
	s5 =	sadd.s32 s21, s3  }
0x9d: {  	[timem:s7], [sflag:s22] =	dma.local [hbm:s5], s20  }
0x9e: {  	_ =	swait.ge [sflag:s22], s20  }
0x9f: {  	s4 =	ssub.s32 $0x0, s20;
	[sflag:s22] =	ssyncset.done $0x0  }
0xa0: {  	[sflag:s22] =	ssyncadd.s32 s4;
	_ =	sdelay $0x1  }
0xa1: {  	s23 =	simm.s32 $0x1B8B  }
0xa2: {  	_ =	swait.ge [sflag:s23], $0x1  }
0xa3: {  	[sflag:s23] =	ssyncset.done $0x0  }
0xa4: {  	s25 =	simm.s32 $0x1B8E;
	s24 =	sld [smem:$0x3FFE];
	[sflag:s23] =	ssyncadd.s32 $0xFFFFFFFF  }
0xa5: {  	s26 =	simm.s32 $execute0_lowered;
	[smem:$0x3FD2] =	sst s25  }
0xa6: {  	s5 =	sshll.u32 s26, $0x1;
	_ =	strace $0x8000004F;
	[dreg:$0x1] =	wrdreg $0xFFFFFFFF  }
0xa7: {  	s28 =	simm.s32 $_size_execute0_lowered;
	s3 =	sadd.s32 s3, s5;
	[dreg:$0x0] =	wrdreg $0x0  }
0xa8: {  	s5 =	sshll.u32 s28, $0x1;
	[dreg:$0x2] =	wrdreg s3  }
0xa9: {  	[dreg:$0x3] =	wrdreg s5  }
0xaa: {  	[dreg:$0x4] =	wrdreg $0xC0  }
0xab: {  	_ =	task [dreg:s7], $0x5FFFF  }
0xac: {  	[dreg:$0x1] =	wrdreg $0xFFFFFFFF  }
0xad: {  	[dreg:$0x0] =	wrdreg $0x60  }
0xae: {  	[dreg:$0x2] =	wrdreg s24  }
0xaf: {  	[dreg:$0x3] =	wrdreg s2  }
0xb0: {  	[dreg:$0x4] =	wrdreg $0xA0000  }
0xb1: {  	[dreg:$0x5] =	wrdreg $0x9  }
0xb2: {  	_ =	task.clear_ibuf [dreg:s7], $0x6FFFF;
	_ =	strace $0x9000004F  }
0xb3: {  	s29 =	simm.s32 $0x9;
	_ =	strace $0x80000051  }
0xb4: {  	_ =	swait.ge [sflag:s29], $0x1  }
0xb5: {  	[sflag:s29] =	ssyncadd.s32 $0xFFFFFFFF  }
0xb6: {  	_ =	strace $0x90000051  }
0xb7: {  	_ =	sfence  }
0xb8: {  	s30 =	sld [smem:$0x0];
	_ =	sdelay $0x2  }
0xb9: {  	s31 =	sshll.u32 s1, $0xD;
	s1 =	sshrl.u32 s1, $0x2  }
0xba: {  	s3 =	sand.u32 $0x4000, s31;
	s1 =	sadd.s32 s1, s30  }
0xbb: {  	s0 =	sor.u32 s3, s0;
	s1 =	sshll.u32 s1, $0x11  }
0xbc: {  	s0 =	sor.u32 s1, s0  }
0xbd: {  	s0 =	sadd.s32 $0x8F2B, s0  }
0xbe: {  	[sflag:s0] =	ssyncadd.remote.s32 $0x1  }
0xbf: {  	_ =	sfence.sel $0xFFFF  }
0xc0: {  	[dreg:$0x0] =	wrdreg $0xFFFFFFFF;
	(pc) =	sbr.abs _section_cstart, $3  }
0xc1: {  	[dreg:$0x1] =	wrdreg $0xFFFFFFFF  }
0xc2: {  	_ =	task.clear_ibuf [dreg:s7], $0x2FFFF;
	_ =	strace $0x9FFFFFFF  }
0xc3: {  	(tm) =	ssettm $0x7FFFFFFF  }
tec
execute0_lowered:
.L_overlay_start_1:
0x0: {  	(tag) =	ssettag $0x1  }
0x1: {  	s7 =	rddreg [dreg:$0x0]  }
0x2: {  	s2 =	rddreg [dreg:$0x1]  }
0x3: {  	s3 =	rddreg [dreg:$0x2]  }
0x4: {  	s0 =	rddreg [dreg:$0x3];
	s1 =	stileid.u32  }
0x5: {  	s5 =	srdreg.scid;
	s4 =	simm.s32 $0x0;
	s14 =	simm.s32 $0x1000  }
0x6: {  	s15 =	simm.s32 $0x80;
	s16 =	simm.s32 $0x2000;
	s17 =	simm.s32 $0x6000  }
0x7: {  	s18 =	simm.s32 $0x1;
	s19 =	simm.s32 $0x2;
	s21 =	simm.s32 $0x1F00  }
0x8: {  	s22 =	simm.s32 $0x1F80;
	s8 =	smul.u32 $0x14000, s1;
	s20 =	sand.u32 $0x1, s5  }
0x9: {  	[smem:$0x7FF] =	sst s4;
	s5 =	sadd.s32 $0xDE00, s7;
	s6 =	sadd.s32 $0x3E00, s7  }
0xa: {  	s26 =	smul.u32 $0x50000, s1;
	s30 =	sshll.u32 s1, $0x6;
	s31 =	sshll.u32 s1, $0xC  }
0xb: {  	s9 =	smul.u32 $0x140000, s20;
	_ =	strace $0x80000050;
	s11 =	ssub.s32 $0x2, s20  }
0xc: {  	p0 =	seq.s32 s20, $0x0;
	s10 =	sshrl.u32 s8, $0x3;
	s28 =	sshrl.u32 s11, $0x1  }
0xd: {  	s29 =	sshrl.u32 s26, $0x2;
	s8 =	sadd.s32 s8, s9;
	s10 =	sadd.s32 s10, s7  }
0xe: {  	s11 =	ssub.s32 s11, s28;
	s13 =	sadd.s32 s29, s3;
	s8 =	sshrl.u32 s8, $0x3  }
0xf: {  	s9 =	sor.u32 $0x40000, s31;
	s11 =	smax.u32 s11, $0x1;
	s12 =	sadd.s32 s8, s7  }
0x10: {  	s7 =	sadd.s32 $0x35E00, s10;
	s8 =	sor.u32 $0x1C03, s30;
	s10 =	sshll.u32 s1, $0xE  }
0x11: {  	s9 =	smov.u32 @p0 s10;
	s10 =	sadd.s32 $0x5DE00, s12;
	s12 =	sshrl.u32 s13, $0x3  }
0x12: {  	s13 =	simm.s32 $0x3;
	p0 =	sne.s32 s20, $0x0;
	s20 =	simm.s32 $0xF80  }
.LBB2_1:
0x13: {  	[spmem:s12], [sflag:s8] =	dma.local [hbm:s7], $0x2800  }
0x14: {  	_ =	swait.ge [sflag:s13], $0x2800  }
0x15: {  	[sflag:s13] =	ssyncset.done $0x0  }
0x16: {  	[sflag:s13] =	ssyncadd.s32 $0xFFFFD800  }
0x17: {  	s23 =	simm.s32 $0x0;
	[bflag:$0x0] =	sbarrier.arrive $0xFFFF  }
.LBB2_2:
0x18: {  	s24 =	sshll.u32 s23, $0xC  }
0x19: {  	s24 =	sadd.s32 s9, s24  }
0x1a: {  	s24 =	sshrl.u32 s24, $0x3  }
0x1b: {  	s26 =	simm.s32 $0x0;
	s25 =	sadd.s32 s2, s24  }
0x1c: {  	[tilespmem:s26], [sflag:$0x3] =	stream.linear.gather [hbm4b:s25+s26], $0x1000, $0x38;
	[tilespmem:$0x1E000] =	vst v63  }
0x1d: {  	_ =	swait.ge [sflag:s13], $0x1000  }
0x1e: {  	[sflag:s13] =	ssyncset.done $0x0  }
0x1f: {  	s24 =	sadd.s32 s6, s24;
	[sflag:s13] =	ssyncadd.s32 $0xFFFFF000  }
0x20: {  	[tilespmem:s14], [sflag:$0x3] =	stream.linear.gather [hbm4b:s24+s26], $0x1000, $0x38;
	[tilespmem:$0x1E000] =	vst v63  }
0x21: {  	_ =	swait.ge [sflag:s13], $0x1000  }
0x22: {  	[sflag:s13] =	ssyncset.done $0x0  }
0x23: {  	[sflag:s13] =	ssyncadd.s32 $0xFFFFF000  }
0x24: {  	[tilespmem:s16], [sflag:$0x1] =	stream.indirect.gather [hbm4b:s5+s15], $0x80, s26, s15, $0xb8;
	[tilespmem:$0x1E000] =	vst v63  }
0x25: {  	s28 =	simm.s32 $0x80  }
0x26: {  	[tilespmem:s17], [sflag:$0x2] =	stream.indirect.gather [hbm4b:s5+s15], $0x80, s28, s15, $0xb8;
	[tilespmem:$0x1E000] =	vst v63  }
0x27: {  	_ =	swait.ge [sflag:s18], $0x4000  }
0x28: {  	[sflag:s18] =	ssyncset.done $0x0  }
0x29: {  	s29 =	simm.s32 $0x1000;
	[sflag:s18] =	ssyncadd.s32 $0xFFFFC000  }
0x2a: {  	[spmem:s3] =	stream.indirect.scatter.add.f32 [tilespmem:s16], [sflag:$0x3], $0x80, s29, s15, $0xb8;
	[tilespmem:$0x1E000] =	vst v63  }
0x2b: {  	_ =	swait.ge [sflag:s13], $0x4000  }
0x2c: {  	[sflag:s13] =	ssyncset.done $0x0  }
0x2d: {  	s30 =	simm.s32 $0x100;
	[sflag:s13] =	ssyncadd.s32 $0xFFFFC000  }
0x2e: {  	[tilespmem:s16], [sflag:$0x1] =	stream.indirect.gather [hbm4b:s5+s15], $0x80, s30, s15, $0xb8;
	[tilespmem:$0x1E000] =	vst v63  }
0x2f: {  	_ =	swait.ge [sflag:s19], $0x4000  }
0x30: {  	[sflag:s19] =	ssyncset.done $0x0  }
0x31: {  	s31 =	simm.s32 $0x1080;
	[sflag:s19] =	ssyncadd.s32 $0xFFFFC000  }
0x32: {  	[spmem:s3] =	stream.indirect.scatter.add.f32 [tilespmem:s17], [sflag:$0x3], $0x80, s31, s15, $0xb8;
	[tilespmem:$0x1E000] =	vst v63  }
0x33: {  	_ =	swait.ge [sflag:s13], $0x4000  }
0x34: {  	s25 =	simm.s32 $0x800;
	s24 =	simm.s32 $0x100;
	[sflag:s13] =	ssyncset.done $0x0  }
.LBB2_3:
0x35: {  	s26 =	sadd.s32 $0x80, s24  }
0x36: {  	[sflag:s13] =	ssyncadd.s32 $0xFFFFC000;
	s28 =	smov.u32 s25;
	s29 =	sadd.s32 $0x400, s25  }
0x37: {  	[tilespmem:s17], [sflag:$0x2] =	stream.indirect.gather [hbm4b:s5+s15], $0x80, s26, s15, $0xb8;
	[tilespmem:$0x1E000] =	vst v63  }
0x38: {  	p1 =	sne.s32 s25, $0x3800;
	_ =	swait.ge [sflag:s18], $0x4000  }
0x39: {  	[sflag:s18] =	ssyncset.done $0x0  }
0x3a: {  	s25 =	sadd.s32 $0x1000, s24;
	[sflag:s18] =	ssyncadd.s32 $0xFFFFC000  }
0x3b: {  	[spmem:s3] =	stream.indirect.scatter.add.f32 [tilespmem:s16], [sflag:$0x3], $0x80, s25, s15, $0xb8;
	[tilespmem:$0x1E000] =	vst v63  }
0x3c: {  	_ =	swait.ge [sflag:s13], $0x4000  }
0x3d: {  	[sflag:s13] =	ssyncset.done $0x0  }
0x3e: {  	s25 =	sadd.s32 $0x100, s24;
	[sflag:s13] =	ssyncadd.s32 $0xFFFFC000  }
0x3f: {  	[tilespmem:s16], [sflag:$0x1] =	stream.indirect.gather [hbm4b:s5+s15], $0x80, s25, s15, $0xb8;
	[tilespmem:$0x1E000] =	vst v63  }
0x40: {  	_ =	swait.ge [sflag:s19], $0x4000  }
.Ltmp0:
0x41: {  	[sflag:s19] =	ssyncset.done $0x0;
	(pc) =	sbr.rel @p1 .LBB2_3-.Ltmp0, $4  }
0x42: {  	s24 =	sadd.s32 $0x1080, s24;
	[sflag:s19] =	ssyncadd.s32 $0xFFFFC000  }
0x43: {  	[spmem:s3] =	stream.indirect.scatter.add.f32 [tilespmem:s17], [sflag:$0x3], $0x80, s24, s15, $0xb8;
	[tilespmem:$0x1E000] =	vst v63  }
0x44: {  	_ =	swait.ge [sflag:s13], $0x4000  }
0x45: {  	s25 =	smov.u32 s29;
	s24 =	sshra.s32 s28, $0x2;
	[sflag:s13] =	ssyncset.done $0x0  }
0x46: {  	s25 =	sadd.s32 $0x80, s24;
	[sflag:s13] =	ssyncadd.s32 $0xFFFFC000  }
0x47: {  	[tilespmem:s17], [sflag:$0x2] =	stream.indirect.gather [hbm4b:s5+s15], $0x80, s25, s15, $0xb8;
	[tilespmem:$0x1E000] =	vst v63  }
0x48: {  	_ =	swait.ge [sflag:s18], $0x4000  }
0x49: {  	[sflag:s18] =	ssyncset.done $0x0  }
0x4a: {  	s29 =	sadd.s32 $0x1000, s24;
	[sflag:s18] =	ssyncadd.s32 $0xFFFFC000  }
0x4b: {  	[spmem:s3] =	stream.indirect.scatter.add.f32 [tilespmem:s16], [sflag:$0x3], $0x80, s29, s15, $0xb8;
	[tilespmem:$0x1E000] =	vst v63  }
0x4c: {  	_ =	swait.ge [sflag:s13], $0x4000  }
0x4d: {  	[sflag:s13] =	ssyncset.done $0x0  }
0x4e: {  	s30 =	sadd.s32 $0x100, s24;
	[sflag:s13] =	ssyncadd.s32 $0xFFFFC000  }
0x4f: {  	[tilespmem:s16], [sflag:$0x1] =	stream.indirect.gather [hbm4b:s5+s15], $0x80, s30, s15, $0xb8;
	[tilespmem:$0x1E000] =	vst v63  }
0x50: {  	_ =	swait.ge [sflag:s19], $0x4000  }
0x51: {  	[sflag:s19] =	ssyncset.done $0x0  }
0x52: {  	s31 =	sadd.s32 $0x1080, s24;
	[sflag:s19] =	ssyncadd.s32 $0xFFFFC000  }
0x53: {  	[spmem:s3] =	stream.indirect.scatter.add.f32 [tilespmem:s17], [sflag:$0x3], $0x80, s31, s15, $0xb8;
	[tilespmem:$0x1E000] =	vst v63  }
0x54: {  	_ =	swait.ge [sflag:s13], $0x4000  }
0x55: {  	[sflag:s13] =	ssyncset.done $0x0  }
0x56: {  	[sflag:s13] =	ssyncadd.s32 $0xFFFFC000  }
0x57: {  	[tilespmem:s17], [sflag:$0x2] =	stream.indirect.gather [hbm4b:s5+s15], $0x80, s20, s15, $0xb8;
	[tilespmem:$0x1E000] =	vst v63  }
0x58: {  	_ =	swait.ge [sflag:s18], $0x4000  }
0x59: {  	[sflag:s18] =	ssyncset.done $0x0  }
0x5a: {  	[sflag:s18] =	ssyncadd.s32 $0xFFFFC000  }
0x5b: {  	[spmem:s3] =	stream.indirect.scatter.add.f32 [tilespmem:s16], [sflag:$0x3], $0x80, s21, s15, $0xb8;
	[tilespmem:$0x1E000] =	vst v63  }
0x5c: {  	_ =	swait.ge [sflag:s13], $0x4000  }
0x5d: {  	[sflag:s13] =	ssyncset.done $0x0  }
0x5e: {  	[sflag:s13] =	ssyncadd.s32 $0xFFFFC000  }
0x5f: {  	p1 =	slt.u32 @!p0 s23, $0x3;
	_ =	swait.ge [sflag:s19], $0x4000  }
0x60: {  	p1 =	por p0, !p1;
	[sflag:s19] =	ssyncset.done $0x0  }
.Ltmp1:
0x61: {  	[sflag:s19] =	ssyncadd.s32 $0xFFFFC000;
	(pc) =	sbr.rel @!p1 .LBB2_2-.Ltmp1, $4  }
0x62: {  	[spmem:s3] =	stream.indirect.scatter.add.f32 [tilespmem:s17], [sflag:$0x3], $0x80, s22, s15, $0xb8;
	[tilespmem:$0x1E000] =	vst v63  }
0x63: {  	_ =	swait.ge [sflag:s13], $0x4000  }
0x64: {  	[sflag:s13] =	ssyncset.done $0x0  }
0x65: {  	s23 =	sadd.s32 $0x1, s23;
	[sflag:s13] =	ssyncadd.s32 $0xFFFFC000  }
0x66: {  	s4 =	sadd.s32 $0x1, s4  }
0x67: {  	p1 =	sne.s32 s4, s11  }
.Ltmp2:
0x68: {  	[bflag:$0x0] =	sbarrier.arrive $0xFFFF;
	(pc) =	sbr.rel @p1 .LBB2_1-.Ltmp2, $4  }
0x69: {  	[hbm:s10], [sflag:s8] =	dma.local [spmem:s12], $0x2800  }
0x6a: {  	_ =	swait.ge [sflag:s13], $0x2800  }
0x6b: {  	[sflag:s13] =	ssyncset.done $0x0  }
0x6c: {  	[sflag:s13] =	ssyncadd.s32 $0xFFFFD800  }
0x6d: {  	_ =	sfence.sel $0x180000  }
0x6e: {  	[bflag:$0x0] =	sbarrier.arrive $0xFFFF  }
0x6f: {  	p0 =	sne.s32 s1, $0x0;
	_ =	strace $0x90000050  }
0x70: {  	s0 =	sadd.s32 @!p0 $0x100000, s0;
	[bflag:$0x2] =	sbarrier.arrive $0xFFFF  }
0x71: {  	[sflag:s0] =	ssyncadd.tile.s32 @!p0 $0x1;
	_ =	shalt  }
.Lfunc_end2:
_tile_overlayer_lowered:
.L_overlay_start_2:
0x72: {  	(tag) =	ssettag $0x2  }
0x73: {  	s0 =	rddreg [dreg:$0x0];
	s2 =	stileid.u32  }
0x74: {  	s1 =	rddreg [dreg:$0x1];
	p0 =	sne.s32 s2, $0x0  }
0x75: {  	s3 =	rddreg [dreg:$0x2];
	[bflag:$0x3] =	sbarrier.arrive $0xFFFF;
	s2 =	simm.s32 @!p0 $0x1C03  }
0x76: {  	[timem:s3], [sflag:s2] =	dma.local @!p0 [hbm:s0], s1  }
0x77: {  	s0 =	simm.s32 @!p0 $0x3  }
0x78: {  	_ =	swait.ge @!p0 [sflag:s0], s1  }
0x79: {  	s1 =	ssub.s32 @!p0 $0x0, s1;
	[sflag:s0] =	ssyncset.done @!p0 $0x0  }
0x7a: {  	[sflag:s0] =	ssyncadd.s32 @!p0 s1  }
0x7b: {  	[bflag:$0x3] =	sbarrier.arrive $0xFFFF  }
0x7c: {  	_ =	shalt  }

</sc_bundles>
